<compile_context>
chip_gen: v7x
topology: tpu7x:2x2x1
jax: 0.10.2.dev20260603
libtpu: 0.0.44.dev20260713+nightly
codegen_flags: <defaults>
</compile_context>

<pallas_src>
import jax
import jax.numpy as jnp
from jax.experimental import pallas as pl
from jax.experimental.pallas import tpu as pltpu
from jax.experimental.pallas import tpu_sc as plsc

ROWS = 32


def kernel(predicate_indices, table):
    batch, hist = predicate_indices.shape
    embed_dim = table.shape[1]
    idx = predicate_indices.astype(jnp.int32)

    mesh = plsc.VectorSubcoreMesh(core_axis_name="c", subcore_axis_name="s")

    @pl.kernel(
        out_type=jax.ShapeDtypeStruct((batch, hist, embed_dim), table.dtype),
        mesh=mesh,
        scratch_types=[pltpu.SemaphoreType.DMA],
        compiler_params=pltpu.CompilerParams(use_tc_tiling_on_sc=False),
    )
    def gather_kernel(table_hbm, idx_hbm, out_hbm, sem):
        def body(idx_vmem, out_vmem):
            copies = [
                pltpu.async_copy(
                    table_hbm.at[idx_vmem.at[r]], out_vmem.at[r], sem
                )
                for r in range(ROWS)
            ]
            for c in copies:
                c.wait()

        pltpu.emit_pipeline(
            body,
            grid=(batch // ROWS,),
            in_specs=[pl.BlockSpec((ROWS, hist), index_map=lambda i: (i, 0))],
            out_specs=[
                pl.BlockSpec(
                    (ROWS, hist, embed_dim), index_map=lambda i: (i, 0, 0)
                )
            ],
            core_axis_name=("c", "s"),
            dimension_semantics=(pltpu.PARALLEL,),
        )(idx_hbm, out_hbm)

    return gather_kernel(table, idx)

# --- scband reference (transcript-rebuilt; emitter-appended) ---
"""Pipeline reference for scband-predicate-embedding-88673894793795 (READ-ONLY COPY).

The authoritative reference and input builder live on the scoring server;
editing this copy changes nothing except your own understanding.
"""

import jax, jax.numpy as jnp
import numpy as np

VOCAB_SIZE = 1000000
EMBED_DIM = 32
BATCH = 16384
HIST = 50


def setup_inputs(seed: int = 0) -> dict:
    key = jax.random.key(seed)
    k_idx, k_tab = jax.random.split(key)
    predicate_indices = jax.random.randint(k_idx, (BATCH, HIST), 0, VOCAB_SIZE, dtype=jnp.int64 if jax.config.jax_enable_x64 else jnp.int32)
    table = jax.random.normal(k_tab, (VOCAB_SIZE, EMBED_DIM), dtype=jnp.float32)
    return {"predicate_indices": predicate_indices, "table": table}


def reference(predicate_indices, table):
    # nn.Embedding forward: gather rows of the table by index
    return jnp.take(table, predicate_indices, axis=0)

if __name__ == "__main__":
    import jax
    _d = setup_inputs()
    print(jax.jit(kernel)(*tuple(_d.values())))

</pallas_src>

<mosaic_0001>
#map = affine_map<(d0, d1) -> (0, 0)>
#map1 = affine_map<(d0, d1) -> (0, 0, 0)>
module attributes {stable_mosaic.version = 14 : i64} {
  func.func @gather_kernel(%arg0: i32, %arg1: i32, %arg2: memref<1000000x32xf32, #tpu.memory_space<hbm>>, %arg3: memref<16384x50xi32, #tpu.memory_space<hbm>>, %arg4: memref<16384x50x32xf32, #tpu.memory_space<hbm>>, %arg5: memref<!tpu.dma_semaphore, #tpu.memory_space<semaphore_mem>>) attributes {dimension_semantics = [#tpu.dimension_semantics<core_parallel>, #tpu.dimension_semantics<subcore_parallel>], iteration_bounds = array<i64: 2, 16>, scalar_prefetch = 0 : i64, scratch_operands = 1 : i64, tpu.core_type = #tpu.core_type<sc_vector_subcore>, window_params = [{transform_indices = #map}, {transform_indices = #map}, {transform_indices = #map1}]} {
    %mul3A = arith.constant 1 : i32
    %mul3A_0 = arith.muli %arg1, %mul3A : i32
    %add3A = arith.constant 0 : i32
    %add3A_1 = arith.addi %add3A, %mul3A_0 : i32
    %mul3A_2 = arith.constant 16 : i32
    %mul3A_3 = arith.muli %arg0, %mul3A_2 : i32
    %add3A_4 = arith.addi %add3A_1, %mul3A_3 : i32
    %mul3A_5 = arith.constant 16 : i32
    %mul3A_6 = arith.muli %add3A_4, %mul3A_5 : i32
    "tpu.region"() ({
      %run_scoped3A = memref.alloca() : memref<2x32x50xi32, #tpu.memory_space<vmem>>
      %run_scoped3A_7 = tpu.sem_alloc : memref<2x!tpu.dma_semaphore, #tpu.memory_space<semaphore_mem>>
      %run_scoped3A_8 = memref.alloca() : memref<2x32x50x32xf32, #tpu.memory_space<vmem>>
      %run_scoped3A_9 = tpu.sem_alloc : memref<2x!tpu.dma_semaphore, #tpu.memory_space<semaphore_mem>>
      %add3A_10 = arith.constant 0 : i32
      %add3A_11 = arith.addi %add3A_10, %mul3A_6 : i32
      %select_n3A = arith.constant true
      %select_n3A_12 = arith.constant 0 : i32
      %select_n3A_13 = arith.constant -1 : i32
      %select_n3A_14 = arith.select %select_n3A, %select_n3A_13, %select_n3A_12 : i32
      %eq3A = arith.constant -1 : i32
      %eq3A_15 = arith.cmpi eq, %select_n3A_14, %eq3A : i32
      %select_n3A_16 = arith.constant 15 : i32
      %select_n3A_17 = arith.select %eq3A_15, %select_n3A_16, %select_n3A_14 : i32
      %add3A_18 = arith.addi %select_n3A_17, %mul3A_6 : i32
      %select_n3A_19 = arith.constant true
      %select_n3A_20 = arith.constant 0 : i32
      %select_n3A_21 = arith.constant 1 : i32
      %select_n3A_22 = arith.select %select_n3A_19, %select_n3A_21, %select_n3A_20 : i32
      %eq3A_23 = arith.constant 16 : i32
      %eq3A_24 = arith.cmpi eq, %select_n3A_22, %eq3A_23 : i32
      %select_n3A_25 = arith.constant 0 : i32
      %select_n3A_26 = arith.select %eq3A_24, %select_n3A_25, %select_n3A_22 : i32
      %add3A_27 = arith.addi %select_n3A_26, %mul3A_6 : i32
      %add3A_28 = arith.constant 1 : i32
      %add3A_29 = arith.addi %select_n3A_26, %add3A_28 : i32
      %select_n3A_30 = arith.constant true
      %select_n3A_31 = arith.select %select_n3A_30, %add3A_29, %select_n3A_26 : i32
      %eq3A_32 = arith.constant 16 : i32
      %eq3A_33 = arith.cmpi eq, %select_n3A_31, %eq3A_32 : i32
      %select_n3A_34 = arith.constant 0 : i32
      %select_n3A_35 = arith.select %eq3A_33, %select_n3A_34, %select_n3A_31 : i32
      %add3A_36 = arith.addi %select_n3A_35, %mul3A_6 : i32
      "tpu.trace_start"() <{level = 10 : i32, message = "ep_initialize_0"}> : () -> ()
      %rem3A = arith.constant 0 : i32
      %rem3A_37 = arith.constant 2 : i32
      %rem3A_38 = arith.remui %rem3A, %rem3A_37 : i32
      %mul3A_39 = arith.constant 32 : i32
      %mul3A_40 = arith.muli %mul3A_39, %add3A_11 : i32
      %dma_start3A = arith.constant 0 : i32
      %dma_start3A_41 = arith.constant 0 : i32
      %dma_start3A_42 = tpu.memref_slice %run_scoped3A[%rem3A_38, %dma_start3A, %dma_start3A_41] : memref<2x32x50xi32, #tpu.memory_space<vmem>> -> memref<1x32x50xi32, #tpu.memory_space<vmem>>
      %dma_start3A_43 = tpu.memref_squeeze %dma_start3A_42 : memref<1x32x50xi32, #tpu.memory_space<vmem>> -> memref<32x50xi32, #tpu.memory_space<vmem>>
      %dma_start3A_44 = arith.constant 0 : i32
      %dma_start3A_45 = tpu.memref_slice %arg3[%mul3A_40, %dma_start3A_44] : memref<16384x50xi32, #tpu.memory_space<hbm>> -> memref<32x50xi32, #tpu.memory_space<hbm>>
      %dma_start3A_46 = tpu.memref_slice %run_scoped3A_7[%rem3A_38] : memref<2x!tpu.dma_semaphore, #tpu.memory_space<semaphore_mem>> -> memref<1x!tpu.dma_semaphore, #tpu.memory_space<semaphore_mem>>
      %dma_start3A_47 = tpu.memref_squeeze %dma_start3A_46 : memref<1x!tpu.dma_semaphore, #tpu.memory_space<semaphore_mem>> -> memref<!tpu.dma_semaphore, #tpu.memory_space<semaphore_mem>>
      %dma_start3A_48 = arith.constant 0 : i32
      %dma_start3A_49 = arith.constant 0 : i32
      %dma_start3A_50 = tpu.memref_slice %run_scoped3A[%rem3A_38, %dma_start3A_48, %dma_start3A_49] : memref<2x32x50xi32, #tpu.memory_space<vmem>> -> memref<1x32x50xi32, #tpu.memory_space<vmem>>
      %dma_start3A_51 = tpu.memref_squeeze %dma_start3A_50 : memref<1x32x50xi32, #tpu.memory_space<vmem>> -> memref<32x50xi32, #tpu.memory_space<vmem>>
      %dma_start3A_52 = arith.constant 0 : i32
      %dma_start3A_53 = tpu.memref_slice %arg3[%mul3A_40, %dma_start3A_52] : memref<16384x50xi32, #tpu.memory_space<hbm>> -> memref<32x50xi32, #tpu.memory_space<hbm>>
      tpu.enqueue_dma source(%dma_start3A_53 : memref<32x50xi32, #tpu.memory_space<hbm>>) target(%dma_start3A_51 : memref<32x50xi32, #tpu.memory_space<vmem>>) target_semaphore(%dma_start3A_47 : memref<!tpu.dma_semaphore, #tpu.memory_space<semaphore_mem>>)
      %add3A_54 = arith.constant 0 : i32
      %add3A_55 = arith.constant 1 : i32
      %add3A_56 = arith.addi %add3A_54, %add3A_55 : i32
      %select_n3A_57 = arith.constant true
      %select_n3A_58 = arith.constant 0 : i32
      %select_n3A_59 = arith.select %select_n3A_57, %add3A_56, %select_n3A_58 : i32
      "tpu.trace_stop"() : () -> ()
      %scan3A = arith.constant 0 : i32
      %scan3A_60 = arith.constant 0 : i32
      %scan3A_61 = arith.constant 0 : i32
      %scan3A_62 = arith.constant 0 : i32
      %scan3A_63 = arith.constant 0 : i32
      %scan3A_64 = arith.constant 16 : i32
      %scan3A_65 = arith.addi %scan3A_63, %scan3A_64 : i32
      %scan3A_66 = arith.constant 1 : i32
      %scan3A_67:5 = scf.for %scan3A_125 = %scan3A_63 to %scan3A_65 step %scan3A_66 iter_args(%scan3A_126 = %select_n3A_59, %scan3A_127 = %scan3A, %scan3A_128 = %scan3A_60, %scan3A_129 = %scan3A_61, %scan3A_130 = %scan3A_62) -> (i32, i32, i32, i32, i32)  : i32 {
        %eq3A_131 = arith.constant 0 : i32
        %eq3A_132 = arith.cmpi eq, %scan3A_125, %eq3A_131 : i32
        %eq3A_133 = arith.constant 15 : i32
        %eq3A_134 = arith.cmpi eq, %scan3A_125, %eq3A_133 : i32
        %add3A_135 = arith.addi %scan3A_130, %mul3A_6 : i32
        %sub3A_136 = arith.constant 1 : i32
        %sub3A_137 = arith.subi %scan3A_130, %sub3A_136 : i32
        %select_n3A_138 = arith.constant true
        %select_n3A_139 = arith.select %select_n3A_138, %sub3A_137, %scan3A_130 : i32
        %eq3A_140 = arith.constant -1 : i32
        %eq3A_141 = arith.cmpi eq, %select_n3A_139, %eq3A_140 : i32
        %select_n3A_142 = arith.constant 15 : i32
        %select_n3A_143 = arith.select %eq3A_141, %select_n3A_142, %select_n3A_139 : i32
        %add3A_144 = arith.addi %select_n3A_143, %mul3A_6 : i32
        %add3A_145 = arith.constant 1 : i32
        %add3A_146 = arith.addi %scan3A_130, %add3A_145 : i32
        %select_n3A_147 = arith.constant true
        %select_n3A_148 = arith.select %select_n3A_147, %add3A_146, %scan3A_130 : i32
        %eq3A_149 = arith.constant 16 : i32
        %eq3A_150 = arith.cmpi eq, %select_n3A_148, %eq3A_149 : i32
        %select_n3A_151 = arith.constant 0 : i32
        %select_n3A_152 = arith.select %eq3A_150, %select_n3A_151, %select_n3A_148 : i32
        %add3A_153 = arith.addi %select_n3A_152, %mul3A_6 : i32
        %add3A_154 = arith.constant 1 : i32
        %add3A_155 = arith.addi %select_n3A_152, %add3A_154 : i32
        %select_n3A_156 = arith.constant true
        %select_n3A_157 = arith.select %select_n3A_156, %add3A_155, %select_n3A_152 : i32
        %eq3A_158 = arith.constant 16 : i32
        %eq3A_159 = arith.cmpi eq, %select_n3A_157, %eq3A_158 : i32
        %select_n3A_160 = arith.constant 0 : i32
        %select_n3A_161 = arith.select %eq3A_159, %select_n3A_160, %select_n3A_157 : i32
        %add3A_162 = arith.addi %select_n3A_161, %mul3A_6 : i32
        %ne3A = arith.cmpi ne, %add3A_135, %add3A_153 : i32
        %or3A = arith.constant false
        %or3A_163 = arith.ori %or3A, %ne3A : i1
        %or3A_164 = arith.constant false
        %or3A_165 = arith.ori %or3A_163, %or3A_164 : i1
        %ge3A = arith.constant 15 : i32
        %ge3A_166 = arith.cmpi sge, %scan3A_125, %ge3A : i32
        %not3A = arith.constant true
        %not3A_167 = arith.xori %ge3A_166, %not3A : i1
        %and3A = arith.andi %or3A_165, %not3A_167 : i1
        %convert_element_type3A = arith.extui %and3A : i1 to i32
        %cond3A = arith.constant 0 : i32
        %cond3A_168 = arith.cmpi ne, %convert_element_type3A, %cond3A : i32
        scf.if %cond3A_168 {
          "tpu.trace_start"() <{level = 10 : i32, message = "ep_copy_in"}> : () -> ()
          %rem3A_1629 = arith.constant 2 : i32
          %rem3A_1630 = arith.remui %scan3A_126, %rem3A_1629 : i32
          %mul3A_1631 = arith.constant 32 : i32
          %mul3A_1632 = arith.muli %mul3A_1631, %add3A_153 : i32
          %dma_start3A_1633 = arith.constant 0 : i32
          %dma_start3A_1634 = arith.constant 0 : i32
          %dma_start3A_1635 = tpu.memref_slice %run_scoped3A[%rem3A_1630, %dma_start3A_1633, %dma_start3A_1634] : memref<2x32x50xi32, #tpu.memory_space<vmem>> -> memref<1x32x50xi32, #tpu.memory_space<vmem>>
          %dma_start3A_1636 = tpu.memref_squeeze %dma_start3A_1635 : memref<1x32x50xi32, #tpu.memory_space<vmem>> -> memref<32x50xi32, #tpu.memory_space<vmem>>
          %dma_start3A_1637 = arith.constant 0 : i32
          %dma_start3A_1638 = tpu.memref_slice %arg3[%mul3A_1632, %dma_start3A_1637] : memref<16384x50xi32, #tpu.memory_space<hbm>> -> memref<32x50xi32, #tpu.memory_space<hbm>>
          %dma_start3A_1639 = tpu.memref_slice %run_scoped3A_7[%rem3A_1630] : memref<2x!tpu.dma_semaphore, #tpu.memory_space<semaphore_mem>> -> memref<1x!tpu.dma_semaphore, #tpu.memory_space<semaphore_mem>>
          %dma_start3A_1640 = tpu.memref_squeeze %dma_start3A_1639 : memref<1x!tpu.dma_semaphore, #tpu.memory_space<semaphore_mem>> -> memref<!tpu.dma_semaphore, #tpu.memory_space<semaphore_mem>>
          %dma_start3A_1641 = arith.constant 0 : i32
          %dma_start3A_1642 = arith.constant 0 : i32
          %dma_start3A_1643 = tpu.memref_slice %run_scoped3A[%rem3A_1630, %dma_start3A_1641, %dma_start3A_1642] : memref<2x32x50xi32, #tpu.memory_space<vmem>> -> memref<1x32x50xi32, #tpu.memory_space<vmem>>
          %dma_start3A_1644 = tpu.memref_squeeze %dma_start3A_1643 : memref<1x32x50xi32, #tpu.memory_space<vmem>> -> memref<32x50xi32, #tpu.memory_space<vmem>>
          %dma_start3A_1645 = arith.constant 0 : i32
          %dma_start3A_1646 = tpu.memref_slice %arg3[%mul3A_1632, %dma_start3A_1645] : memref<16384x50xi32, #tpu.memory_space<hbm>> -> memref<32x50xi32, #tpu.memory_space<hbm>>
          tpu.enqueue_dma source(%dma_start3A_1646 : memref<32x50xi32, #tpu.memory_space<hbm>>) target(%dma_start3A_1644 : memref<32x50xi32, #tpu.memory_space<vmem>>) target_semaphore(%dma_start3A_1640 : memref<!tpu.dma_semaphore, #tpu.memory_space<semaphore_mem>>)
          "tpu.trace_stop"() : () -> ()
        } else {
        }
        %and3A_169 = arith.constant true
        %and3A_170 = arith.andi %and3A, %and3A_169 : i1
        %add3A_171 = arith.constant 1 : i32
        %add3A_172 = arith.addi %scan3A_126, %add3A_171 : i32
        %select_n3A_173 = arith.select %and3A_170, %add3A_172, %scan3A_126 : i32
        %ne3A_174 = arith.cmpi ne, %add3A_135, %add3A_153 : i32
        %or3A_175 = arith.constant false
        %or3A_176 = arith.ori %or3A_175, %ne3A_174 : i1
        %or3A_177 = arith.constant false
        %or3A_178 = arith.ori %or3A_176, %or3A_177 : i1
        %or3A_179 = arith.constant false
        %or3A_180 = arith.ori %or3A_178, %or3A_179 : i1
        %ge3A_181 = arith.constant 15 : i32
        %ge3A_182 = arith.cmpi sge, %scan3A_125, %ge3A_181 : i32
        %not3A_183 = arith.constant true
        %not3A_184 = arith.xori %ge3A_182, %not3A_183 : i1
        %and3A_185 = arith.andi %or3A_180, %not3A_184 : i1
        %ne3A_186 = arith.cmpi ne, %add3A_135, %add3A_144 : i32
        %or3A_187 = arith.constant false
        %or3A_188 = arith.ori %or3A_187, %ne3A_186 : i1
        %or3A_189 = arith.constant false
        %or3A_190 = arith.ori %or3A_188, %or3A_189 : i1
        %or3A_191 = arith.ori %or3A_190, %eq3A_132 : i1
        %convert_element_type3A_192 = arith.extui %or3A_191 : i1 to i32
        %cond3A_193 = arith.constant 0 : i32
        %cond3A_194 = arith.cmpi ne, %convert_element_type3A_192, %cond3A_193 : i32
        scf.if %cond3A_194 {
          "tpu.trace_start"() <{level = 10 : i32, message = "ep_wait_in"}> : () -> ()
          %mul3A_1629 = arith.constant 32 : i32
          %mul3A_1630 = arith.muli %mul3A_1629, %add3A_135 : i32
          %rem3A_1631 = arith.constant 2 : i32
          %rem3A_1632 = arith.remui %scan3A_127, %rem3A_1631 : i32
          %dma_wait3A_1633 = arith.constant 0 : i32
          %dma_wait3A_1634 = arith.constant 0 : i32
          %dma_wait3A_1635 = tpu.memref_slice %run_scoped3A[%rem3A_1632, %dma_wait3A_1633, %dma_wait3A_1634] : memref<2x32x50xi32, #tpu.memory_space<vmem>> -> memref<1x32x50xi32, #tpu.memory_space<vmem>>
          %dma_wait3A_1636 = tpu.memref_squeeze %dma_wait3A_1635 : memref<1x32x50xi32, #tpu.memory_space<vmem>> -> memref<32x50xi32, #tpu.memory_space<vmem>>
          %dma_wait3A_1637 = arith.constant 0 : i32
          %dma_wait3A_1638 = tpu.memref_slice %arg3[%mul3A_1630, %dma_wait3A_1637] : memref<16384x50xi32, #tpu.memory_space<hbm>> -> memref<32x50xi32, #tpu.memory_space<hbm>>
          %dma_wait3A_1639 = tpu.memref_slice %run_scoped3A_7[%rem3A_1632] : memref<2x!tpu.dma_semaphore, #tpu.memory_space<semaphore_mem>> -> memref<1x!tpu.dma_semaphore, #tpu.memory_space<semaphore_mem>>
          %dma_wait3A_1640 = tpu.memref_squeeze %dma_wait3A_1639 : memref<1x!tpu.dma_semaphore, #tpu.memory_space<semaphore_mem>> -> memref<!tpu.dma_semaphore, #tpu.memory_space<semaphore_mem>>
          %dma_wait3A_1641 = arith.constant 0 : i32
          %dma_wait3A_1642 = arith.constant 0 : i32
          %dma_wait3A_1643 = tpu.memref_slice %run_scoped3A[%rem3A_1632, %dma_wait3A_1641, %dma_wait3A_1642] : memref<2x32x50xi32, #tpu.memory_space<vmem>> -> memref<1x32x50xi32, #tpu.memory_space<vmem>>
          %dma_wait3A_1644 = tpu.memref_squeeze %dma_wait3A_1643 : memref<1x32x50xi32, #tpu.memory_space<vmem>> -> memref<32x50xi32, #tpu.memory_space<vmem>>
          %dma_wait3A_1645 = arith.constant 0 : i32
          %dma_wait3A_1646 = tpu.memref_slice %arg3[%mul3A_1630, %dma_wait3A_1645] : memref<16384x50xi32, #tpu.memory_space<hbm>> -> memref<32x50xi32, #tpu.memory_space<hbm>>
          tpu.wait_dma2 semaphore(%dma_wait3A_1640 : memref<!tpu.dma_semaphore, #tpu.memory_space<semaphore_mem>>) src(%dma_wait3A_1646 : memref<32x50xi32, #tpu.memory_space<hbm>>) dst(%dma_wait3A_1644 : memref<32x50xi32, #tpu.memory_space<vmem>>)
          "tpu.trace_stop"() : () -> ()
        } else {
        }
        %ne3A_195 = arith.cmpi ne, %add3A_135, %add3A_144 : i32
        %or3A_196 = arith.constant false
        %or3A_197 = arith.ori %or3A_196, %ne3A_195 : i1
        %or3A_198 = arith.constant false
        %or3A_199 = arith.ori %or3A_197, %or3A_198 : i1
        %or3A_200 = arith.constant false
        %or3A_201 = arith.ori %or3A_199, %or3A_200 : i1
        %or3A_202 = arith.ori %or3A_201, %eq3A_132 : i1
        %convert_element_type3A_203 = arith.extui %or3A_202 : i1 to i32
        %cond3A_204 = arith.constant 0 : i32
        %cond3A_205 = arith.cmpi ne, %convert_element_type3A_203, %cond3A_204 : i32
        scf.if %cond3A_205 {
        } else {
        }
        %rem3A_206 = arith.constant 2 : i32
        %rem3A_207 = arith.remui %scan3A_127, %rem3A_206 : i32
        %rem3A_208 = arith.constant 2 : i32
        %rem3A_209 = arith.remui %scan3A_128, %rem3A_208 : i32
        %dma_start3A_210 = arith.constant 0 : i32
        %dma_start3A_211 = arith.constant 0 : i32
        "tpu.trace_start"() <{level = 10 : i32, message = "ep_run_kernel"}> : () -> ()
        %dma_start3A_212 = arith.constant 0 : i32
        %dma_start3A_213 = arith.constant 0 : i32
        %dma_start3A_214 = arith.constant 0 : i32
        %dma_start3A_215 = tpu.memref_slice %run_scoped3A_8[%rem3A_209, %dma_start3A_212, %dma_start3A_213, %dma_start3A_214] : memref<2x32x50x32xf32, #tpu.memory_space<vmem>> -> memref<1x32x50x32xf32, #tpu.memory_space<vmem>>
        %dma_start3A_216 = tpu.memref_squeeze %dma_start3A_215 : memref<1x32x50x32xf32, #tpu.memory_space<vmem>> -> memref<32x50x32xf32, #tpu.memory_space<vmem>>
        %dma_start3A_217 = arith.constant 0 : i32
        %dma_start3A_218 = arith.constant 0 : i32
        %dma_start3A_219 = tpu.memref_slice %dma_start3A_216[%dma_start3A_211, %dma_start3A_217, %dma_start3A_218] : memref<32x50x32xf32, #tpu.memory_space<vmem>> -> memref<1x50x32xf32, #tpu.memory_space<vmem>>
        %dma_start3A_220 = tpu.memref_squeeze %dma_start3A_219 : memref<1x50x32xf32, #tpu.memory_space<vmem>> -> memref<50x32xf32, #tpu.memory_space<vmem>>
        %dma_start3A_221 = arith.constant 0 : i32
        %dma_start3A_222 = arith.constant 0 : i32
        %dma_start3A_223 = tpu.memref_slice %run_scoped3A[%rem3A_207, %dma_start3A_221, %dma_start3A_222] : memref<2x32x50xi32, #tpu.memory_space<vmem>> -> memref<1x32x50xi32, #tpu.memory_space<vmem>>
        %dma_start3A_224 = tpu.memref_squeeze %dma_start3A_223 : memref<1x32x50xi32, #tpu.memory_space<vmem>> -> memref<32x50xi32, #tpu.memory_space<vmem>>
        %dma_start3A_225 = arith.constant 0 : i32
        %dma_start3A_226 = tpu.memref_slice %dma_start3A_224[%dma_start3A_210, %dma_start3A_225] : memref<32x50xi32, #tpu.memory_space<vmem>> -> memref<1x50xi32, #tpu.memory_space<vmem>>
        %dma_start3A_227 = tpu.memref_squeeze %dma_start3A_226 : memref<1x50xi32, #tpu.memory_space<vmem>> -> memref<50xi32, #tpu.memory_space<vmem>>
        %dma_start3A_228 = arith.constant 0 : i32
        %dma_start3A_229 = arith.constant 0 : i32
        %dma_start3A_230 = tpu.memref_slice %arg2[%dma_start3A_228, %dma_start3A_229] : memref<1000000x32xf32, #tpu.memory_space<hbm>> -> memref<1000000x32xf32, #tpu.memory_space<hbm>>
        tpu.enqueue_indirect_dma source(%dma_start3A_230 : memref<1000000x32xf32, #tpu.memory_space<hbm>>) target(%dma_start3A_220 : memref<50x32xf32, #tpu.memory_space<vmem>>) offsets(%dma_start3A_227 : memref<50xi32, #tpu.memory_space<vmem>>) semaphore(%arg5 : memref<!tpu.dma_semaphore, #tpu.memory_space<semaphore_mem>>)
        %dma_start3A_231 = arith.constant 1 : i32
        %dma_start3A_232 = arith.constant 1 : i32
        %dma_start3A_233 = arith.constant 0 : i32
        %dma_start3A_234 = arith.constant 0 : i32
        %dma_start3A_235 = arith.constant 0 : i32
        %dma_start3A_236 = tpu.memref_slice %run_scoped3A_8[%rem3A_209, %dma_start3A_233, %dma_start3A_234, %dma_start3A_235] : memref<2x32x50x32xf32, #tpu.memory_space<vmem>> -> memref<1x32x50x32xf32, #tpu.memory_space<vmem>>
        %dma_start3A_237 = tpu.memref_squeeze %dma_start3A_236 : memref<1x32x50x32xf32, #tpu.memory_space<vmem>> -> memref<32x50x32xf32, #tpu.memory_space<vmem>>
        %dma_start3A_238 = arith.constant 0 : i32
        %dma_start3A_239 = arith.constant 0 : i32
        %dma_start3A_240 = tpu.memref_slice %dma_start3A_237[%dma_start3A_232, %dma_start3A_238, %dma_start3A_239] : memref<32x50x32xf32, #tpu.memory_space<vmem>> -> memref<1x50x32xf32, #tpu.memory_space<vmem>>
        %dma_start3A_241 = tpu.memref_squeeze %dma_start3A_240 : memref<1x50x32xf32, #tpu.memory_space<vmem>> -> memref<50x32xf32, #tpu.memory_space<vmem>>
        %dma_start3A_242 = arith.constant 0 : i32
        %dma_start3A_243 = arith.constant 0 : i32
        %dma_start3A_244 = tpu.memref_slice %run_scoped3A[%rem3A_207, %dma_start3A_242, %dma_start3A_243] : memref<2x32x50xi32, #tpu.memory_space<vmem>> -> memref<1x32x50xi32, #tpu.memory_space<vmem>>
        %dma_start3A_245 = tpu.memref_squeeze %dma_start3A_244 : memref<1x32x50xi32, #tpu.memory_space<vmem>> -> memref<32x50xi32, #tpu.memory_space<vmem>>
        %dma_start3A_246 = arith.constant 0 : i32
        %dma_start3A_247 = tpu.memref_slice %dma_start3A_245[%dma_start3A_231, %dma_start3A_246] : memref<32x50xi32, #tpu.memory_space<vmem>> -> memref<1x50xi32, #tpu.memory_space<vmem>>
        %dma_start3A_248 = tpu.memref_squeeze %dma_start3A_247 : memref<1x50xi32, #tpu.memory_space<vmem>> -> memref<50xi32, #tpu.memory_space<vmem>>
        %dma_start3A_249 = arith.constant 0 : i32
        %dma_start3A_250 = arith.constant 0 : i32
        %dma_start3A_251 = tpu.memref_slice %arg2[%dma_start3A_249, %dma_start3A_250] : memref<1000000x32xf32, #tpu.memory_space<hbm>> -> memref<1000000x32xf32, #tpu.memory_space<hbm>>
        tpu.enqueue_indirect_dma source(%dma_start3A_251 : memref<1000000x32xf32, #tpu.memory_space<hbm>>) target(%dma_start3A_241 : memref<50x32xf32, #tpu.memory_space<vmem>>) offsets(%dma_start3A_248 : memref<50xi32, #tpu.memory_space<vmem>>) semaphore(%arg5 : memref<!tpu.dma_semaphore, #tpu.memory_space<semaphore_mem>>)
        %dma_start3A_252 = arith.constant 2 : i32
        %dma_start3A_253 = arith.constant 2 : i32
        %dma_start3A_254 = arith.constant 0 : i32
        %dma_start3A_255 = arith.constant 0 : i32
        %dma_start3A_256 = arith.constant 0 : i32
        %dma_start3A_257 = tpu.memref_slice %run_scoped3A_8[%rem3A_209, %dma_start3A_254, %dma_start3A_255, %dma_start3A_256] : memref<2x32x50x32xf32, #tpu.memory_space<vmem>> -> memref<1x32x50x32xf32, #tpu.memory_space<vmem>>
        %dma_start3A_258 = tpu.memref_squeeze %dma_start3A_257 : memref<1x32x50x32xf32, #tpu.memory_space<vmem>> -> memref<32x50x32xf32, #tpu.memory_space<vmem>>
        %dma_start3A_259 = arith.constant 0 : i32
        %dma_start3A_260 = arith.constant 0 : i32
        %dma_start3A_261 = tpu.memref_slice %dma_start3A_258[%dma_start3A_253, %dma_start3A_259, %dma_start3A_260] : memref<32x50x32xf32, #tpu.memory_space<vmem>> -> memref<1x50x32xf32, #tpu.memory_space<vmem>>
        %dma_start3A_262 = tpu.memref_squeeze %dma_start3A_261 : memref<1x50x32xf32, #tpu.memory_space<vmem>> -> memref<50x32xf32, #tpu.memory_space<vmem>>
        %dma_start3A_263 = arith.constant 0 : i32
        %dma_start3A_264 = arith.constant 0 : i32
        %dma_start3A_265 = tpu.memref_slice %run_scoped3A[%rem3A_207, %dma_start3A_263, %dma_start3A_264] : memref<2x32x50xi32, #tpu.memory_space<vmem>> -> memref<1x32x50xi32, #tpu.memory_space<vmem>>
        %dma_start3A_266 = tpu.memref_squeeze %dma_start3A_265 : memref<1x32x50xi32, #tpu.memory_space<vmem>> -> memref<32x50xi32, #tpu.memory_space<vmem>>
        %dma_start3A_267 = arith.constant 0 : i32
        %dma_start3A_268 = tpu.memref_slice %dma_start3A_266[%dma_start3A_252, %dma_start3A_267] : memref<32x50xi32, #tpu.memory_space<vmem>> -> memref<1x50xi32, #tpu.memory_space<vmem>>
        %dma_start3A_269 = tpu.memref_squeeze %dma_start3A_268 : memref<1x50xi32, #tpu.memory_space<vmem>> -> memref<50xi32, #tpu.memory_space<vmem>>
        %dma_start3A_270 = arith.constant 0 : i32
        %dma_start3A_271 = arith.constant 0 : i32
        %dma_start3A_272 = tpu.memref_slice %arg2[%dma_start3A_270, %dma_start3A_271] : memref<1000000x32xf32, #tpu.memory_space<hbm>> -> memref<1000000x32xf32, #tpu.memory_space<hbm>>
        tpu.enqueue_indirect_dma source(%dma_start3A_272 : memref<1000000x32xf32, #tpu.memory_space<hbm>>) target(%dma_start3A_262 : memref<50x32xf32, #tpu.memory_space<vmem>>) offsets(%dma_start3A_269 : memref<50xi32, #tpu.memory_space<vmem>>) semaphore(%arg5 : memref<!tpu.dma_semaphore, #tpu.memory_space<semaphore_mem>>)
        %dma_start3A_273 = arith.constant 3 : i32
        %dma_start3A_274 = arith.constant 3 : i32
        %dma_start3A_275 = arith.constant 0 : i32
        %dma_start3A_276 = arith.constant 0 : i32
        %dma_start3A_277 = arith.constant 0 : i32
        %dma_start3A_278 = tpu.memref_slice %run_scoped3A_8[%rem3A_209, %dma_start3A_275, %dma_start3A_276, %dma_start3A_277] : memref<2x32x50x32xf32, #tpu.memory_space<vmem>> -> memref<1x32x50x32xf32, #tpu.memory_space<vmem>>
        %dma_start3A_279 = tpu.memref_squeeze %dma_start3A_278 : memref<1x32x50x32xf32, #tpu.memory_space<vmem>> -> memref<32x50x32xf32, #tpu.memory_space<vmem>>
        %dma_start3A_280 = arith.constant 0 : i32
        %dma_start3A_281 = arith.constant 0 : i32
        %dma_start3A_282 = tpu.memref_slice %dma_start3A_279[%dma_start3A_274, %dma_start3A_280, %dma_start3A_281] : memref<32x50x32xf32, #tpu.memory_space<vmem>> -> memref<1x50x32xf32, #tpu.memory_space<vmem>>
        %dma_start3A_283 = tpu.memref_squeeze %dma_start3A_282 : memref<1x50x32xf32, #tpu.memory_space<vmem>> -> memref<50x32xf32, #tpu.memory_space<vmem>>
        %dma_start3A_284 = arith.constant 0 : i32
        %dma_start3A_285 = arith.constant 0 : i32
        %dma_start3A_286 = tpu.memref_slice %run_scoped3A[%rem3A_207, %dma_start3A_284, %dma_start3A_285] : memref<2x32x50xi32, #tpu.memory_space<vmem>> -> memref<1x32x50xi32, #tpu.memory_space<vmem>>
        %dma_start3A_287 = tpu.memref_squeeze %dma_start3A_286 : memref<1x32x50xi32, #tpu.memory_space<vmem>> -> memref<32x50xi32, #tpu.memory_space<vmem>>
        %dma_start3A_288 = arith.constant 0 : i32
        %dma_start3A_289 = tpu.memref_slice %dma_start3A_287[%dma_start3A_273, %dma_start3A_288] : memref<32x50xi32, #tpu.memory_space<vmem>> -> memref<1x50xi32, #tpu.memory_space<vmem>>
        %dma_start3A_290 = tpu.memref_squeeze %dma_start3A_289 : memref<1x50xi32, #tpu.memory_space<vmem>> -> memref<50xi32, #tpu.memory_space<vmem>>
        %dma_start3A_291 = arith.constant 0 : i32
        %dma_start3A_292 = arith.constant 0 : i32
        %dma_start3A_293 = tpu.memref_slice %arg2[%dma_start3A_291, %dma_start3A_292] : memref<1000000x32xf32, #tpu.memory_space<hbm>> -> memref<1000000x32xf32, #tpu.memory_space<hbm>>
        tpu.enqueue_indirect_dma source(%dma_start3A_293 : memref<1000000x32xf32, #tpu.memory_space<hbm>>) target(%dma_start3A_283 : memref<50x32xf32, #tpu.memory_space<vmem>>) offsets(%dma_start3A_290 : memref<50xi32, #tpu.memory_space<vmem>>) semaphore(%arg5 : memref<!tpu.dma_semaphore, #tpu.memory_space<semaphore_mem>>)
        %dma_start3A_294 = arith.constant 4 : i32
        %dma_start3A_295 = arith.constant 4 : i32
        %dma_start3A_296 = arith.constant 0 : i32
        %dma_start3A_297 = arith.constant 0 : i32
        %dma_start3A_298 = arith.constant 0 : i32
        %dma_start3A_299 = tpu.memref_slice %run_scoped3A_8[%rem3A_209, %dma_start3A_296, %dma_start3A_297, %dma_start3A_298] : memref<2x32x50x32xf32, #tpu.memory_space<vmem>> -> memref<1x32x50x32xf32, #tpu.memory_space<vmem>>
        %dma_start3A_300 = tpu.memref_squeeze %dma_start3A_299 : memref<1x32x50x32xf32, #tpu.memory_space<vmem>> -> memref<32x50x32xf32, #tpu.memory_space<vmem>>
        %dma_start3A_301 = arith.constant 0 : i32
        %dma_start3A_302 = arith.constant 0 : i32
        %dma_start3A_303 = tpu.memref_slice %dma_start3A_300[%dma_start3A_295, %dma_start3A_301, %dma_start3A_302] : memref<32x50x32xf32, #tpu.memory_space<vmem>> -> memref<1x50x32xf32, #tpu.memory_space<vmem>>
        %dma_start3A_304 = tpu.memref_squeeze %dma_start3A_303 : memref<1x50x32xf32, #tpu.memory_space<vmem>> -> memref<50x32xf32, #tpu.memory_space<vmem>>
        %dma_start3A_305 = arith.constant 0 : i32
        %dma_start3A_306 = arith.constant 0 : i32
        %dma_start3A_307 = tpu.memref_slice %run_scoped3A[%rem3A_207, %dma_start3A_305, %dma_start3A_306] : memref<2x32x50xi32, #tpu.memory_space<vmem>> -> memref<1x32x50xi32, #tpu.memory_space<vmem>>
        %dma_start3A_308 = tpu.memref_squeeze %dma_start3A_307 : memref<1x32x50xi32, #tpu.memory_space<vmem>> -> memref<32x50xi32, #tpu.memory_space<vmem>>
        %dma_start3A_309 = arith.constant 0 : i32
        %dma_start3A_310 = tpu.memref_slice %dma_start3A_308[%dma_start3A_294, %dma_start3A_309] : memref<32x50xi32, #tpu.memory_space<vmem>> -> memref<1x50xi32, #tpu.memory_space<vmem>>
        %dma_start3A_311 = tpu.memref_squeeze %dma_start3A_310 : memref<1x50xi32, #tpu.memory_space<vmem>> -> memref<50xi32, #tpu.memory_space<vmem>>
        %dma_start3A_312 = arith.constant 0 : i32
        %dma_start3A_313 = arith.constant 0 : i32
        %dma_start3A_314 = tpu.memref_slice %arg2[%dma_start3A_312, %dma_start3A_313] : memref<1000000x32xf32, #tpu.memory_space<hbm>> -> memref<1000000x32xf32, #tpu.memory_space<hbm>>
        tpu.enqueue_indirect_dma source(%dma_start3A_314 : memref<1000000x32xf32, #tpu.memory_space<hbm>>) target(%dma_start3A_304 : memref<50x32xf32, #tpu.memory_space<vmem>>) offsets(%dma_start3A_311 : memref<50xi32, #tpu.memory_space<vmem>>) semaphore(%arg5 : memref<!tpu.dma_semaphore, #tpu.memory_space<semaphore_mem>>)
        %dma_start3A_315 = arith.constant 5 : i32
        %dma_start3A_316 = arith.constant 5 : i32
        %dma_start3A_317 = arith.constant 0 : i32
        %dma_start3A_318 = arith.constant 0 : i32
        %dma_start3A_319 = arith.constant 0 : i32
        %dma_start3A_320 = tpu.memref_slice %run_scoped3A_8[%rem3A_209, %dma_start3A_317, %dma_start3A_318, %dma_start3A_319] : memref<2x32x50x32xf32, #tpu.memory_space<vmem>> -> memref<1x32x50x32xf32, #tpu.memory_space<vmem>>
        %dma_start3A_321 = tpu.memref_squeeze %dma_start3A_320 : memref<1x32x50x32xf32, #tpu.memory_space<vmem>> -> memref<32x50x32xf32, #tpu.memory_space<vmem>>
        %dma_start3A_322 = arith.constant 0 : i32
        %dma_start3A_323 = arith.constant 0 : i32
        %dma_start3A_324 = tpu.memref_slice %dma_start3A_321[%dma_start3A_316, %dma_start3A_322, %dma_start3A_323] : memref<32x50x32xf32, #tpu.memory_space<vmem>> -> memref<1x50x32xf32, #tpu.memory_space<vmem>>
        %dma_start3A_325 = tpu.memref_squeeze %dma_start3A_324 : memref<1x50x32xf32, #tpu.memory_space<vmem>> -> memref<50x32xf32, #tpu.memory_space<vmem>>
        %dma_start3A_326 = arith.constant 0 : i32
        %dma_start3A_327 = arith.constant 0 : i32
        %dma_start3A_328 = tpu.memref_slice %run_scoped3A[%rem3A_207, %dma_start3A_326, %dma_start3A_327] : memref<2x32x50xi32, #tpu.memory_space<vmem>> -> memref<1x32x50xi32, #tpu.memory_space<vmem>>
        %dma_start3A_329 = tpu.memref_squeeze %dma_start3A_328 : memref<1x32x50xi32, #tpu.memory_space<vmem>> -> memref<32x50xi32, #tpu.memory_space<vmem>>
        %dma_start3A_330 = arith.constant 0 : i32
        %dma_start3A_331 = tpu.memref_slice %dma_start3A_329[%dma_start3A_315, %dma_start3A_330] : memref<32x50xi32, #tpu.memory_space<vmem>> -> memref<1x50xi32, #tpu.memory_space<vmem>>
        %dma_start3A_332 = tpu.memref_squeeze %dma_start3A_331 : memref<1x50xi32, #tpu.memory_space<vmem>> -> memref<50xi32, #tpu.memory_space<vmem>>
        %dma_start3A_333 = arith.constant 0 : i32
        %dma_start3A_334 = arith.constant 0 : i32
        %dma_start3A_335 = tpu.memref_slice %arg2[%dma_start3A_333, %dma_start3A_334] : memref<1000000x32xf32, #tpu.memory_space<hbm>> -> memref<1000000x32xf32, #tpu.memory_space<hbm>>
        tpu.enqueue_indirect_dma source(%dma_start3A_335 : memref<1000000x32xf32, #tpu.memory_space<hbm>>) target(%dma_start3A_325 : memref<50x32xf32, #tpu.memory_space<vmem>>) offsets(%dma_start3A_332 : memref<50xi32, #tpu.memory_space<vmem>>) semaphore(%arg5 : memref<!tpu.dma_semaphore, #tpu.memory_space<semaphore_mem>>)
        %dma_start3A_336 = arith.constant 6 : i32
        %dma_start3A_337 = arith.constant 6 : i32
        %dma_start3A_338 = arith.constant 0 : i32
        %dma_start3A_339 = arith.constant 0 : i32
        %dma_start3A_340 = arith.constant 0 : i32
        %dma_start3A_341 = tpu.memref_slice %run_scoped3A_8[%rem3A_209, %dma_start3A_338, %dma_start3A_339, %dma_start3A_340] : memref<2x32x50x32xf32, #tpu.memory_space<vmem>> -> memref<1x32x50x32xf32, #tpu.memory_space<vmem>>
        %dma_start3A_342 = tpu.memref_squeeze %dma_start3A_341 : memref<1x32x50x32xf32, #tpu.memory_space<vmem>> -> memref<32x50x32xf32, #tpu.memory_space<vmem>>
        %dma_start3A_343 = arith.constant 0 : i32
        %dma_start3A_344 = arith.constant 0 : i32
        %dma_start3A_345 = tpu.memref_slice %dma_start3A_342[%dma_start3A_337, %dma_start3A_343, %dma_start3A_344] : memref<32x50x32xf32, #tpu.memory_space<vmem>> -> memref<1x50x32xf32, #tpu.memory_space<vmem>>
        %dma_start3A_346 = tpu.memref_squeeze %dma_start3A_345 : memref<1x50x32xf32, #tpu.memory_space<vmem>> -> memref<50x32xf32, #tpu.memory_space<vmem>>
        %dma_start3A_347 = arith.constant 0 : i32
        %dma_start3A_348 = arith.constant 0 : i32
        %dma_start3A_349 = tpu.memref_slice %run_scoped3A[%rem3A_207, %dma_start3A_347, %dma_start3A_348] : memref<2x32x50xi32, #tpu.memory_space<vmem>> -> memref<1x32x50xi32, #tpu.memory_space<vmem>>
        %dma_start3A_350 = tpu.memref_squeeze %dma_start3A_349 : memref<1x32x50xi32, #tpu.memory_space<vmem>> -> memref<32x50xi32, #tpu.memory_space<vmem>>
        %dma_start3A_351 = arith.constant 0 : i32
        %dma_start3A_352 = tpu.memref_slice %dma_start3A_350[%dma_start3A_336, %dma_start3A_351] : memref<32x50xi32, #tpu.memory_space<vmem>> -> memref<1x50xi32, #tpu.memory_space<vmem>>
        %dma_start3A_353 = tpu.memref_squeeze %dma_start3A_352 : memref<1x50xi32, #tpu.memory_space<vmem>> -> memref<50xi32, #tpu.memory_space<vmem>>
        %dma_start3A_354 = arith.constant 0 : i32
        %dma_start3A_355 = arith.constant 0 : i32
        %dma_start3A_356 = tpu.memref_slice %arg2[%dma_start3A_354, %dma_start3A_355] : memref<1000000x32xf32, #tpu.memory_space<hbm>> -> memref<1000000x32xf32, #tpu.memory_space<hbm>>
        tpu.enqueue_indirect_dma source(%dma_start3A_356 : memref<1000000x32xf32, #tpu.memory_space<hbm>>) target(%dma_start3A_346 : memref<50x32xf32, #tpu.memory_space<vmem>>) offsets(%dma_start3A_353 : memref<50xi32, #tpu.memory_space<vmem>>) semaphore(%arg5 : memref<!tpu.dma_semaphore, #tpu.memory_space<semaphore_mem>>)
        %dma_start3A_357 = arith.constant 7 : i32
        %dma_start3A_358 = arith.constant 7 : i32
        %dma_start3A_359 = arith.constant 0 : i32
        %dma_start3A_360 = arith.constant 0 : i32
        %dma_start3A_361 = arith.constant 0 : i32
        %dma_start3A_362 = tpu.memref_slice %run_scoped3A_8[%rem3A_209, %dma_start3A_359, %dma_start3A_360, %dma_start3A_361] : memref<2x32x50x32xf32, #tpu.memory_space<vmem>> -> memref<1x32x50x32xf32, #tpu.memory_space<vmem>>
        %dma_start3A_363 = tpu.memref_squeeze %dma_start3A_362 : memref<1x32x50x32xf32, #tpu.memory_space<vmem>> -> memref<32x50x32xf32, #tpu.memory_space<vmem>>
        %dma_start3A_364 = arith.constant 0 : i32
        %dma_start3A_365 = arith.constant 0 : i32
        %dma_start3A_366 = tpu.memref_slice %dma_start3A_363[%dma_start3A_358, %dma_start3A_364, %dma_start3A_365] : memref<32x50x32xf32, #tpu.memory_space<vmem>> -> memref<1x50x32xf32, #tpu.memory_space<vmem>>
        %dma_start3A_367 = tpu.memref_squeeze %dma_start3A_366 : memref<1x50x32xf32, #tpu.memory_space<vmem>> -> memref<50x32xf32, #tpu.memory_space<vmem>>
        %dma_start3A_368 = arith.constant 0 : i32
        %dma_start3A_369 = arith.constant 0 : i32
        %dma_start3A_370 = tpu.memref_slice %run_scoped3A[%rem3A_207, %dma_start3A_368, %dma_start3A_369] : memref<2x32x50xi32, #tpu.memory_space<vmem>> -> memref<1x32x50xi32, #tpu.memory_space<vmem>>
        %dma_start3A_371 = tpu.memref_squeeze %dma_start3A_370 : memref<1x32x50xi32, #tpu.memory_space<vmem>> -> memref<32x50xi32, #tpu.memory_space<vmem>>
        %dma_start3A_372 = arith.constant 0 : i32
        %dma_start3A_373 = tpu.memref_slice %dma_start3A_371[%dma_start3A_357, %dma_start3A_372] : memref<32x50xi32, #tpu.memory_space<vmem>> -> memref<1x50xi32, #tpu.memory_space<vmem>>
        %dma_start3A_374 = tpu.memref_squeeze %dma_start3A_373 : memref<1x50xi32, #tpu.memory_space<vmem>> -> memref<50xi32, #tpu.memory_space<vmem>>
        %dma_start3A_375 = arith.constant 0 : i32
        %dma_start3A_376 = arith.constant 0 : i32
        %dma_start3A_377 = tpu.memref_slice %arg2[%dma_start3A_375, %dma_start3A_376] : memref<1000000x32xf32, #tpu.memory_space<hbm>> -> memref<1000000x32xf32, #tpu.memory_space<hbm>>
        tpu.enqueue_indirect_dma source(%dma_start3A_377 : memref<1000000x32xf32, #tpu.memory_space<hbm>>) target(%dma_start3A_367 : memref<50x32xf32, #tpu.memory_space<vmem>>) offsets(%dma_start3A_374 : memref<50xi32, #tpu.memory_space<vmem>>) semaphore(%arg5 : memref<!tpu.dma_semaphore, #tpu.memory_space<semaphore_mem>>)
        %dma_start3A_378 = arith.constant 8 : i32
        %dma_start3A_379 = arith.constant 8 : i32
        %dma_start3A_380 = arith.constant 0 : i32
        %dma_start3A_381 = arith.constant 0 : i32
        %dma_start3A_382 = arith.constant 0 : i32
        %dma_start3A_383 = tpu.memref_slice %run_scoped3A_8[%rem3A_209, %dma_start3A_380, %dma_start3A_381, %dma_start3A_382] : memref<2x32x50x32xf32, #tpu.memory_space<vmem>> -> memref<1x32x50x32xf32, #tpu.memory_space<vmem>>
        %dma_start3A_384 = tpu.memref_squeeze %dma_start3A_383 : memref<1x32x50x32xf32, #tpu.memory_space<vmem>> -> memref<32x50x32xf32, #tpu.memory_space<vmem>>
        %dma_start3A_385 = arith.constant 0 : i32
        %dma_start3A_386 = arith.constant 0 : i32
        %dma_start3A_387 = tpu.memref_slice %dma_start3A_384[%dma_start3A_379, %dma_start3A_385, %dma_start3A_386] : memref<32x50x32xf32, #tpu.memory_space<vmem>> -> memref<1x50x32xf32, #tpu.memory_space<vmem>>
        %dma_start3A_388 = tpu.memref_squeeze %dma_start3A_387 : memref<1x50x32xf32, #tpu.memory_space<vmem>> -> memref<50x32xf32, #tpu.memory_space<vmem>>
        %dma_start3A_389 = arith.constant 0 : i32
        %dma_start3A_390 = arith.constant 0 : i32
        %dma_start3A_391 = tpu.memref_slice %run_scoped3A[%rem3A_207, %dma_start3A_389, %dma_start3A_390] : memref<2x32x50xi32, #tpu.memory_space<vmem>> -> memref<1x32x50xi32, #tpu.memory_space<vmem>>
        %dma_start3A_392 = tpu.memref_squeeze %dma_start3A_391 : memref<1x32x50xi32, #tpu.memory_space<vmem>> -> memref<32x50xi32, #tpu.memory_space<vmem>>
        %dma_start3A_393 = arith.constant 0 : i32
        %dma_start3A_394 = tpu.memref_slice %dma_start3A_392[%dma_start3A_378, %dma_start3A_393] : memref<32x50xi32, #tpu.memory_space<vmem>> -> memref<1x50xi32, #tpu.memory_space<vmem>>
        %dma_start3A_395 = tpu.memref_squeeze %dma_start3A_394 : memref<1x50xi32, #tpu.memory_space<vmem>> -> memref<50xi32, #tpu.memory_space<vmem>>
        %dma_start3A_396 = arith.constant 0 : i32
        %dma_start3A_397 = arith.constant 0 : i32
        %dma_start3A_398 = tpu.memref_slice %arg2[%dma_start3A_396, %dma_start3A_397] : memref<1000000x32xf32, #tpu.memory_space<hbm>> -> memref<1000000x32xf32, #tpu.memory_space<hbm>>
        tpu.enqueue_indirect_dma source(%dma_start3A_398 : memref<1000000x32xf32, #tpu.memory_space<hbm>>) target(%dma_start3A_388 : memref<50x32xf32, #tpu.memory_space<vmem>>) offsets(%dma_start3A_395 : memref<50xi32, #tpu.memory_space<vmem>>) semaphore(%arg5 : memref<!tpu.dma_semaphore, #tpu.memory_space<semaphore_mem>>)
        %dma_start3A_399 = arith.constant 9 : i32
        %dma_start3A_400 = arith.constant 9 : i32
        %dma_start3A_401 = arith.constant 0 : i32
        %dma_start3A_402 = arith.constant 0 : i32
        %dma_start3A_403 = arith.constant 0 : i32
        %dma_start3A_404 = tpu.memref_slice %run_scoped3A_8[%rem3A_209, %dma_start3A_401, %dma_start3A_402, %dma_start3A_403] : memref<2x32x50x32xf32, #tpu.memory_space<vmem>> -> memref<1x32x50x32xf32, #tpu.memory_space<vmem>>
        %dma_start3A_405 = tpu.memref_squeeze %dma_start3A_404 : memref<1x32x50x32xf32, #tpu.memory_space<vmem>> -> memref<32x50x32xf32, #tpu.memory_space<vmem>>
        %dma_start3A_406 = arith.constant 0 : i32
        %dma_start3A_407 = arith.constant 0 : i32
        %dma_start3A_408 = tpu.memref_slice %dma_start3A_405[%dma_start3A_400, %dma_start3A_406, %dma_start3A_407] : memref<32x50x32xf32, #tpu.memory_space<vmem>> -> memref<1x50x32xf32, #tpu.memory_space<vmem>>
        %dma_start3A_409 = tpu.memref_squeeze %dma_start3A_408 : memref<1x50x32xf32, #tpu.memory_space<vmem>> -> memref<50x32xf32, #tpu.memory_space<vmem>>
        %dma_start3A_410 = arith.constant 0 : i32
        %dma_start3A_411 = arith.constant 0 : i32
        %dma_start3A_412 = tpu.memref_slice %run_scoped3A[%rem3A_207, %dma_start3A_410, %dma_start3A_411] : memref<2x32x50xi32, #tpu.memory_space<vmem>> -> memref<1x32x50xi32, #tpu.memory_space<vmem>>
        %dma_start3A_413 = tpu.memref_squeeze %dma_start3A_412 : memref<1x32x50xi32, #tpu.memory_space<vmem>> -> memref<32x50xi32, #tpu.memory_space<vmem>>
        %dma_start3A_414 = arith.constant 0 : i32
        %dma_start3A_415 = tpu.memref_slice %dma_start3A_413[%dma_start3A_399, %dma_start3A_414] : memref<32x50xi32, #tpu.memory_space<vmem>> -> memref<1x50xi32, #tpu.memory_space<vmem>>
        %dma_start3A_416 = tpu.memref_squeeze %dma_start3A_415 : memref<1x50xi32, #tpu.memory_space<vmem>> -> memref<50xi32, #tpu.memory_space<vmem>>
        %dma_start3A_417 = arith.constant 0 : i32
        %dma_start3A_418 = arith.constant 0 : i32
        %dma_start3A_419 = tpu.memref_slice %arg2[%dma_start3A_417, %dma_start3A_418] : memref<1000000x32xf32, #tpu.memory_space<hbm>> -> memref<1000000x32xf32, #tpu.memory_space<hbm>>
        tpu.enqueue_indirect_dma source(%dma_start3A_419 : memref<1000000x32xf32, #tpu.memory_space<hbm>>) target(%dma_start3A_409 : memref<50x32xf32, #tpu.memory_space<vmem>>) offsets(%dma_start3A_416 : memref<50xi32, #tpu.memory_space<vmem>>) semaphore(%arg5 : memref<!tpu.dma_semaphore, #tpu.memory_space<semaphore_mem>>)
        %dma_start3A_420 = arith.constant 10 : i32
        %dma_start3A_421 = arith.constant 10 : i32
        %dma_start3A_422 = arith.constant 0 : i32
        %dma_start3A_423 = arith.constant 0 : i32
        %dma_start3A_424 = arith.constant 0 : i32
        %dma_start3A_425 = tpu.memref_slice %run_scoped3A_8[%rem3A_209, %dma_start3A_422, %dma_start3A_423, %dma_start3A_424] : memref<2x32x50x32xf32, #tpu.memory_space<vmem>> -> memref<1x32x50x32xf32, #tpu.memory_space<vmem>>
        %dma_start3A_426 = tpu.memref_squeeze %dma_start3A_425 : memref<1x32x50x32xf32, #tpu.memory_space<vmem>> -> memref<32x50x32xf32, #tpu.memory_space<vmem>>
        %dma_start3A_427 = arith.constant 0 : i32
        %dma_start3A_428 = arith.constant 0 : i32
        %dma_start3A_429 = tpu.memref_slice %dma_start3A_426[%dma_start3A_421, %dma_start3A_427, %dma_start3A_428] : memref<32x50x32xf32, #tpu.memory_space<vmem>> -> memref<1x50x32xf32, #tpu.memory_space<vmem>>
        %dma_start3A_430 = tpu.memref_squeeze %dma_start3A_429 : memref<1x50x32xf32, #tpu.memory_space<vmem>> -> memref<50x32xf32, #tpu.memory_space<vmem>>
        %dma_start3A_431 = arith.constant 0 : i32
        %dma_start3A_432 = arith.constant 0 : i32
        %dma_start3A_433 = tpu.memref_slice %run_scoped3A[%rem3A_207, %dma_start3A_431, %dma_start3A_432] : memref<2x32x50xi32, #tpu.memory_space<vmem>> -> memref<1x32x50xi32, #tpu.memory_space<vmem>>
        %dma_start3A_434 = tpu.memref_squeeze %dma_start3A_433 : memref<1x32x50xi32, #tpu.memory_space<vmem>> -> memref<32x50xi32, #tpu.memory_space<vmem>>
        %dma_start3A_435 = arith.constant 0 : i32
        %dma_start3A_436 = tpu.memref_slice %dma_start3A_434[%dma_start3A_420, %dma_start3A_435] : memref<32x50xi32, #tpu.memory_space<vmem>> -> memref<1x50xi32, #tpu.memory_space<vmem>>
        %dma_start3A_437 = tpu.memref_squeeze %dma_start3A_436 : memref<1x50xi32, #tpu.memory_space<vmem>> -> memref<50xi32, #tpu.memory_space<vmem>>
        %dma_start3A_438 = arith.constant 0 : i32
        %dma_start3A_439 = arith.constant 0 : i32
        %dma_start3A_440 = tpu.memref_slice %arg2[%dma_start3A_438, %dma_start3A_439] : memref<1000000x32xf32, #tpu.memory_space<hbm>> -> memref<1000000x32xf32, #tpu.memory_space<hbm>>
        tpu.enqueue_indirect_dma source(%dma_start3A_440 : memref<1000000x32xf32, #tpu.memory_space<hbm>>) target(%dma_start3A_430 : memref<50x32xf32, #tpu.memory_space<vmem>>) offsets(%dma_start3A_437 : memref<50xi32, #tpu.memory_space<vmem>>) semaphore(%arg5 : memref<!tpu.dma_semaphore, #tpu.memory_space<semaphore_mem>>)
        %dma_start3A_441 = arith.constant 11 : i32
        %dma_start3A_442 = arith.constant 11 : i32
        %dma_start3A_443 = arith.constant 0 : i32
        %dma_start3A_444 = arith.constant 0 : i32
        %dma_start3A_445 = arith.constant 0 : i32
        %dma_start3A_446 = tpu.memref_slice %run_scoped3A_8[%rem3A_209, %dma_start3A_443, %dma_start3A_444, %dma_start3A_445] : memref<2x32x50x32xf32, #tpu.memory_space<vmem>> -> memref<1x32x50x32xf32, #tpu.memory_space<vmem>>
        %dma_start3A_447 = tpu.memref_squeeze %dma_start3A_446 : memref<1x32x50x32xf32, #tpu.memory_space<vmem>> -> memref<32x50x32xf32, #tpu.memory_space<vmem>>
        %dma_start3A_448 = arith.constant 0 : i32
        %dma_start3A_449 = arith.constant 0 : i32
        %dma_start3A_450 = tpu.memref_slice %dma_start3A_447[%dma_start3A_442, %dma_start3A_448, %dma_start3A_449] : memref<32x50x32xf32, #tpu.memory_space<vmem>> -> memref<1x50x32xf32, #tpu.memory_space<vmem>>
        %dma_start3A_451 = tpu.memref_squeeze %dma_start3A_450 : memref<1x50x32xf32, #tpu.memory_space<vmem>> -> memref<50x32xf32, #tpu.memory_space<vmem>>
        %dma_start3A_452 = arith.constant 0 : i32
        %dma_start3A_453 = arith.constant 0 : i32
        %dma_start3A_454 = tpu.memref_slice %run_scoped3A[%rem3A_207, %dma_start3A_452, %dma_start3A_453] : memref<2x32x50xi32, #tpu.memory_space<vmem>> -> memref<1x32x50xi32, #tpu.memory_space<vmem>>
        %dma_start3A_455 = tpu.memref_squeeze %dma_start3A_454 : memref<1x32x50xi32, #tpu.memory_space<vmem>> -> memref<32x50xi32, #tpu.memory_space<vmem>>
        %dma_start3A_456 = arith.constant 0 : i32
        %dma_start3A_457 = tpu.memref_slice %dma_start3A_455[%dma_start3A_441, %dma_start3A_456] : memref<32x50xi32, #tpu.memory_space<vmem>> -> memref<1x50xi32, #tpu.memory_space<vmem>>
        %dma_start3A_458 = tpu.memref_squeeze %dma_start3A_457 : memref<1x50xi32, #tpu.memory_space<vmem>> -> memref<50xi32, #tpu.memory_space<vmem>>
        %dma_start3A_459 = arith.constant 0 : i32
        %dma_start3A_460 = arith.constant 0 : i32
        %dma_start3A_461 = tpu.memref_slice %arg2[%dma_start3A_459, %dma_start3A_460] : memref<1000000x32xf32, #tpu.memory_space<hbm>> -> memref<1000000x32xf32, #tpu.memory_space<hbm>>
        tpu.enqueue_indirect_dma source(%dma_start3A_461 : memref<1000000x32xf32, #tpu.memory_space<hbm>>) target(%dma_start3A_451 : memref<50x32xf32, #tpu.memory_space<vmem>>) offsets(%dma_start3A_458 : memref<50xi32, #tpu.memory_space<vmem>>) semaphore(%arg5 : memref<!tpu.dma_semaphore, #tpu.memory_space<semaphore_mem>>)
        %dma_start3A_462 = arith.constant 12 : i32
        %dma_start3A_463 = arith.constant 12 : i32
        %dma_start3A_464 = arith.constant 0 : i32
        %dma_start3A_465 = arith.constant 0 : i32
        %dma_start3A_466 = arith.constant 0 : i32
        %dma_start3A_467 = tpu.memref_slice %run_scoped3A_8[%rem3A_209, %dma_start3A_464, %dma_start3A_465, %dma_start3A_466] : memref<2x32x50x32xf32, #tpu.memory_space<vmem>> -> memref<1x32x50x32xf32, #tpu.memory_space<vmem>>
        %dma_start3A_468 = tpu.memref_squeeze %dma_start3A_467 : memref<1x32x50x32xf32, #tpu.memory_space<vmem>> -> memref<32x50x32xf32, #tpu.memory_space<vmem>>
        %dma_start3A_469 = arith.constant 0 : i32
        %dma_start3A_470 = arith.constant 0 : i32
        %dma_start3A_471 = tpu.memref_slice %dma_start3A_468[%dma_start3A_463, %dma_start3A_469, %dma_start3A_470] : memref<32x50x32xf32, #tpu.memory_space<vmem>> -> memref<1x50x32xf32, #tpu.memory_space<vmem>>
        %dma_start3A_472 = tpu.memref_squeeze %dma_start3A_471 : memref<1x50x32xf32, #tpu.memory_space<vmem>> -> memref<50x32xf32, #tpu.memory_space<vmem>>
        %dma_start3A_473 = arith.constant 0 : i32
        %dma_start3A_474 = arith.constant 0 : i32
        %dma_start3A_475 = tpu.memref_slice %run_scoped3A[%rem3A_207, %dma_start3A_473, %dma_start3A_474] : memref<2x32x50xi32, #tpu.memory_space<vmem>> -> memref<1x32x50xi32, #tpu.memory_space<vmem>>
        %dma_start3A_476 = tpu.memref_squeeze %dma_start3A_475 : memref<1x32x50xi32, #tpu.memory_space<vmem>> -> memref<32x50xi32, #tpu.memory_space<vmem>>
        %dma_start3A_477 = arith.constant 0 : i32
        %dma_start3A_478 = tpu.memref_slice %dma_start3A_476[%dma_start3A_462, %dma_start3A_477] : memref<32x50xi32, #tpu.memory_space<vmem>> -> memref<1x50xi32, #tpu.memory_space<vmem>>
        %dma_start3A_479 = tpu.memref_squeeze %dma_start3A_478 : memref<1x50xi32, #tpu.memory_space<vmem>> -> memref<50xi32, #tpu.memory_space<vmem>>
        %dma_start3A_480 = arith.constant 0 : i32
        %dma_start3A_481 = arith.constant 0 : i32
        %dma_start3A_482 = tpu.memref_slice %arg2[%dma_start3A_480, %dma_start3A_481] : memref<1000000x32xf32, #tpu.memory_space<hbm>> -> memref<1000000x32xf32, #tpu.memory_space<hbm>>
        tpu.enqueue_indirect_dma source(%dma_start3A_482 : memref<1000000x32xf32, #tpu.memory_space<hbm>>) target(%dma_start3A_472 : memref<50x32xf32, #tpu.memory_space<vmem>>) offsets(%dma_start3A_479 : memref<50xi32, #tpu.memory_space<vmem>>) semaphore(%arg5 : memref<!tpu.dma_semaphore, #tpu.memory_space<semaphore_mem>>)
        %dma_start3A_483 = arith.constant 13 : i32
        %dma_start3A_484 = arith.constant 13 : i32
        %dma_start3A_485 = arith.constant 0 : i32
        %dma_start3A_486 = arith.constant 0 : i32
        %dma_start3A_487 = arith.constant 0 : i32
        %dma_start3A_488 = tpu.memref_slice %run_scoped3A_8[%rem3A_209, %dma_start3A_485, %dma_start3A_486, %dma_start3A_487] : memref<2x32x50x32xf32, #tpu.memory_space<vmem>> -> memref<1x32x50x32xf32, #tpu.memory_space<vmem>>
        %dma_start3A_489 = tpu.memref_squeeze %dma_start3A_488 : memref<1x32x50x32xf32, #tpu.memory_space<vmem>> -> memref<32x50x32xf32, #tpu.memory_space<vmem>>
        %dma_start3A_490 = arith.constant 0 : i32
        %dma_start3A_491 = arith.constant 0 : i32
        %dma_start3A_492 = tpu.memref_slice %dma_start3A_489[%dma_start3A_484, %dma_start3A_490, %dma_start3A_491] : memref<32x50x32xf32, #tpu.memory_space<vmem>> -> memref<1x50x32xf32, #tpu.memory_space<vmem>>
        %dma_start3A_493 = tpu.memref_squeeze %dma_start3A_492 : memref<1x50x32xf32, #tpu.memory_space<vmem>> -> memref<50x32xf32, #tpu.memory_space<vmem>>
        %dma_start3A_494 = arith.constant 0 : i32
        %dma_start3A_495 = arith.constant 0 : i32
        %dma_start3A_496 = tpu.memref_slice %run_scoped3A[%rem3A_207, %dma_start3A_494, %dma_start3A_495] : memref<2x32x50xi32, #tpu.memory_space<vmem>> -> memref<1x32x50xi32, #tpu.memory_space<vmem>>
        %dma_start3A_497 = tpu.memref_squeeze %dma_start3A_496 : memref<1x32x50xi32, #tpu.memory_space<vmem>> -> memref<32x50xi32, #tpu.memory_space<vmem>>
        %dma_start3A_498 = arith.constant 0 : i32
        %dma_start3A_499 = tpu.memref_slice %dma_start3A_497[%dma_start3A_483, %dma_start3A_498] : memref<32x50xi32, #tpu.memory_space<vmem>> -> memref<1x50xi32, #tpu.memory_space<vmem>>
        %dma_start3A_500 = tpu.memref_squeeze %dma_start3A_499 : memref<1x50xi32, #tpu.memory_space<vmem>> -> memref<50xi32, #tpu.memory_space<vmem>>
        %dma_start3A_501 = arith.constant 0 : i32
        %dma_start3A_502 = arith.constant 0 : i32
        %dma_start3A_503 = tpu.memref_slice %arg2[%dma_start3A_501, %dma_start3A_502] : memref<1000000x32xf32, #tpu.memory_space<hbm>> -> memref<1000000x32xf32, #tpu.memory_space<hbm>>
        tpu.enqueue_indirect_dma source(%dma_start3A_503 : memref<1000000x32xf32, #tpu.memory_space<hbm>>) target(%dma_start3A_493 : memref<50x32xf32, #tpu.memory_space<vmem>>) offsets(%dma_start3A_500 : memref<50xi32, #tpu.memory_space<vmem>>) semaphore(%arg5 : memref<!tpu.dma_semaphore, #tpu.memory_space<semaphore_mem>>)
        %dma_start3A_504 = arith.constant 14 : i32
        %dma_start3A_505 = arith.constant 14 : i32
        %dma_start3A_506 = arith.constant 0 : i32
        %dma_start3A_507 = arith.constant 0 : i32
        %dma_start3A_508 = arith.constant 0 : i32
        %dma_start3A_509 = tpu.memref_slice %run_scoped3A_8[%rem3A_209, %dma_start3A_506, %dma_start3A_507, %dma_start3A_508] : memref<2x32x50x32xf32, #tpu.memory_space<vmem>> -> memref<1x32x50x32xf32, #tpu.memory_space<vmem>>
        %dma_start3A_510 = tpu.memref_squeeze %dma_start3A_509 : memref<1x32x50x32xf32, #tpu.memory_space<vmem>> -> memref<32x50x32xf32, #tpu.memory_space<vmem>>
        %dma_start3A_511 = arith.constant 0 : i32
        %dma_start3A_512 = arith.constant 0 : i32
        %dma_start3A_513 = tpu.memref_slice %dma_start3A_510[%dma_start3A_505, %dma_start3A_511, %dma_start3A_512] : memref<32x50x32xf32, #tpu.memory_space<vmem>> -> memref<1x50x32xf32, #tpu.memory_space<vmem>>
        %dma_start3A_514 = tpu.memref_squeeze %dma_start3A_513 : memref<1x50x32xf32, #tpu.memory_space<vmem>> -> memref<50x32xf32, #tpu.memory_space<vmem>>
        %dma_start3A_515 = arith.constant 0 : i32
        %dma_start3A_516 = arith.constant 0 : i32
        %dma_start3A_517 = tpu.memref_slice %run_scoped3A[%rem3A_207, %dma_start3A_515, %dma_start3A_516] : memref<2x32x50xi32, #tpu.memory_space<vmem>> -> memref<1x32x50xi32, #tpu.memory_space<vmem>>
        %dma_start3A_518 = tpu.memref_squeeze %dma_start3A_517 : memref<1x32x50xi32, #tpu.memory_space<vmem>> -> memref<32x50xi32, #tpu.memory_space<vmem>>
        %dma_start3A_519 = arith.constant 0 : i32
        %dma_start3A_520 = tpu.memref_slice %dma_start3A_518[%dma_start3A_504, %dma_start3A_519] : memref<32x50xi32, #tpu.memory_space<vmem>> -> memref<1x50xi32, #tpu.memory_space<vmem>>
        %dma_start3A_521 = tpu.memref_squeeze %dma_start3A_520 : memref<1x50xi32, #tpu.memory_space<vmem>> -> memref<50xi32, #tpu.memory_space<vmem>>
        %dma_start3A_522 = arith.constant 0 : i32
        %dma_start3A_523 = arith.constant 0 : i32
        %dma_start3A_524 = tpu.memref_slice %arg2[%dma_start3A_522, %dma_start3A_523] : memref<1000000x32xf32, #tpu.memory_space<hbm>> -> memref<1000000x32xf32, #tpu.memory_space<hbm>>
        tpu.enqueue_indirect_dma source(%dma_start3A_524 : memref<1000000x32xf32, #tpu.memory_space<hbm>>) target(%dma_start3A_514 : memref<50x32xf32, #tpu.memory_space<vmem>>) offsets(%dma_start3A_521 : memref<50xi32, #tpu.memory_space<vmem>>) semaphore(%arg5 : memref<!tpu.dma_semaphore, #tpu.memory_space<semaphore_mem>>)
        %dma_start3A_525 = arith.constant 15 : i32
        %dma_start3A_526 = arith.constant 15 : i32
        %dma_start3A_527 = arith.constant 0 : i32
        %dma_start3A_528 = arith.constant 0 : i32
        %dma_start3A_529 = arith.constant 0 : i32
        %dma_start3A_530 = tpu.memref_slice %run_scoped3A_8[%rem3A_209, %dma_start3A_527, %dma_start3A_528, %dma_start3A_529] : memref<2x32x50x32xf32, #tpu.memory_space<vmem>> -> memref<1x32x50x32xf32, #tpu.memory_space<vmem>>
        %dma_start3A_531 = tpu.memref_squeeze %dma_start3A_530 : memref<1x32x50x32xf32, #tpu.memory_space<vmem>> -> memref<32x50x32xf32, #tpu.memory_space<vmem>>
        %dma_start3A_532 = arith.constant 0 : i32
        %dma_start3A_533 = arith.constant 0 : i32
        %dma_start3A_534 = tpu.memref_slice %dma_start3A_531[%dma_start3A_526, %dma_start3A_532, %dma_start3A_533] : memref<32x50x32xf32, #tpu.memory_space<vmem>> -> memref<1x50x32xf32, #tpu.memory_space<vmem>>
        %dma_start3A_535 = tpu.memref_squeeze %dma_start3A_534 : memref<1x50x32xf32, #tpu.memory_space<vmem>> -> memref<50x32xf32, #tpu.memory_space<vmem>>
        %dma_start3A_536 = arith.constant 0 : i32
        %dma_start3A_537 = arith.constant 0 : i32
        %dma_start3A_538 = tpu.memref_slice %run_scoped3A[%rem3A_207, %dma_start3A_536, %dma_start3A_537] : memref<2x32x50xi32, #tpu.memory_space<vmem>> -> memref<1x32x50xi32, #tpu.memory_space<vmem>>
        %dma_start3A_539 = tpu.memref_squeeze %dma_start3A_538 : memref<1x32x50xi32, #tpu.memory_space<vmem>> -> memref<32x50xi32, #tpu.memory_space<vmem>>
        %dma_start3A_540 = arith.constant 0 : i32
        %dma_start3A_541 = tpu.memref_slice %dma_start3A_539[%dma_start3A_525, %dma_start3A_540] : memref<32x50xi32, #tpu.memory_space<vmem>> -> memref<1x50xi32, #tpu.memory_space<vmem>>
        %dma_start3A_542 = tpu.memref_squeeze %dma_start3A_541 : memref<1x50xi32, #tpu.memory_space<vmem>> -> memref<50xi32, #tpu.memory_space<vmem>>
        %dma_start3A_543 = arith.constant 0 : i32
        %dma_start3A_544 = arith.constant 0 : i32
        %dma_start3A_545 = tpu.memref_slice %arg2[%dma_start3A_543, %dma_start3A_544] : memref<1000000x32xf32, #tpu.memory_space<hbm>> -> memref<1000000x32xf32, #tpu.memory_space<hbm>>
        tpu.enqueue_indirect_dma source(%dma_start3A_545 : memref<1000000x32xf32, #tpu.memory_space<hbm>>) target(%dma_start3A_535 : memref<50x32xf32, #tpu.memory_space<vmem>>) offsets(%dma_start3A_542 : memref<50xi32, #tpu.memory_space<vmem>>) semaphore(%arg5 : memref<!tpu.dma_semaphore, #tpu.memory_space<semaphore_mem>>)
        %dma_start3A_546 = arith.constant 16 : i32
        %dma_start3A_547 = arith.constant 16 : i32
        %dma_start3A_548 = arith.constant 0 : i32
        %dma_start3A_549 = arith.constant 0 : i32
        %dma_start3A_550 = arith.constant 0 : i32
        %dma_start3A_551 = tpu.memref_slice %run_scoped3A_8[%rem3A_209, %dma_start3A_548, %dma_start3A_549, %dma_start3A_550] : memref<2x32x50x32xf32, #tpu.memory_space<vmem>> -> memref<1x32x50x32xf32, #tpu.memory_space<vmem>>
        %dma_start3A_552 = tpu.memref_squeeze %dma_start3A_551 : memref<1x32x50x32xf32, #tpu.memory_space<vmem>> -> memref<32x50x32xf32, #tpu.memory_space<vmem>>
        %dma_start3A_553 = arith.constant 0 : i32
        %dma_start3A_554 = arith.constant 0 : i32
        %dma_start3A_555 = tpu.memref_slice %dma_start3A_552[%dma_start3A_547, %dma_start3A_553, %dma_start3A_554] : memref<32x50x32xf32, #tpu.memory_space<vmem>> -> memref<1x50x32xf32, #tpu.memory_space<vmem>>
        %dma_start3A_556 = tpu.memref_squeeze %dma_start3A_555 : memref<1x50x32xf32, #tpu.memory_space<vmem>> -> memref<50x32xf32, #tpu.memory_space<vmem>>
        %dma_start3A_557 = arith.constant 0 : i32
        %dma_start3A_558 = arith.constant 0 : i32
        %dma_start3A_559 = tpu.memref_slice %run_scoped3A[%rem3A_207, %dma_start3A_557, %dma_start3A_558] : memref<2x32x50xi32, #tpu.memory_space<vmem>> -> memref<1x32x50xi32, #tpu.memory_space<vmem>>
        %dma_start3A_560 = tpu.memref_squeeze %dma_start3A_559 : memref<1x32x50xi32, #tpu.memory_space<vmem>> -> memref<32x50xi32, #tpu.memory_space<vmem>>
        %dma_start3A_561 = arith.constant 0 : i32
        %dma_start3A_562 = tpu.memref_slice %dma_start3A_560[%dma_start3A_546, %dma_start3A_561] : memref<32x50xi32, #tpu.memory_space<vmem>> -> memref<1x50xi32, #tpu.memory_space<vmem>>
        %dma_start3A_563 = tpu.memref_squeeze %dma_start3A_562 : memref<1x50xi32, #tpu.memory_space<vmem>> -> memref<50xi32, #tpu.memory_space<vmem>>
        %dma_start3A_564 = arith.constant 0 : i32
        %dma_start3A_565 = arith.constant 0 : i32
        %dma_start3A_566 = tpu.memref_slice %arg2[%dma_start3A_564, %dma_start3A_565] : memref<1000000x32xf32, #tpu.memory_space<hbm>> -> memref<1000000x32xf32, #tpu.memory_space<hbm>>
        tpu.enqueue_indirect_dma source(%dma_start3A_566 : memref<1000000x32xf32, #tpu.memory_space<hbm>>) target(%dma_start3A_556 : memref<50x32xf32, #tpu.memory_space<vmem>>) offsets(%dma_start3A_563 : memref<50xi32, #tpu.memory_space<vmem>>) semaphore(%arg5 : memref<!tpu.dma_semaphore, #tpu.memory_space<semaphore_mem>>)
        %dma_start3A_567 = arith.constant 17 : i32
        %dma_start3A_568 = arith.constant 17 : i32
        %dma_start3A_569 = arith.constant 0 : i32
        %dma_start3A_570 = arith.constant 0 : i32
        %dma_start3A_571 = arith.constant 0 : i32
        %dma_start3A_572 = tpu.memref_slice %run_scoped3A_8[%rem3A_209, %dma_start3A_569, %dma_start3A_570, %dma_start3A_571] : memref<2x32x50x32xf32, #tpu.memory_space<vmem>> -> memref<1x32x50x32xf32, #tpu.memory_space<vmem>>
        %dma_start3A_573 = tpu.memref_squeeze %dma_start3A_572 : memref<1x32x50x32xf32, #tpu.memory_space<vmem>> -> memref<32x50x32xf32, #tpu.memory_space<vmem>>
        %dma_start3A_574 = arith.constant 0 : i32
        %dma_start3A_575 = arith.constant 0 : i32
        %dma_start3A_576 = tpu.memref_slice %dma_start3A_573[%dma_start3A_568, %dma_start3A_574, %dma_start3A_575] : memref<32x50x32xf32, #tpu.memory_space<vmem>> -> memref<1x50x32xf32, #tpu.memory_space<vmem>>
        %dma_start3A_577 = tpu.memref_squeeze %dma_start3A_576 : memref<1x50x32xf32, #tpu.memory_space<vmem>> -> memref<50x32xf32, #tpu.memory_space<vmem>>
        %dma_start3A_578 = arith.constant 0 : i32
        %dma_start3A_579 = arith.constant 0 : i32
        %dma_start3A_580 = tpu.memref_slice %run_scoped3A[%rem3A_207, %dma_start3A_578, %dma_start3A_579] : memref<2x32x50xi32, #tpu.memory_space<vmem>> -> memref<1x32x50xi32, #tpu.memory_space<vmem>>
        %dma_start3A_581 = tpu.memref_squeeze %dma_start3A_580 : memref<1x32x50xi32, #tpu.memory_space<vmem>> -> memref<32x50xi32, #tpu.memory_space<vmem>>
        %dma_start3A_582 = arith.constant 0 : i32
        %dma_start3A_583 = tpu.memref_slice %dma_start3A_581[%dma_start3A_567, %dma_start3A_582] : memref<32x50xi32, #tpu.memory_space<vmem>> -> memref<1x50xi32, #tpu.memory_space<vmem>>
        %dma_start3A_584 = tpu.memref_squeeze %dma_start3A_583 : memref<1x50xi32, #tpu.memory_space<vmem>> -> memref<50xi32, #tpu.memory_space<vmem>>
        %dma_start3A_585 = arith.constant 0 : i32
        %dma_start3A_586 = arith.constant 0 : i32
        %dma_start3A_587 = tpu.memref_slice %arg2[%dma_start3A_585, %dma_start3A_586] : memref<1000000x32xf32, #tpu.memory_space<hbm>> -> memref<1000000x32xf32, #tpu.memory_space<hbm>>
        tpu.enqueue_indirect_dma source(%dma_start3A_587 : memref<1000000x32xf32, #tpu.memory_space<hbm>>) target(%dma_start3A_577 : memref<50x32xf32, #tpu.memory_space<vmem>>) offsets(%dma_start3A_584 : memref<50xi32, #tpu.memory_space<vmem>>) semaphore(%arg5 : memref<!tpu.dma_semaphore, #tpu.memory_space<semaphore_mem>>)
        %dma_start3A_588 = arith.constant 18 : i32
        %dma_start3A_589 = arith.constant 18 : i32
        %dma_start3A_590 = arith.constant 0 : i32
        %dma_start3A_591 = arith.constant 0 : i32
        %dma_start3A_592 = arith.constant 0 : i32
        %dma_start3A_593 = tpu.memref_slice %run_scoped3A_8[%rem3A_209, %dma_start3A_590, %dma_start3A_591, %dma_start3A_592] : memref<2x32x50x32xf32, #tpu.memory_space<vmem>> -> memref<1x32x50x32xf32, #tpu.memory_space<vmem>>
        %dma_start3A_594 = tpu.memref_squeeze %dma_start3A_593 : memref<1x32x50x32xf32, #tpu.memory_space<vmem>> -> memref<32x50x32xf32, #tpu.memory_space<vmem>>
        %dma_start3A_595 = arith.constant 0 : i32
        %dma_start3A_596 = arith.constant 0 : i32
        %dma_start3A_597 = tpu.memref_slice %dma_start3A_594[%dma_start3A_589, %dma_start3A_595, %dma_start3A_596] : memref<32x50x32xf32, #tpu.memory_space<vmem>> -> memref<1x50x32xf32, #tpu.memory_space<vmem>>
        %dma_start3A_598 = tpu.memref_squeeze %dma_start3A_597 : memref<1x50x32xf32, #tpu.memory_space<vmem>> -> memref<50x32xf32, #tpu.memory_space<vmem>>
        %dma_start3A_599 = arith.constant 0 : i32
        %dma_start3A_600 = arith.constant 0 : i32
        %dma_start3A_601 = tpu.memref_slice %run_scoped3A[%rem3A_207, %dma_start3A_599, %dma_start3A_600] : memref<2x32x50xi32, #tpu.memory_space<vmem>> -> memref<1x32x50xi32, #tpu.memory_space<vmem>>
        %dma_start3A_602 = tpu.memref_squeeze %dma_start3A_601 : memref<1x32x50xi32, #tpu.memory_space<vmem>> -> memref<32x50xi32, #tpu.memory_space<vmem>>
        %dma_start3A_603 = arith.constant 0 : i32
        %dma_start3A_604 = tpu.memref_slice %dma_start3A_602[%dma_start3A_588, %dma_start3A_603] : memref<32x50xi32, #tpu.memory_space<vmem>> -> memref<1x50xi32, #tpu.memory_space<vmem>>
        %dma_start3A_605 = tpu.memref_squeeze %dma_start3A_604 : memref<1x50xi32, #tpu.memory_space<vmem>> -> memref<50xi32, #tpu.memory_space<vmem>>
        %dma_start3A_606 = arith.constant 0 : i32
        %dma_start3A_607 = arith.constant 0 : i32
        %dma_start3A_608 = tpu.memref_slice %arg2[%dma_start3A_606, %dma_start3A_607] : memref<1000000x32xf32, #tpu.memory_space<hbm>> -> memref<1000000x32xf32, #tpu.memory_space<hbm>>
        tpu.enqueue_indirect_dma source(%dma_start3A_608 : memref<1000000x32xf32, #tpu.memory_space<hbm>>) target(%dma_start3A_598 : memref<50x32xf32, #tpu.memory_space<vmem>>) offsets(%dma_start3A_605 : memref<50xi32, #tpu.memory_space<vmem>>) semaphore(%arg5 : memref<!tpu.dma_semaphore, #tpu.memory_space<semaphore_mem>>)
        %dma_start3A_609 = arith.constant 19 : i32
        %dma_start3A_610 = arith.constant 19 : i32
        %dma_start3A_611 = arith.constant 0 : i32
        %dma_start3A_612 = arith.constant 0 : i32
        %dma_start3A_613 = arith.constant 0 : i32
        %dma_start3A_614 = tpu.memref_slice %run_scoped3A_8[%rem3A_209, %dma_start3A_611, %dma_start3A_612, %dma_start3A_613] : memref<2x32x50x32xf32, #tpu.memory_space<vmem>> -> memref<1x32x50x32xf32, #tpu.memory_space<vmem>>
        %dma_start3A_615 = tpu.memref_squeeze %dma_start3A_614 : memref<1x32x50x32xf32, #tpu.memory_space<vmem>> -> memref<32x50x32xf32, #tpu.memory_space<vmem>>
        %dma_start3A_616 = arith.constant 0 : i32
        %dma_start3A_617 = arith.constant 0 : i32
        %dma_start3A_618 = tpu.memref_slice %dma_start3A_615[%dma_start3A_610, %dma_start3A_616, %dma_start3A_617] : memref<32x50x32xf32, #tpu.memory_space<vmem>> -> memref<1x50x32xf32, #tpu.memory_space<vmem>>
        %dma_start3A_619 = tpu.memref_squeeze %dma_start3A_618 : memref<1x50x32xf32, #tpu.memory_space<vmem>> -> memref<50x32xf32, #tpu.memory_space<vmem>>
        %dma_start3A_620 = arith.constant 0 : i32
        %dma_start3A_621 = arith.constant 0 : i32
        %dma_start3A_622 = tpu.memref_slice %run_scoped3A[%rem3A_207, %dma_start3A_620, %dma_start3A_621] : memref<2x32x50xi32, #tpu.memory_space<vmem>> -> memref<1x32x50xi32, #tpu.memory_space<vmem>>
        %dma_start3A_623 = tpu.memref_squeeze %dma_start3A_622 : memref<1x32x50xi32, #tpu.memory_space<vmem>> -> memref<32x50xi32, #tpu.memory_space<vmem>>
        %dma_start3A_624 = arith.constant 0 : i32
        %dma_start3A_625 = tpu.memref_slice %dma_start3A_623[%dma_start3A_609, %dma_start3A_624] : memref<32x50xi32, #tpu.memory_space<vmem>> -> memref<1x50xi32, #tpu.memory_space<vmem>>
        %dma_start3A_626 = tpu.memref_squeeze %dma_start3A_625 : memref<1x50xi32, #tpu.memory_space<vmem>> -> memref<50xi32, #tpu.memory_space<vmem>>
        %dma_start3A_627 = arith.constant 0 : i32
        %dma_start3A_628 = arith.constant 0 : i32
        %dma_start3A_629 = tpu.memref_slice %arg2[%dma_start3A_627, %dma_start3A_628] : memref<1000000x32xf32, #tpu.memory_space<hbm>> -> memref<1000000x32xf32, #tpu.memory_space<hbm>>
        tpu.enqueue_indirect_dma source(%dma_start3A_629 : memref<1000000x32xf32, #tpu.memory_space<hbm>>) target(%dma_start3A_619 : memref<50x32xf32, #tpu.memory_space<vmem>>) offsets(%dma_start3A_626 : memref<50xi32, #tpu.memory_space<vmem>>) semaphore(%arg5 : memref<!tpu.dma_semaphore, #tpu.memory_space<semaphore_mem>>)
        %dma_start3A_630 = arith.constant 20 : i32
        %dma_start3A_631 = arith.constant 20 : i32
        %dma_start3A_632 = arith.constant 0 : i32
        %dma_start3A_633 = arith.constant 0 : i32
        %dma_start3A_634 = arith.constant 0 : i32
        %dma_start3A_635 = tpu.memref_slice %run_scoped3A_8[%rem3A_209, %dma_start3A_632, %dma_start3A_633, %dma_start3A_634] : memref<2x32x50x32xf32, #tpu.memory_space<vmem>> -> memref<1x32x50x32xf32, #tpu.memory_space<vmem>>
        %dma_start3A_636 = tpu.memref_squeeze %dma_start3A_635 : memref<1x32x50x32xf32, #tpu.memory_space<vmem>> -> memref<32x50x32xf32, #tpu.memory_space<vmem>>
        %dma_start3A_637 = arith.constant 0 : i32
        %dma_start3A_638 = arith.constant 0 : i32
        %dma_start3A_639 = tpu.memref_slice %dma_start3A_636[%dma_start3A_631, %dma_start3A_637, %dma_start3A_638] : memref<32x50x32xf32, #tpu.memory_space<vmem>> -> memref<1x50x32xf32, #tpu.memory_space<vmem>>
        %dma_start3A_640 = tpu.memref_squeeze %dma_start3A_639 : memref<1x50x32xf32, #tpu.memory_space<vmem>> -> memref<50x32xf32, #tpu.memory_space<vmem>>
        %dma_start3A_641 = arith.constant 0 : i32
        %dma_start3A_642 = arith.constant 0 : i32
        %dma_start3A_643 = tpu.memref_slice %run_scoped3A[%rem3A_207, %dma_start3A_641, %dma_start3A_642] : memref<2x32x50xi32, #tpu.memory_space<vmem>> -> memref<1x32x50xi32, #tpu.memory_space<vmem>>
        %dma_start3A_644 = tpu.memref_squeeze %dma_start3A_643 : memref<1x32x50xi32, #tpu.memory_space<vmem>> -> memref<32x50xi32, #tpu.memory_space<vmem>>
        %dma_start3A_645 = arith.constant 0 : i32
        %dma_start3A_646 = tpu.memref_slice %dma_start3A_644[%dma_start3A_630, %dma_start3A_645] : memref<32x50xi32, #tpu.memory_space<vmem>> -> memref<1x50xi32, #tpu.memory_space<vmem>>
        %dma_start3A_647 = tpu.memref_squeeze %dma_start3A_646 : memref<1x50xi32, #tpu.memory_space<vmem>> -> memref<50xi32, #tpu.memory_space<vmem>>
        %dma_start3A_648 = arith.constant 0 : i32
        %dma_start3A_649 = arith.constant 0 : i32
        %dma_start3A_650 = tpu.memref_slice %arg2[%dma_start3A_648, %dma_start3A_649] : memref<1000000x32xf32, #tpu.memory_space<hbm>> -> memref<1000000x32xf32, #tpu.memory_space<hbm>>
        tpu.enqueue_indirect_dma source(%dma_start3A_650 : memref<1000000x32xf32, #tpu.memory_space<hbm>>) target(%dma_start3A_640 : memref<50x32xf32, #tpu.memory_space<vmem>>) offsets(%dma_start3A_647 : memref<50xi32, #tpu.memory_space<vmem>>) semaphore(%arg5 : memref<!tpu.dma_semaphore, #tpu.memory_space<semaphore_mem>>)
        %dma_start3A_651 = arith.constant 21 : i32
        %dma_start3A_652 = arith.constant 21 : i32
        %dma_start3A_653 = arith.constant 0 : i32
        %dma_start3A_654 = arith.constant 0 : i32
        %dma_start3A_655 = arith.constant 0 : i32
        %dma_start3A_656 = tpu.memref_slice %run_scoped3A_8[%rem3A_209, %dma_start3A_653, %dma_start3A_654, %dma_start3A_655] : memref<2x32x50x32xf32, #tpu.memory_space<vmem>> -> memref<1x32x50x32xf32, #tpu.memory_space<vmem>>
        %dma_start3A_657 = tpu.memref_squeeze %dma_start3A_656 : memref<1x32x50x32xf32, #tpu.memory_space<vmem>> -> memref<32x50x32xf32, #tpu.memory_space<vmem>>
        %dma_start3A_658 = arith.constant 0 : i32
        %dma_start3A_659 = arith.constant 0 : i32
        %dma_start3A_660 = tpu.memref_slice %dma_start3A_657[%dma_start3A_652, %dma_start3A_658, %dma_start3A_659] : memref<32x50x32xf32, #tpu.memory_space<vmem>> -> memref<1x50x32xf32, #tpu.memory_space<vmem>>
        %dma_start3A_661 = tpu.memref_squeeze %dma_start3A_660 : memref<1x50x32xf32, #tpu.memory_space<vmem>> -> memref<50x32xf32, #tpu.memory_space<vmem>>
        %dma_start3A_662 = arith.constant 0 : i32
        %dma_start3A_663 = arith.constant 0 : i32
        %dma_start3A_664 = tpu.memref_slice %run_scoped3A[%rem3A_207, %dma_start3A_662, %dma_start3A_663] : memref<2x32x50xi32, #tpu.memory_space<vmem>> -> memref<1x32x50xi32, #tpu.memory_space<vmem>>
        %dma_start3A_665 = tpu.memref_squeeze %dma_start3A_664 : memref<1x32x50xi32, #tpu.memory_space<vmem>> -> memref<32x50xi32, #tpu.memory_space<vmem>>
        %dma_start3A_666 = arith.constant 0 : i32
        %dma_start3A_667 = tpu.memref_slice %dma_start3A_665[%dma_start3A_651, %dma_start3A_666] : memref<32x50xi32, #tpu.memory_space<vmem>> -> memref<1x50xi32, #tpu.memory_space<vmem>>
        %dma_start3A_668 = tpu.memref_squeeze %dma_start3A_667 : memref<1x50xi32, #tpu.memory_space<vmem>> -> memref<50xi32, #tpu.memory_space<vmem>>
        %dma_start3A_669 = arith.constant 0 : i32
        %dma_start3A_670 = arith.constant 0 : i32
        %dma_start3A_671 = tpu.memref_slice %arg2[%dma_start3A_669, %dma_start3A_670] : memref<1000000x32xf32, #tpu.memory_space<hbm>> -> memref<1000000x32xf32, #tpu.memory_space<hbm>>
        tpu.enqueue_indirect_dma source(%dma_start3A_671 : memref<1000000x32xf32, #tpu.memory_space<hbm>>) target(%dma_start3A_661 : memref<50x32xf32, #tpu.memory_space<vmem>>) offsets(%dma_start3A_668 : memref<50xi32, #tpu.memory_space<vmem>>) semaphore(%arg5 : memref<!tpu.dma_semaphore, #tpu.memory_space<semaphore_mem>>)
        %dma_start3A_672 = arith.constant 22 : i32
        %dma_start3A_673 = arith.constant 22 : i32
        %dma_start3A_674 = arith.constant 0 : i32
        %dma_start3A_675 = arith.constant 0 : i32
        %dma_start3A_676 = arith.constant 0 : i32
        %dma_start3A_677 = tpu.memref_slice %run_scoped3A_8[%rem3A_209, %dma_start3A_674, %dma_start3A_675, %dma_start3A_676] : memref<2x32x50x32xf32, #tpu.memory_space<vmem>> -> memref<1x32x50x32xf32, #tpu.memory_space<vmem>>
        %dma_start3A_678 = tpu.memref_squeeze %dma_start3A_677 : memref<1x32x50x32xf32, #tpu.memory_space<vmem>> -> memref<32x50x32xf32, #tpu.memory_space<vmem>>
        %dma_start3A_679 = arith.constant 0 : i32
        %dma_start3A_680 = arith.constant 0 : i32
        %dma_start3A_681 = tpu.memref_slice %dma_start3A_678[%dma_start3A_673, %dma_start3A_679, %dma_start3A_680] : memref<32x50x32xf32, #tpu.memory_space<vmem>> -> memref<1x50x32xf32, #tpu.memory_space<vmem>>
        %dma_start3A_682 = tpu.memref_squeeze %dma_start3A_681 : memref<1x50x32xf32, #tpu.memory_space<vmem>> -> memref<50x32xf32, #tpu.memory_space<vmem>>
        %dma_start3A_683 = arith.constant 0 : i32
        %dma_start3A_684 = arith.constant 0 : i32
        %dma_start3A_685 = tpu.memref_slice %run_scoped3A[%rem3A_207, %dma_start3A_683, %dma_start3A_684] : memref<2x32x50xi32, #tpu.memory_space<vmem>> -> memref<1x32x50xi32, #tpu.memory_space<vmem>>
        %dma_start3A_686 = tpu.memref_squeeze %dma_start3A_685 : memref<1x32x50xi32, #tpu.memory_space<vmem>> -> memref<32x50xi32, #tpu.memory_space<vmem>>
        %dma_start3A_687 = arith.constant 0 : i32
        %dma_start3A_688 = tpu.memref_slice %dma_start3A_686[%dma_start3A_672, %dma_start3A_687] : memref<32x50xi32, #tpu.memory_space<vmem>> -> memref<1x50xi32, #tpu.memory_space<vmem>>
        %dma_start3A_689 = tpu.memref_squeeze %dma_start3A_688 : memref<1x50xi32, #tpu.memory_space<vmem>> -> memref<50xi32, #tpu.memory_space<vmem>>
        %dma_start3A_690 = arith.constant 0 : i32
        %dma_start3A_691 = arith.constant 0 : i32
        %dma_start3A_692 = tpu.memref_slice %arg2[%dma_start3A_690, %dma_start3A_691] : memref<1000000x32xf32, #tpu.memory_space<hbm>> -> memref<1000000x32xf32, #tpu.memory_space<hbm>>
        tpu.enqueue_indirect_dma source(%dma_start3A_692 : memref<1000000x32xf32, #tpu.memory_space<hbm>>) target(%dma_start3A_682 : memref<50x32xf32, #tpu.memory_space<vmem>>) offsets(%dma_start3A_689 : memref<50xi32, #tpu.memory_space<vmem>>) semaphore(%arg5 : memref<!tpu.dma_semaphore, #tpu.memory_space<semaphore_mem>>)
        %dma_start3A_693 = arith.constant 23 : i32
        %dma_start3A_694 = arith.constant 23 : i32
        %dma_start3A_695 = arith.constant 0 : i32
        %dma_start3A_696 = arith.constant 0 : i32
        %dma_start3A_697 = arith.constant 0 : i32
        %dma_start3A_698 = tpu.memref_slice %run_scoped3A_8[%rem3A_209, %dma_start3A_695, %dma_start3A_696, %dma_start3A_697] : memref<2x32x50x32xf32, #tpu.memory_space<vmem>> -> memref<1x32x50x32xf32, #tpu.memory_space<vmem>>
        %dma_start3A_699 = tpu.memref_squeeze %dma_start3A_698 : memref<1x32x50x32xf32, #tpu.memory_space<vmem>> -> memref<32x50x32xf32, #tpu.memory_space<vmem>>
        %dma_start3A_700 = arith.constant 0 : i32
        %dma_start3A_701 = arith.constant 0 : i32
        %dma_start3A_702 = tpu.memref_slice %dma_start3A_699[%dma_start3A_694, %dma_start3A_700, %dma_start3A_701] : memref<32x50x32xf32, #tpu.memory_space<vmem>> -> memref<1x50x32xf32, #tpu.memory_space<vmem>>
        %dma_start3A_703 = tpu.memref_squeeze %dma_start3A_702 : memref<1x50x32xf32, #tpu.memory_space<vmem>> -> memref<50x32xf32, #tpu.memory_space<vmem>>
        %dma_start3A_704 = arith.constant 0 : i32
        %dma_start3A_705 = arith.constant 0 : i32
        %dma_start3A_706 = tpu.memref_slice %run_scoped3A[%rem3A_207, %dma_start3A_704, %dma_start3A_705] : memref<2x32x50xi32, #tpu.memory_space<vmem>> -> memref<1x32x50xi32, #tpu.memory_space<vmem>>
        %dma_start3A_707 = tpu.memref_squeeze %dma_start3A_706 : memref<1x32x50xi32, #tpu.memory_space<vmem>> -> memref<32x50xi32, #tpu.memory_space<vmem>>
        %dma_start3A_708 = arith.constant 0 : i32
        %dma_start3A_709 = tpu.memref_slice %dma_start3A_707[%dma_start3A_693, %dma_start3A_708] : memref<32x50xi32, #tpu.memory_space<vmem>> -> memref<1x50xi32, #tpu.memory_space<vmem>>
        %dma_start3A_710 = tpu.memref_squeeze %dma_start3A_709 : memref<1x50xi32, #tpu.memory_space<vmem>> -> memref<50xi32, #tpu.memory_space<vmem>>
        %dma_start3A_711 = arith.constant 0 : i32
        %dma_start3A_712 = arith.constant 0 : i32
        %dma_start3A_713 = tpu.memref_slice %arg2[%dma_start3A_711, %dma_start3A_712] : memref<1000000x32xf32, #tpu.memory_space<hbm>> -> memref<1000000x32xf32, #tpu.memory_space<hbm>>
        tpu.enqueue_indirect_dma source(%dma_start3A_713 : memref<1000000x32xf32, #tpu.memory_space<hbm>>) target(%dma_start3A_703 : memref<50x32xf32, #tpu.memory_space<vmem>>) offsets(%dma_start3A_710 : memref<50xi32, #tpu.memory_space<vmem>>) semaphore(%arg5 : memref<!tpu.dma_semaphore, #tpu.memory_space<semaphore_mem>>)
        %dma_start3A_714 = arith.constant 24 : i32
        %dma_start3A_715 = arith.constant 24 : i32
        %dma_start3A_716 = arith.constant 0 : i32
        %dma_start3A_717 = arith.constant 0 : i32
        %dma_start3A_718 = arith.constant 0 : i32
        %dma_start3A_719 = tpu.memref_slice %run_scoped3A_8[%rem3A_209, %dma_start3A_716, %dma_start3A_717, %dma_start3A_718] : memref<2x32x50x32xf32, #tpu.memory_space<vmem>> -> memref<1x32x50x32xf32, #tpu.memory_space<vmem>>
        %dma_start3A_720 = tpu.memref_squeeze %dma_start3A_719 : memref<1x32x50x32xf32, #tpu.memory_space<vmem>> -> memref<32x50x32xf32, #tpu.memory_space<vmem>>
        %dma_start3A_721 = arith.constant 0 : i32
        %dma_start3A_722 = arith.constant 0 : i32
        %dma_start3A_723 = tpu.memref_slice %dma_start3A_720[%dma_start3A_715, %dma_start3A_721, %dma_start3A_722] : memref<32x50x32xf32, #tpu.memory_space<vmem>> -> memref<1x50x32xf32, #tpu.memory_space<vmem>>
        %dma_start3A_724 = tpu.memref_squeeze %dma_start3A_723 : memref<1x50x32xf32, #tpu.memory_space<vmem>> -> memref<50x32xf32, #tpu.memory_space<vmem>>
        %dma_start3A_725 = arith.constant 0 : i32
        %dma_start3A_726 = arith.constant 0 : i32
        %dma_start3A_727 = tpu.memref_slice %run_scoped3A[%rem3A_207, %dma_start3A_725, %dma_start3A_726] : memref<2x32x50xi32, #tpu.memory_space<vmem>> -> memref<1x32x50xi32, #tpu.memory_space<vmem>>
        %dma_start3A_728 = tpu.memref_squeeze %dma_start3A_727 : memref<1x32x50xi32, #tpu.memory_space<vmem>> -> memref<32x50xi32, #tpu.memory_space<vmem>>
        %dma_start3A_729 = arith.constant 0 : i32
        %dma_start3A_730 = tpu.memref_slice %dma_start3A_728[%dma_start3A_714, %dma_start3A_729] : memref<32x50xi32, #tpu.memory_space<vmem>> -> memref<1x50xi32, #tpu.memory_space<vmem>>
        %dma_start3A_731 = tpu.memref_squeeze %dma_start3A_730 : memref<1x50xi32, #tpu.memory_space<vmem>> -> memref<50xi32, #tpu.memory_space<vmem>>
        %dma_start3A_732 = arith.constant 0 : i32
        %dma_start3A_733 = arith.constant 0 : i32
        %dma_start3A_734 = tpu.memref_slice %arg2[%dma_start3A_732, %dma_start3A_733] : memref<1000000x32xf32, #tpu.memory_space<hbm>> -> memref<1000000x32xf32, #tpu.memory_space<hbm>>
        tpu.enqueue_indirect_dma source(%dma_start3A_734 : memref<1000000x32xf32, #tpu.memory_space<hbm>>) target(%dma_start3A_724 : memref<50x32xf32, #tpu.memory_space<vmem>>) offsets(%dma_start3A_731 : memref<50xi32, #tpu.memory_space<vmem>>) semaphore(%arg5 : memref<!tpu.dma_semaphore, #tpu.memory_space<semaphore_mem>>)
        %dma_start3A_735 = arith.constant 25 : i32
        %dma_start3A_736 = arith.constant 25 : i32
        %dma_start3A_737 = arith.constant 0 : i32
        %dma_start3A_738 = arith.constant 0 : i32
        %dma_start3A_739 = arith.constant 0 : i32
        %dma_start3A_740 = tpu.memref_slice %run_scoped3A_8[%rem3A_209, %dma_start3A_737, %dma_start3A_738, %dma_start3A_739] : memref<2x32x50x32xf32, #tpu.memory_space<vmem>> -> memref<1x32x50x32xf32, #tpu.memory_space<vmem>>
        %dma_start3A_741 = tpu.memref_squeeze %dma_start3A_740 : memref<1x32x50x32xf32, #tpu.memory_space<vmem>> -> memref<32x50x32xf32, #tpu.memory_space<vmem>>
        %dma_start3A_742 = arith.constant 0 : i32
        %dma_start3A_743 = arith.constant 0 : i32
        %dma_start3A_744 = tpu.memref_slice %dma_start3A_741[%dma_start3A_736, %dma_start3A_742, %dma_start3A_743] : memref<32x50x32xf32, #tpu.memory_space<vmem>> -> memref<1x50x32xf32, #tpu.memory_space<vmem>>
        %dma_start3A_745 = tpu.memref_squeeze %dma_start3A_744 : memref<1x50x32xf32, #tpu.memory_space<vmem>> -> memref<50x32xf32, #tpu.memory_space<vmem>>
        %dma_start3A_746 = arith.constant 0 : i32
        %dma_start3A_747 = arith.constant 0 : i32
        %dma_start3A_748 = tpu.memref_slice %run_scoped3A[%rem3A_207, %dma_start3A_746, %dma_start3A_747] : memref<2x32x50xi32, #tpu.memory_space<vmem>> -> memref<1x32x50xi32, #tpu.memory_space<vmem>>
        %dma_start3A_749 = tpu.memref_squeeze %dma_start3A_748 : memref<1x32x50xi32, #tpu.memory_space<vmem>> -> memref<32x50xi32, #tpu.memory_space<vmem>>
        %dma_start3A_750 = arith.constant 0 : i32
        %dma_start3A_751 = tpu.memref_slice %dma_start3A_749[%dma_start3A_735, %dma_start3A_750] : memref<32x50xi32, #tpu.memory_space<vmem>> -> memref<1x50xi32, #tpu.memory_space<vmem>>
        %dma_start3A_752 = tpu.memref_squeeze %dma_start3A_751 : memref<1x50xi32, #tpu.memory_space<vmem>> -> memref<50xi32, #tpu.memory_space<vmem>>
        %dma_start3A_753 = arith.constant 0 : i32
        %dma_start3A_754 = arith.constant 0 : i32
        %dma_start3A_755 = tpu.memref_slice %arg2[%dma_start3A_753, %dma_start3A_754] : memref<1000000x32xf32, #tpu.memory_space<hbm>> -> memref<1000000x32xf32, #tpu.memory_space<hbm>>
        tpu.enqueue_indirect_dma source(%dma_start3A_755 : memref<1000000x32xf32, #tpu.memory_space<hbm>>) target(%dma_start3A_745 : memref<50x32xf32, #tpu.memory_space<vmem>>) offsets(%dma_start3A_752 : memref<50xi32, #tpu.memory_space<vmem>>) semaphore(%arg5 : memref<!tpu.dma_semaphore, #tpu.memory_space<semaphore_mem>>)
        %dma_start3A_756 = arith.constant 26 : i32
        %dma_start3A_757 = arith.constant 26 : i32
        %dma_start3A_758 = arith.constant 0 : i32
        %dma_start3A_759 = arith.constant 0 : i32
        %dma_start3A_760 = arith.constant 0 : i32
        %dma_start3A_761 = tpu.memref_slice %run_scoped3A_8[%rem3A_209, %dma_start3A_758, %dma_start3A_759, %dma_start3A_760] : memref<2x32x50x32xf32, #tpu.memory_space<vmem>> -> memref<1x32x50x32xf32, #tpu.memory_space<vmem>>
        %dma_start3A_762 = tpu.memref_squeeze %dma_start3A_761 : memref<1x32x50x32xf32, #tpu.memory_space<vmem>> -> memref<32x50x32xf32, #tpu.memory_space<vmem>>
        %dma_start3A_763 = arith.constant 0 : i32
        %dma_start3A_764 = arith.constant 0 : i32
        %dma_start3A_765 = tpu.memref_slice %dma_start3A_762[%dma_start3A_757, %dma_start3A_763, %dma_start3A_764] : memref<32x50x32xf32, #tpu.memory_space<vmem>> -> memref<1x50x32xf32, #tpu.memory_space<vmem>>
        %dma_start3A_766 = tpu.memref_squeeze %dma_start3A_765 : memref<1x50x32xf32, #tpu.memory_space<vmem>> -> memref<50x32xf32, #tpu.memory_space<vmem>>
        %dma_start3A_767 = arith.constant 0 : i32
        %dma_start3A_768 = arith.constant 0 : i32
        %dma_start3A_769 = tpu.memref_slice %run_scoped3A[%rem3A_207, %dma_start3A_767, %dma_start3A_768] : memref<2x32x50xi32, #tpu.memory_space<vmem>> -> memref<1x32x50xi32, #tpu.memory_space<vmem>>
        %dma_start3A_770 = tpu.memref_squeeze %dma_start3A_769 : memref<1x32x50xi32, #tpu.memory_space<vmem>> -> memref<32x50xi32, #tpu.memory_space<vmem>>
        %dma_start3A_771 = arith.constant 0 : i32
        %dma_start3A_772 = tpu.memref_slice %dma_start3A_770[%dma_start3A_756, %dma_start3A_771] : memref<32x50xi32, #tpu.memory_space<vmem>> -> memref<1x50xi32, #tpu.memory_space<vmem>>
        %dma_start3A_773 = tpu.memref_squeeze %dma_start3A_772 : memref<1x50xi32, #tpu.memory_space<vmem>> -> memref<50xi32, #tpu.memory_space<vmem>>
        %dma_start3A_774 = arith.constant 0 : i32
        %dma_start3A_775 = arith.constant 0 : i32
        %dma_start3A_776 = tpu.memref_slice %arg2[%dma_start3A_774, %dma_start3A_775] : memref<1000000x32xf32, #tpu.memory_space<hbm>> -> memref<1000000x32xf32, #tpu.memory_space<hbm>>
        tpu.enqueue_indirect_dma source(%dma_start3A_776 : memref<1000000x32xf32, #tpu.memory_space<hbm>>) target(%dma_start3A_766 : memref<50x32xf32, #tpu.memory_space<vmem>>) offsets(%dma_start3A_773 : memref<50xi32, #tpu.memory_space<vmem>>) semaphore(%arg5 : memref<!tpu.dma_semaphore, #tpu.memory_space<semaphore_mem>>)
        %dma_start3A_777 = arith.constant 27 : i32
        %dma_start3A_778 = arith.constant 27 : i32
        %dma_start3A_779 = arith.constant 0 : i32
        %dma_start3A_780 = arith.constant 0 : i32
        %dma_start3A_781 = arith.constant 0 : i32
        %dma_start3A_782 = tpu.memref_slice %run_scoped3A_8[%rem3A_209, %dma_start3A_779, %dma_start3A_780, %dma_start3A_781] : memref<2x32x50x32xf32, #tpu.memory_space<vmem>> -> memref<1x32x50x32xf32, #tpu.memory_space<vmem>>
        %dma_start3A_783 = tpu.memref_squeeze %dma_start3A_782 : memref<1x32x50x32xf32, #tpu.memory_space<vmem>> -> memref<32x50x32xf32, #tpu.memory_space<vmem>>
        %dma_start3A_784 = arith.constant 0 : i32
        %dma_start3A_785 = arith.constant 0 : i32
        %dma_start3A_786 = tpu.memref_slice %dma_start3A_783[%dma_start3A_778, %dma_start3A_784, %dma_start3A_785] : memref<32x50x32xf32, #tpu.memory_space<vmem>> -> memref<1x50x32xf32, #tpu.memory_space<vmem>>
        %dma_start3A_787 = tpu.memref_squeeze %dma_start3A_786 : memref<1x50x32xf32, #tpu.memory_space<vmem>> -> memref<50x32xf32, #tpu.memory_space<vmem>>
        %dma_start3A_788 = arith.constant 0 : i32
        %dma_start3A_789 = arith.constant 0 : i32
        %dma_start3A_790 = tpu.memref_slice %run_scoped3A[%rem3A_207, %dma_start3A_788, %dma_start3A_789] : memref<2x32x50xi32, #tpu.memory_space<vmem>> -> memref<1x32x50xi32, #tpu.memory_space<vmem>>
        %dma_start3A_791 = tpu.memref_squeeze %dma_start3A_790 : memref<1x32x50xi32, #tpu.memory_space<vmem>> -> memref<32x50xi32, #tpu.memory_space<vmem>>
        %dma_start3A_792 = arith.constant 0 : i32
        %dma_start3A_793 = tpu.memref_slice %dma_start3A_791[%dma_start3A_777, %dma_start3A_792] : memref<32x50xi32, #tpu.memory_space<vmem>> -> memref<1x50xi32, #tpu.memory_space<vmem>>
        %dma_start3A_794 = tpu.memref_squeeze %dma_start3A_793 : memref<1x50xi32, #tpu.memory_space<vmem>> -> memref<50xi32, #tpu.memory_space<vmem>>
        %dma_start3A_795 = arith.constant 0 : i32
        %dma_start3A_796 = arith.constant 0 : i32
        %dma_start3A_797 = tpu.memref_slice %arg2[%dma_start3A_795, %dma_start3A_796] : memref<1000000x32xf32, #tpu.memory_space<hbm>> -> memref<1000000x32xf32, #tpu.memory_space<hbm>>
        tpu.enqueue_indirect_dma source(%dma_start3A_797 : memref<1000000x32xf32, #tpu.memory_space<hbm>>) target(%dma_start3A_787 : memref<50x32xf32, #tpu.memory_space<vmem>>) offsets(%dma_start3A_794 : memref<50xi32, #tpu.memory_space<vmem>>) semaphore(%arg5 : memref<!tpu.dma_semaphore, #tpu.memory_space<semaphore_mem>>)
        %dma_start3A_798 = arith.constant 28 : i32
        %dma_start3A_799 = arith.constant 28 : i32
        %dma_start3A_800 = arith.constant 0 : i32
        %dma_start3A_801 = arith.constant 0 : i32
        %dma_start3A_802 = arith.constant 0 : i32
        %dma_start3A_803 = tpu.memref_slice %run_scoped3A_8[%rem3A_209, %dma_start3A_800, %dma_start3A_801, %dma_start3A_802] : memref<2x32x50x32xf32, #tpu.memory_space<vmem>> -> memref<1x32x50x32xf32, #tpu.memory_space<vmem>>
        %dma_start3A_804 = tpu.memref_squeeze %dma_start3A_803 : memref<1x32x50x32xf32, #tpu.memory_space<vmem>> -> memref<32x50x32xf32, #tpu.memory_space<vmem>>
        %dma_start3A_805 = arith.constant 0 : i32
        %dma_start3A_806 = arith.constant 0 : i32
        %dma_start3A_807 = tpu.memref_slice %dma_start3A_804[%dma_start3A_799, %dma_start3A_805, %dma_start3A_806] : memref<32x50x32xf32, #tpu.memory_space<vmem>> -> memref<1x50x32xf32, #tpu.memory_space<vmem>>
        %dma_start3A_808 = tpu.memref_squeeze %dma_start3A_807 : memref<1x50x32xf32, #tpu.memory_space<vmem>> -> memref<50x32xf32, #tpu.memory_space<vmem>>
        %dma_start3A_809 = arith.constant 0 : i32
        %dma_start3A_810 = arith.constant 0 : i32
        %dma_start3A_811 = tpu.memref_slice %run_scoped3A[%rem3A_207, %dma_start3A_809, %dma_start3A_810] : memref<2x32x50xi32, #tpu.memory_space<vmem>> -> memref<1x32x50xi32, #tpu.memory_space<vmem>>
        %dma_start3A_812 = tpu.memref_squeeze %dma_start3A_811 : memref<1x32x50xi32, #tpu.memory_space<vmem>> -> memref<32x50xi32, #tpu.memory_space<vmem>>
        %dma_start3A_813 = arith.constant 0 : i32
        %dma_start3A_814 = tpu.memref_slice %dma_start3A_812[%dma_start3A_798, %dma_start3A_813] : memref<32x50xi32, #tpu.memory_space<vmem>> -> memref<1x50xi32, #tpu.memory_space<vmem>>
        %dma_start3A_815 = tpu.memref_squeeze %dma_start3A_814 : memref<1x50xi32, #tpu.memory_space<vmem>> -> memref<50xi32, #tpu.memory_space<vmem>>
        %dma_start3A_816 = arith.constant 0 : i32
        %dma_start3A_817 = arith.constant 0 : i32
        %dma_start3A_818 = tpu.memref_slice %arg2[%dma_start3A_816, %dma_start3A_817] : memref<1000000x32xf32, #tpu.memory_space<hbm>> -> memref<1000000x32xf32, #tpu.memory_space<hbm>>
        tpu.enqueue_indirect_dma source(%dma_start3A_818 : memref<1000000x32xf32, #tpu.memory_space<hbm>>) target(%dma_start3A_808 : memref<50x32xf32, #tpu.memory_space<vmem>>) offsets(%dma_start3A_815 : memref<50xi32, #tpu.memory_space<vmem>>) semaphore(%arg5 : memref<!tpu.dma_semaphore, #tpu.memory_space<semaphore_mem>>)
        %dma_start3A_819 = arith.constant 29 : i32
        %dma_start3A_820 = arith.constant 29 : i32
        %dma_start3A_821 = arith.constant 0 : i32
        %dma_start3A_822 = arith.constant 0 : i32
        %dma_start3A_823 = arith.constant 0 : i32
        %dma_start3A_824 = tpu.memref_slice %run_scoped3A_8[%rem3A_209, %dma_start3A_821, %dma_start3A_822, %dma_start3A_823] : memref<2x32x50x32xf32, #tpu.memory_space<vmem>> -> memref<1x32x50x32xf32, #tpu.memory_space<vmem>>
        %dma_start3A_825 = tpu.memref_squeeze %dma_start3A_824 : memref<1x32x50x32xf32, #tpu.memory_space<vmem>> -> memref<32x50x32xf32, #tpu.memory_space<vmem>>
        %dma_start3A_826 = arith.constant 0 : i32
        %dma_start3A_827 = arith.constant 0 : i32
        %dma_start3A_828 = tpu.memref_slice %dma_start3A_825[%dma_start3A_820, %dma_start3A_826, %dma_start3A_827] : memref<32x50x32xf32, #tpu.memory_space<vmem>> -> memref<1x50x32xf32, #tpu.memory_space<vmem>>
        %dma_start3A_829 = tpu.memref_squeeze %dma_start3A_828 : memref<1x50x32xf32, #tpu.memory_space<vmem>> -> memref<50x32xf32, #tpu.memory_space<vmem>>
        %dma_start3A_830 = arith.constant 0 : i32
        %dma_start3A_831 = arith.constant 0 : i32
        %dma_start3A_832 = tpu.memref_slice %run_scoped3A[%rem3A_207, %dma_start3A_830, %dma_start3A_831] : memref<2x32x50xi32, #tpu.memory_space<vmem>> -> memref<1x32x50xi32, #tpu.memory_space<vmem>>
        %dma_start3A_833 = tpu.memref_squeeze %dma_start3A_832 : memref<1x32x50xi32, #tpu.memory_space<vmem>> -> memref<32x50xi32, #tpu.memory_space<vmem>>
        %dma_start3A_834 = arith.constant 0 : i32
        %dma_start3A_835 = tpu.memref_slice %dma_start3A_833[%dma_start3A_819, %dma_start3A_834] : memref<32x50xi32, #tpu.memory_space<vmem>> -> memref<1x50xi32, #tpu.memory_space<vmem>>
        %dma_start3A_836 = tpu.memref_squeeze %dma_start3A_835 : memref<1x50xi32, #tpu.memory_space<vmem>> -> memref<50xi32, #tpu.memory_space<vmem>>
        %dma_start3A_837 = arith.constant 0 : i32
        %dma_start3A_838 = arith.constant 0 : i32
        %dma_start3A_839 = tpu.memref_slice %arg2[%dma_start3A_837, %dma_start3A_838] : memref<1000000x32xf32, #tpu.memory_space<hbm>> -> memref<1000000x32xf32, #tpu.memory_space<hbm>>
        tpu.enqueue_indirect_dma source(%dma_start3A_839 : memref<1000000x32xf32, #tpu.memory_space<hbm>>) target(%dma_start3A_829 : memref<50x32xf32, #tpu.memory_space<vmem>>) offsets(%dma_start3A_836 : memref<50xi32, #tpu.memory_space<vmem>>) semaphore(%arg5 : memref<!tpu.dma_semaphore, #tpu.memory_space<semaphore_mem>>)
        %dma_start3A_840 = arith.constant 30 : i32
        %dma_start3A_841 = arith.constant 30 : i32
        %dma_start3A_842 = arith.constant 0 : i32
        %dma_start3A_843 = arith.constant 0 : i32
        %dma_start3A_844 = arith.constant 0 : i32
        %dma_start3A_845 = tpu.memref_slice %run_scoped3A_8[%rem3A_209, %dma_start3A_842, %dma_start3A_843, %dma_start3A_844] : memref<2x32x50x32xf32, #tpu.memory_space<vmem>> -> memref<1x32x50x32xf32, #tpu.memory_space<vmem>>
        %dma_start3A_846 = tpu.memref_squeeze %dma_start3A_845 : memref<1x32x50x32xf32, #tpu.memory_space<vmem>> -> memref<32x50x32xf32, #tpu.memory_space<vmem>>
        %dma_start3A_847 = arith.constant 0 : i32
        %dma_start3A_848 = arith.constant 0 : i32
        %dma_start3A_849 = tpu.memref_slice %dma_start3A_846[%dma_start3A_841, %dma_start3A_847, %dma_start3A_848] : memref<32x50x32xf32, #tpu.memory_space<vmem>> -> memref<1x50x32xf32, #tpu.memory_space<vmem>>
        %dma_start3A_850 = tpu.memref_squeeze %dma_start3A_849 : memref<1x50x32xf32, #tpu.memory_space<vmem>> -> memref<50x32xf32, #tpu.memory_space<vmem>>
        %dma_start3A_851 = arith.constant 0 : i32
        %dma_start3A_852 = arith.constant 0 : i32
        %dma_start3A_853 = tpu.memref_slice %run_scoped3A[%rem3A_207, %dma_start3A_851, %dma_start3A_852] : memref<2x32x50xi32, #tpu.memory_space<vmem>> -> memref<1x32x50xi32, #tpu.memory_space<vmem>>
        %dma_start3A_854 = tpu.memref_squeeze %dma_start3A_853 : memref<1x32x50xi32, #tpu.memory_space<vmem>> -> memref<32x50xi32, #tpu.memory_space<vmem>>
        %dma_start3A_855 = arith.constant 0 : i32
        %dma_start3A_856 = tpu.memref_slice %dma_start3A_854[%dma_start3A_840, %dma_start3A_855] : memref<32x50xi32, #tpu.memory_space<vmem>> -> memref<1x50xi32, #tpu.memory_space<vmem>>
        %dma_start3A_857 = tpu.memref_squeeze %dma_start3A_856 : memref<1x50xi32, #tpu.memory_space<vmem>> -> memref<50xi32, #tpu.memory_space<vmem>>
        %dma_start3A_858 = arith.constant 0 : i32
        %dma_start3A_859 = arith.constant 0 : i32
        %dma_start3A_860 = tpu.memref_slice %arg2[%dma_start3A_858, %dma_start3A_859] : memref<1000000x32xf32, #tpu.memory_space<hbm>> -> memref<1000000x32xf32, #tpu.memory_space<hbm>>
        tpu.enqueue_indirect_dma source(%dma_start3A_860 : memref<1000000x32xf32, #tpu.memory_space<hbm>>) target(%dma_start3A_850 : memref<50x32xf32, #tpu.memory_space<vmem>>) offsets(%dma_start3A_857 : memref<50xi32, #tpu.memory_space<vmem>>) semaphore(%arg5 : memref<!tpu.dma_semaphore, #tpu.memory_space<semaphore_mem>>)
        %dma_start3A_861 = arith.constant 31 : i32
        %dma_start3A_862 = arith.constant 31 : i32
        %dma_start3A_863 = arith.constant 0 : i32
        %dma_start3A_864 = arith.constant 0 : i32
        %dma_start3A_865 = arith.constant 0 : i32
        %dma_start3A_866 = tpu.memref_slice %run_scoped3A_8[%rem3A_209, %dma_start3A_863, %dma_start3A_864, %dma_start3A_865] : memref<2x32x50x32xf32, #tpu.memory_space<vmem>> -> memref<1x32x50x32xf32, #tpu.memory_space<vmem>>
        %dma_start3A_867 = tpu.memref_squeeze %dma_start3A_866 : memref<1x32x50x32xf32, #tpu.memory_space<vmem>> -> memref<32x50x32xf32, #tpu.memory_space<vmem>>
        %dma_start3A_868 = arith.constant 0 : i32
        %dma_start3A_869 = arith.constant 0 : i32
        %dma_start3A_870 = tpu.memref_slice %dma_start3A_867[%dma_start3A_862, %dma_start3A_868, %dma_start3A_869] : memref<32x50x32xf32, #tpu.memory_space<vmem>> -> memref<1x50x32xf32, #tpu.memory_space<vmem>>
        %dma_start3A_871 = tpu.memref_squeeze %dma_start3A_870 : memref<1x50x32xf32, #tpu.memory_space<vmem>> -> memref<50x32xf32, #tpu.memory_space<vmem>>
        %dma_start3A_872 = arith.constant 0 : i32
        %dma_start3A_873 = arith.constant 0 : i32
        %dma_start3A_874 = tpu.memref_slice %run_scoped3A[%rem3A_207, %dma_start3A_872, %dma_start3A_873] : memref<2x32x50xi32, #tpu.memory_space<vmem>> -> memref<1x32x50xi32, #tpu.memory_space<vmem>>
        %dma_start3A_875 = tpu.memref_squeeze %dma_start3A_874 : memref<1x32x50xi32, #tpu.memory_space<vmem>> -> memref<32x50xi32, #tpu.memory_space<vmem>>
        %dma_start3A_876 = arith.constant 0 : i32
        %dma_start3A_877 = tpu.memref_slice %dma_start3A_875[%dma_start3A_861, %dma_start3A_876] : memref<32x50xi32, #tpu.memory_space<vmem>> -> memref<1x50xi32, #tpu.memory_space<vmem>>
        %dma_start3A_878 = tpu.memref_squeeze %dma_start3A_877 : memref<1x50xi32, #tpu.memory_space<vmem>> -> memref<50xi32, #tpu.memory_space<vmem>>
        %dma_start3A_879 = arith.constant 0 : i32
        %dma_start3A_880 = arith.constant 0 : i32
        %dma_start3A_881 = tpu.memref_slice %arg2[%dma_start3A_879, %dma_start3A_880] : memref<1000000x32xf32, #tpu.memory_space<hbm>> -> memref<1000000x32xf32, #tpu.memory_space<hbm>>
        tpu.enqueue_indirect_dma source(%dma_start3A_881 : memref<1000000x32xf32, #tpu.memory_space<hbm>>) target(%dma_start3A_871 : memref<50x32xf32, #tpu.memory_space<vmem>>) offsets(%dma_start3A_878 : memref<50xi32, #tpu.memory_space<vmem>>) semaphore(%arg5 : memref<!tpu.dma_semaphore, #tpu.memory_space<semaphore_mem>>)
        %dma_wait3A_882 = arith.constant 0 : i32
        %dma_wait3A_883 = arith.constant 0 : i32
        %dma_wait3A_884 = arith.constant 0 : i32
        %dma_wait3A_885 = arith.constant 0 : i32
        %dma_wait3A_886 = arith.constant 0 : i32
        %dma_wait3A_887 = tpu.memref_slice %run_scoped3A_8[%rem3A_209, %dma_wait3A_884, %dma_wait3A_885, %dma_wait3A_886] : memref<2x32x50x32xf32, #tpu.memory_space<vmem>> -> memref<1x32x50x32xf32, #tpu.memory_space<vmem>>
        %dma_wait3A_888 = tpu.memref_squeeze %dma_wait3A_887 : memref<1x32x50x32xf32, #tpu.memory_space<vmem>> -> memref<32x50x32xf32, #tpu.memory_space<vmem>>
        %dma_wait3A_889 = arith.constant 0 : i32
        %dma_wait3A_890 = arith.constant 0 : i32
        %dma_wait3A_891 = tpu.memref_slice %dma_wait3A_888[%dma_wait3A_883, %dma_wait3A_889, %dma_wait3A_890] : memref<32x50x32xf32, #tpu.memory_space<vmem>> -> memref<1x50x32xf32, #tpu.memory_space<vmem>>
        %dma_wait3A_892 = tpu.memref_squeeze %dma_wait3A_891 : memref<1x50x32xf32, #tpu.memory_space<vmem>> -> memref<50x32xf32, #tpu.memory_space<vmem>>
        %dma_wait3A_893 = arith.constant 0 : i32
        %dma_wait3A_894 = arith.constant 0 : i32
        %dma_wait3A_895 = tpu.memref_slice %run_scoped3A[%rem3A_207, %dma_wait3A_893, %dma_wait3A_894] : memref<2x32x50xi32, #tpu.memory_space<vmem>> -> memref<1x32x50xi32, #tpu.memory_space<vmem>>
        %dma_wait3A_896 = tpu.memref_squeeze %dma_wait3A_895 : memref<1x32x50xi32, #tpu.memory_space<vmem>> -> memref<32x50xi32, #tpu.memory_space<vmem>>
        %dma_wait3A_897 = arith.constant 0 : i32
        %dma_wait3A_898 = tpu.memref_slice %dma_wait3A_896[%dma_wait3A_882, %dma_wait3A_897] : memref<32x50xi32, #tpu.memory_space<vmem>> -> memref<1x50xi32, #tpu.memory_space<vmem>>
        %dma_wait3A_899 = tpu.memref_squeeze %dma_wait3A_898 : memref<1x50xi32, #tpu.memory_space<vmem>> -> memref<50xi32, #tpu.memory_space<vmem>>
        %dma_wait3A_900 = arith.constant 0 : i32
        %dma_wait3A_901 = arith.constant 0 : i32
        %dma_wait3A_902 = tpu.memref_slice %arg2[%dma_wait3A_900, %dma_wait3A_901] : memref<1000000x32xf32, #tpu.memory_space<hbm>> -> memref<1000000x32xf32, #tpu.memory_space<hbm>>
        tpu.wait_indirect_dma semaphore(%arg5 : memref<!tpu.dma_semaphore, #tpu.memory_space<semaphore_mem>>) src(%dma_wait3A_902 : memref<1000000x32xf32, #tpu.memory_space<hbm>>) dst(%dma_wait3A_892 : memref<50x32xf32, #tpu.memory_space<vmem>>)
        %dma_wait3A_903 = arith.constant 1 : i32
        %dma_wait3A_904 = arith.constant 1 : i32
        %dma_wait3A_905 = arith.constant 0 : i32
        %dma_wait3A_906 = arith.constant 0 : i32
        %dma_wait3A_907 = arith.constant 0 : i32
        %dma_wait3A_908 = tpu.memref_slice %run_scoped3A_8[%rem3A_209, %dma_wait3A_905, %dma_wait3A_906, %dma_wait3A_907] : memref<2x32x50x32xf32, #tpu.memory_space<vmem>> -> memref<1x32x50x32xf32, #tpu.memory_space<vmem>>
        %dma_wait3A_909 = tpu.memref_squeeze %dma_wait3A_908 : memref<1x32x50x32xf32, #tpu.memory_space<vmem>> -> memref<32x50x32xf32, #tpu.memory_space<vmem>>
        %dma_wait3A_910 = arith.constant 0 : i32
        %dma_wait3A_911 = arith.constant 0 : i32
        %dma_wait3A_912 = tpu.memref_slice %dma_wait3A_909[%dma_wait3A_904, %dma_wait3A_910, %dma_wait3A_911] : memref<32x50x32xf32, #tpu.memory_space<vmem>> -> memref<1x50x32xf32, #tpu.memory_space<vmem>>
        %dma_wait3A_913 = tpu.memref_squeeze %dma_wait3A_912 : memref<1x50x32xf32, #tpu.memory_space<vmem>> -> memref<50x32xf32, #tpu.memory_space<vmem>>
        %dma_wait3A_914 = arith.constant 0 : i32
        %dma_wait3A_915 = arith.constant 0 : i32
        %dma_wait3A_916 = tpu.memref_slice %run_scoped3A[%rem3A_207, %dma_wait3A_914, %dma_wait3A_915] : memref<2x32x50xi32, #tpu.memory_space<vmem>> -> memref<1x32x50xi32, #tpu.memory_space<vmem>>
        %dma_wait3A_917 = tpu.memref_squeeze %dma_wait3A_916 : memref<1x32x50xi32, #tpu.memory_space<vmem>> -> memref<32x50xi32, #tpu.memory_space<vmem>>
        %dma_wait3A_918 = arith.constant 0 : i32
        %dma_wait3A_919 = tpu.memref_slice %dma_wait3A_917[%dma_wait3A_903, %dma_wait3A_918] : memref<32x50xi32, #tpu.memory_space<vmem>> -> memref<1x50xi32, #tpu.memory_space<vmem>>
        %dma_wait3A_920 = tpu.memref_squeeze %dma_wait3A_919 : memref<1x50xi32, #tpu.memory_space<vmem>> -> memref<50xi32, #tpu.memory_space<vmem>>
        %dma_wait3A_921 = arith.constant 0 : i32
        %dma_wait3A_922 = arith.constant 0 : i32
        %dma_wait3A_923 = tpu.memref_slice %arg2[%dma_wait3A_921, %dma_wait3A_922] : memref<1000000x32xf32, #tpu.memory_space<hbm>> -> memref<1000000x32xf32, #tpu.memory_space<hbm>>
        tpu.wait_indirect_dma semaphore(%arg5 : memref<!tpu.dma_semaphore, #tpu.memory_space<semaphore_mem>>) src(%dma_wait3A_923 : memref<1000000x32xf32, #tpu.memory_space<hbm>>) dst(%dma_wait3A_913 : memref<50x32xf32, #tpu.memory_space<vmem>>)
        %dma_wait3A_924 = arith.constant 2 : i32
        %dma_wait3A_925 = arith.constant 2 : i32
        %dma_wait3A_926 = arith.constant 0 : i32
        %dma_wait3A_927 = arith.constant 0 : i32
        %dma_wait3A_928 = arith.constant 0 : i32
        %dma_wait3A_929 = tpu.memref_slice %run_scoped3A_8[%rem3A_209, %dma_wait3A_926, %dma_wait3A_927, %dma_wait3A_928] : memref<2x32x50x32xf32, #tpu.memory_space<vmem>> -> memref<1x32x50x32xf32, #tpu.memory_space<vmem>>
        %dma_wait3A_930 = tpu.memref_squeeze %dma_wait3A_929 : memref<1x32x50x32xf32, #tpu.memory_space<vmem>> -> memref<32x50x32xf32, #tpu.memory_space<vmem>>
        %dma_wait3A_931 = arith.constant 0 : i32
        %dma_wait3A_932 = arith.constant 0 : i32
        %dma_wait3A_933 = tpu.memref_slice %dma_wait3A_930[%dma_wait3A_925, %dma_wait3A_931, %dma_wait3A_932] : memref<32x50x32xf32, #tpu.memory_space<vmem>> -> memref<1x50x32xf32, #tpu.memory_space<vmem>>
        %dma_wait3A_934 = tpu.memref_squeeze %dma_wait3A_933 : memref<1x50x32xf32, #tpu.memory_space<vmem>> -> memref<50x32xf32, #tpu.memory_space<vmem>>
        %dma_wait3A_935 = arith.constant 0 : i32
        %dma_wait3A_936 = arith.constant 0 : i32
        %dma_wait3A_937 = tpu.memref_slice %run_scoped3A[%rem3A_207, %dma_wait3A_935, %dma_wait3A_936] : memref<2x32x50xi32, #tpu.memory_space<vmem>> -> memref<1x32x50xi32, #tpu.memory_space<vmem>>
        %dma_wait3A_938 = tpu.memref_squeeze %dma_wait3A_937 : memref<1x32x50xi32, #tpu.memory_space<vmem>> -> memref<32x50xi32, #tpu.memory_space<vmem>>
        %dma_wait3A_939 = arith.constant 0 : i32
        %dma_wait3A_940 = tpu.memref_slice %dma_wait3A_938[%dma_wait3A_924, %dma_wait3A_939] : memref<32x50xi32, #tpu.memory_space<vmem>> -> memref<1x50xi32, #tpu.memory_space<vmem>>
        %dma_wait3A_941 = tpu.memref_squeeze %dma_wait3A_940 : memref<1x50xi32, #tpu.memory_space<vmem>> -> memref<50xi32, #tpu.memory_space<vmem>>
        %dma_wait3A_942 = arith.constant 0 : i32
        %dma_wait3A_943 = arith.constant 0 : i32
        %dma_wait3A_944 = tpu.memref_slice %arg2[%dma_wait3A_942, %dma_wait3A_943] : memref<1000000x32xf32, #tpu.memory_space<hbm>> -> memref<1000000x32xf32, #tpu.memory_space<hbm>>
        tpu.wait_indirect_dma semaphore(%arg5 : memref<!tpu.dma_semaphore, #tpu.memory_space<semaphore_mem>>) src(%dma_wait3A_944 : memref<1000000x32xf32, #tpu.memory_space<hbm>>) dst(%dma_wait3A_934 : memref<50x32xf32, #tpu.memory_space<vmem>>)
        %dma_wait3A_945 = arith.constant 3 : i32
        %dma_wait3A_946 = arith.constant 3 : i32
        %dma_wait3A_947 = arith.constant 0 : i32
        %dma_wait3A_948 = arith.constant 0 : i32
        %dma_wait3A_949 = arith.constant 0 : i32
        %dma_wait3A_950 = tpu.memref_slice %run_scoped3A_8[%rem3A_209, %dma_wait3A_947, %dma_wait3A_948, %dma_wait3A_949] : memref<2x32x50x32xf32, #tpu.memory_space<vmem>> -> memref<1x32x50x32xf32, #tpu.memory_space<vmem>>
        %dma_wait3A_951 = tpu.memref_squeeze %dma_wait3A_950 : memref<1x32x50x32xf32, #tpu.memory_space<vmem>> -> memref<32x50x32xf32, #tpu.memory_space<vmem>>
        %dma_wait3A_952 = arith.constant 0 : i32
        %dma_wait3A_953 = arith.constant 0 : i32
        %dma_wait3A_954 = tpu.memref_slice %dma_wait3A_951[%dma_wait3A_946, %dma_wait3A_952, %dma_wait3A_953] : memref<32x50x32xf32, #tpu.memory_space<vmem>> -> memref<1x50x32xf32, #tpu.memory_space<vmem>>
        %dma_wait3A_955 = tpu.memref_squeeze %dma_wait3A_954 : memref<1x50x32xf32, #tpu.memory_space<vmem>> -> memref<50x32xf32, #tpu.memory_space<vmem>>
        %dma_wait3A_956 = arith.constant 0 : i32
        %dma_wait3A_957 = arith.constant 0 : i32
        %dma_wait3A_958 = tpu.memref_slice %run_scoped3A[%rem3A_207, %dma_wait3A_956, %dma_wait3A_957] : memref<2x32x50xi32, #tpu.memory_space<vmem>> -> memref<1x32x50xi32, #tpu.memory_space<vmem>>
        %dma_wait3A_959 = tpu.memref_squeeze %dma_wait3A_958 : memref<1x32x50xi32, #tpu.memory_space<vmem>> -> memref<32x50xi32, #tpu.memory_space<vmem>>
        %dma_wait3A_960 = arith.constant 0 : i32
        %dma_wait3A_961 = tpu.memref_slice %dma_wait3A_959[%dma_wait3A_945, %dma_wait3A_960] : memref<32x50xi32, #tpu.memory_space<vmem>> -> memref<1x50xi32, #tpu.memory_space<vmem>>
        %dma_wait3A_962 = tpu.memref_squeeze %dma_wait3A_961 : memref<1x50xi32, #tpu.memory_space<vmem>> -> memref<50xi32, #tpu.memory_space<vmem>>
        %dma_wait3A_963 = arith.constant 0 : i32
        %dma_wait3A_964 = arith.constant 0 : i32
        %dma_wait3A_965 = tpu.memref_slice %arg2[%dma_wait3A_963, %dma_wait3A_964] : memref<1000000x32xf32, #tpu.memory_space<hbm>> -> memref<1000000x32xf32, #tpu.memory_space<hbm>>
        tpu.wait_indirect_dma semaphore(%arg5 : memref<!tpu.dma_semaphore, #tpu.memory_space<semaphore_mem>>) src(%dma_wait3A_965 : memref<1000000x32xf32, #tpu.memory_space<hbm>>) dst(%dma_wait3A_955 : memref<50x32xf32, #tpu.memory_space<vmem>>)
        %dma_wait3A_966 = arith.constant 4 : i32
        %dma_wait3A_967 = arith.constant 4 : i32
        %dma_wait3A_968 = arith.constant 0 : i32
        %dma_wait3A_969 = arith.constant 0 : i32
        %dma_wait3A_970 = arith.constant 0 : i32
        %dma_wait3A_971 = tpu.memref_slice %run_scoped3A_8[%rem3A_209, %dma_wait3A_968, %dma_wait3A_969, %dma_wait3A_970] : memref<2x32x50x32xf32, #tpu.memory_space<vmem>> -> memref<1x32x50x32xf32, #tpu.memory_space<vmem>>
        %dma_wait3A_972 = tpu.memref_squeeze %dma_wait3A_971 : memref<1x32x50x32xf32, #tpu.memory_space<vmem>> -> memref<32x50x32xf32, #tpu.memory_space<vmem>>
        %dma_wait3A_973 = arith.constant 0 : i32
        %dma_wait3A_974 = arith.constant 0 : i32
        %dma_wait3A_975 = tpu.memref_slice %dma_wait3A_972[%dma_wait3A_967, %dma_wait3A_973, %dma_wait3A_974] : memref<32x50x32xf32, #tpu.memory_space<vmem>> -> memref<1x50x32xf32, #tpu.memory_space<vmem>>
        %dma_wait3A_976 = tpu.memref_squeeze %dma_wait3A_975 : memref<1x50x32xf32, #tpu.memory_space<vmem>> -> memref<50x32xf32, #tpu.memory_space<vmem>>
        %dma_wait3A_977 = arith.constant 0 : i32
        %dma_wait3A_978 = arith.constant 0 : i32
        %dma_wait3A_979 = tpu.memref_slice %run_scoped3A[%rem3A_207, %dma_wait3A_977, %dma_wait3A_978] : memref<2x32x50xi32, #tpu.memory_space<vmem>> -> memref<1x32x50xi32, #tpu.memory_space<vmem>>
        %dma_wait3A_980 = tpu.memref_squeeze %dma_wait3A_979 : memref<1x32x50xi32, #tpu.memory_space<vmem>> -> memref<32x50xi32, #tpu.memory_space<vmem>>
        %dma_wait3A_981 = arith.constant 0 : i32
        %dma_wait3A_982 = tpu.memref_slice %dma_wait3A_980[%dma_wait3A_966, %dma_wait3A_981] : memref<32x50xi32, #tpu.memory_space<vmem>> -> memref<1x50xi32, #tpu.memory_space<vmem>>
        %dma_wait3A_983 = tpu.memref_squeeze %dma_wait3A_982 : memref<1x50xi32, #tpu.memory_space<vmem>> -> memref<50xi32, #tpu.memory_space<vmem>>
        %dma_wait3A_984 = arith.constant 0 : i32
        %dma_wait3A_985 = arith.constant 0 : i32
        %dma_wait3A_986 = tpu.memref_slice %arg2[%dma_wait3A_984, %dma_wait3A_985] : memref<1000000x32xf32, #tpu.memory_space<hbm>> -> memref<1000000x32xf32, #tpu.memory_space<hbm>>
        tpu.wait_indirect_dma semaphore(%arg5 : memref<!tpu.dma_semaphore, #tpu.memory_space<semaphore_mem>>) src(%dma_wait3A_986 : memref<1000000x32xf32, #tpu.memory_space<hbm>>) dst(%dma_wait3A_976 : memref<50x32xf32, #tpu.memory_space<vmem>>)
        %dma_wait3A_987 = arith.constant 5 : i32
        %dma_wait3A_988 = arith.constant 5 : i32
        %dma_wait3A_989 = arith.constant 0 : i32
        %dma_wait3A_990 = arith.constant 0 : i32
        %dma_wait3A_991 = arith.constant 0 : i32
        %dma_wait3A_992 = tpu.memref_slice %run_scoped3A_8[%rem3A_209, %dma_wait3A_989, %dma_wait3A_990, %dma_wait3A_991] : memref<2x32x50x32xf32, #tpu.memory_space<vmem>> -> memref<1x32x50x32xf32, #tpu.memory_space<vmem>>
        %dma_wait3A_993 = tpu.memref_squeeze %dma_wait3A_992 : memref<1x32x50x32xf32, #tpu.memory_space<vmem>> -> memref<32x50x32xf32, #tpu.memory_space<vmem>>
        %dma_wait3A_994 = arith.constant 0 : i32
        %dma_wait3A_995 = arith.constant 0 : i32
        %dma_wait3A_996 = tpu.memref_slice %dma_wait3A_993[%dma_wait3A_988, %dma_wait3A_994, %dma_wait3A_995] : memref<32x50x32xf32, #tpu.memory_space<vmem>> -> memref<1x50x32xf32, #tpu.memory_space<vmem>>
        %dma_wait3A_997 = tpu.memref_squeeze %dma_wait3A_996 : memref<1x50x32xf32, #tpu.memory_space<vmem>> -> memref<50x32xf32, #tpu.memory_space<vmem>>
        %dma_wait3A_998 = arith.constant 0 : i32
        %dma_wait3A_999 = arith.constant 0 : i32
        %dma_wait3A_1000 = tpu.memref_slice %run_scoped3A[%rem3A_207, %dma_wait3A_998, %dma_wait3A_999] : memref<2x32x50xi32, #tpu.memory_space<vmem>> -> memref<1x32x50xi32, #tpu.memory_space<vmem>>
        %dma_wait3A_1001 = tpu.memref_squeeze %dma_wait3A_1000 : memref<1x32x50xi32, #tpu.memory_space<vmem>> -> memref<32x50xi32, #tpu.memory_space<vmem>>
        %dma_wait3A_1002 = arith.constant 0 : i32
        %dma_wait3A_1003 = tpu.memref_slice %dma_wait3A_1001[%dma_wait3A_987, %dma_wait3A_1002] : memref<32x50xi32, #tpu.memory_space<vmem>> -> memref<1x50xi32, #tpu.memory_space<vmem>>
        %dma_wait3A_1004 = tpu.memref_squeeze %dma_wait3A_1003 : memref<1x50xi32, #tpu.memory_space<vmem>> -> memref<50xi32, #tpu.memory_space<vmem>>
        %dma_wait3A_1005 = arith.constant 0 : i32
        %dma_wait3A_1006 = arith.constant 0 : i32
        %dma_wait3A_1007 = tpu.memref_slice %arg2[%dma_wait3A_1005, %dma_wait3A_1006] : memref<1000000x32xf32, #tpu.memory_space<hbm>> -> memref<1000000x32xf32, #tpu.memory_space<hbm>>
        tpu.wait_indirect_dma semaphore(%arg5 : memref<!tpu.dma_semaphore, #tpu.memory_space<semaphore_mem>>) src(%dma_wait3A_1007 : memref<1000000x32xf32, #tpu.memory_space<hbm>>) dst(%dma_wait3A_997 : memref<50x32xf32, #tpu.memory_space<vmem>>)
        %dma_wait3A_1008 = arith.constant 6 : i32
        %dma_wait3A_1009 = arith.constant 6 : i32
        %dma_wait3A_1010 = arith.constant 0 : i32
        %dma_wait3A_1011 = arith.constant 0 : i32
        %dma_wait3A_1012 = arith.constant 0 : i32
        %dma_wait3A_1013 = tpu.memref_slice %run_scoped3A_8[%rem3A_209, %dma_wait3A_1010, %dma_wait3A_1011, %dma_wait3A_1012] : memref<2x32x50x32xf32, #tpu.memory_space<vmem>> -> memref<1x32x50x32xf32, #tpu.memory_space<vmem>>
        %dma_wait3A_1014 = tpu.memref_squeeze %dma_wait3A_1013 : memref<1x32x50x32xf32, #tpu.memory_space<vmem>> -> memref<32x50x32xf32, #tpu.memory_space<vmem>>
        %dma_wait3A_1015 = arith.constant 0 : i32
        %dma_wait3A_1016 = arith.constant 0 : i32
        %dma_wait3A_1017 = tpu.memref_slice %dma_wait3A_1014[%dma_wait3A_1009, %dma_wait3A_1015, %dma_wait3A_1016] : memref<32x50x32xf32, #tpu.memory_space<vmem>> -> memref<1x50x32xf32, #tpu.memory_space<vmem>>
        %dma_wait3A_1018 = tpu.memref_squeeze %dma_wait3A_1017 : memref<1x50x32xf32, #tpu.memory_space<vmem>> -> memref<50x32xf32, #tpu.memory_space<vmem>>
        %dma_wait3A_1019 = arith.constant 0 : i32
        %dma_wait3A_1020 = arith.constant 0 : i32
        %dma_wait3A_1021 = tpu.memref_slice %run_scoped3A[%rem3A_207, %dma_wait3A_1019, %dma_wait3A_1020] : memref<2x32x50xi32, #tpu.memory_space<vmem>> -> memref<1x32x50xi32, #tpu.memory_space<vmem>>
        %dma_wait3A_1022 = tpu.memref_squeeze %dma_wait3A_1021 : memref<1x32x50xi32, #tpu.memory_space<vmem>> -> memref<32x50xi32, #tpu.memory_space<vmem>>
        %dma_wait3A_1023 = arith.constant 0 : i32
        %dma_wait3A_1024 = tpu.memref_slice %dma_wait3A_1022[%dma_wait3A_1008, %dma_wait3A_1023] : memref<32x50xi32, #tpu.memory_space<vmem>> -> memref<1x50xi32, #tpu.memory_space<vmem>>
        %dma_wait3A_1025 = tpu.memref_squeeze %dma_wait3A_1024 : memref<1x50xi32, #tpu.memory_space<vmem>> -> memref<50xi32, #tpu.memory_space<vmem>>
        %dma_wait3A_1026 = arith.constant 0 : i32
        %dma_wait3A_1027 = arith.constant 0 : i32
        %dma_wait3A_1028 = tpu.memref_slice %arg2[%dma_wait3A_1026, %dma_wait3A_1027] : memref<1000000x32xf32, #tpu.memory_space<hbm>> -> memref<1000000x32xf32, #tpu.memory_space<hbm>>
        tpu.wait_indirect_dma semaphore(%arg5 : memref<!tpu.dma_semaphore, #tpu.memory_space<semaphore_mem>>) src(%dma_wait3A_1028 : memref<1000000x32xf32, #tpu.memory_space<hbm>>) dst(%dma_wait3A_1018 : memref<50x32xf32, #tpu.memory_space<vmem>>)
        %dma_wait3A_1029 = arith.constant 7 : i32
        %dma_wait3A_1030 = arith.constant 7 : i32
        %dma_wait3A_1031 = arith.constant 0 : i32
        %dma_wait3A_1032 = arith.constant 0 : i32
        %dma_wait3A_1033 = arith.constant 0 : i32
        %dma_wait3A_1034 = tpu.memref_slice %run_scoped3A_8[%rem3A_209, %dma_wait3A_1031, %dma_wait3A_1032, %dma_wait3A_1033] : memref<2x32x50x32xf32, #tpu.memory_space<vmem>> -> memref<1x32x50x32xf32, #tpu.memory_space<vmem>>
        %dma_wait3A_1035 = tpu.memref_squeeze %dma_wait3A_1034 : memref<1x32x50x32xf32, #tpu.memory_space<vmem>> -> memref<32x50x32xf32, #tpu.memory_space<vmem>>
        %dma_wait3A_1036 = arith.constant 0 : i32
        %dma_wait3A_1037 = arith.constant 0 : i32
        %dma_wait3A_1038 = tpu.memref_slice %dma_wait3A_1035[%dma_wait3A_1030, %dma_wait3A_1036, %dma_wait3A_1037] : memref<32x50x32xf32, #tpu.memory_space<vmem>> -> memref<1x50x32xf32, #tpu.memory_space<vmem>>
        %dma_wait3A_1039 = tpu.memref_squeeze %dma_wait3A_1038 : memref<1x50x32xf32, #tpu.memory_space<vmem>> -> memref<50x32xf32, #tpu.memory_space<vmem>>
        %dma_wait3A_1040 = arith.constant 0 : i32
        %dma_wait3A_1041 = arith.constant 0 : i32
        %dma_wait3A_1042 = tpu.memref_slice %run_scoped3A[%rem3A_207, %dma_wait3A_1040, %dma_wait3A_1041] : memref<2x32x50xi32, #tpu.memory_space<vmem>> -> memref<1x32x50xi32, #tpu.memory_space<vmem>>
        %dma_wait3A_1043 = tpu.memref_squeeze %dma_wait3A_1042 : memref<1x32x50xi32, #tpu.memory_space<vmem>> -> memref<32x50xi32, #tpu.memory_space<vmem>>
        %dma_wait3A_1044 = arith.constant 0 : i32
        %dma_wait3A_1045 = tpu.memref_slice %dma_wait3A_1043[%dma_wait3A_1029, %dma_wait3A_1044] : memref<32x50xi32, #tpu.memory_space<vmem>> -> memref<1x50xi32, #tpu.memory_space<vmem>>
        %dma_wait3A_1046 = tpu.memref_squeeze %dma_wait3A_1045 : memref<1x50xi32, #tpu.memory_space<vmem>> -> memref<50xi32, #tpu.memory_space<vmem>>
        %dma_wait3A_1047 = arith.constant 0 : i32
        %dma_wait3A_1048 = arith.constant 0 : i32
        %dma_wait3A_1049 = tpu.memref_slice %arg2[%dma_wait3A_1047, %dma_wait3A_1048] : memref<1000000x32xf32, #tpu.memory_space<hbm>> -> memref<1000000x32xf32, #tpu.memory_space<hbm>>
        tpu.wait_indirect_dma semaphore(%arg5 : memref<!tpu.dma_semaphore, #tpu.memory_space<semaphore_mem>>) src(%dma_wait3A_1049 : memref<1000000x32xf32, #tpu.memory_space<hbm>>) dst(%dma_wait3A_1039 : memref<50x32xf32, #tpu.memory_space<vmem>>)
        %dma_wait3A_1050 = arith.constant 8 : i32
        %dma_wait3A_1051 = arith.constant 8 : i32
        %dma_wait3A_1052 = arith.constant 0 : i32
        %dma_wait3A_1053 = arith.constant 0 : i32
        %dma_wait3A_1054 = arith.constant 0 : i32
        %dma_wait3A_1055 = tpu.memref_slice %run_scoped3A_8[%rem3A_209, %dma_wait3A_1052, %dma_wait3A_1053, %dma_wait3A_1054] : memref<2x32x50x32xf32, #tpu.memory_space<vmem>> -> memref<1x32x50x32xf32, #tpu.memory_space<vmem>>
        %dma_wait3A_1056 = tpu.memref_squeeze %dma_wait3A_1055 : memref<1x32x50x32xf32, #tpu.memory_space<vmem>> -> memref<32x50x32xf32, #tpu.memory_space<vmem>>
        %dma_wait3A_1057 = arith.constant 0 : i32
        %dma_wait3A_1058 = arith.constant 0 : i32
        %dma_wait3A_1059 = tpu.memref_slice %dma_wait3A_1056[%dma_wait3A_1051, %dma_wait3A_1057, %dma_wait3A_1058] : memref<32x50x32xf32, #tpu.memory_space<vmem>> -> memref<1x50x32xf32, #tpu.memory_space<vmem>>
        %dma_wait3A_1060 = tpu.memref_squeeze %dma_wait3A_1059 : memref<1x50x32xf32, #tpu.memory_space<vmem>> -> memref<50x32xf32, #tpu.memory_space<vmem>>
        %dma_wait3A_1061 = arith.constant 0 : i32
        %dma_wait3A_1062 = arith.constant 0 : i32
        %dma_wait3A_1063 = tpu.memref_slice %run_scoped3A[%rem3A_207, %dma_wait3A_1061, %dma_wait3A_1062] : memref<2x32x50xi32, #tpu.memory_space<vmem>> -> memref<1x32x50xi32, #tpu.memory_space<vmem>>
        %dma_wait3A_1064 = tpu.memref_squeeze %dma_wait3A_1063 : memref<1x32x50xi32, #tpu.memory_space<vmem>> -> memref<32x50xi32, #tpu.memory_space<vmem>>
        %dma_wait3A_1065 = arith.constant 0 : i32
        %dma_wait3A_1066 = tpu.memref_slice %dma_wait3A_1064[%dma_wait3A_1050, %dma_wait3A_1065] : memref<32x50xi32, #tpu.memory_space<vmem>> -> memref<1x50xi32, #tpu.memory_space<vmem>>
        %dma_wait3A_1067 = tpu.memref_squeeze %dma_wait3A_1066 : memref<1x50xi32, #tpu.memory_space<vmem>> -> memref<50xi32, #tpu.memory_space<vmem>>
        %dma_wait3A_1068 = arith.constant 0 : i32
        %dma_wait3A_1069 = arith.constant 0 : i32
        %dma_wait3A_1070 = tpu.memref_slice %arg2[%dma_wait3A_1068, %dma_wait3A_1069] : memref<1000000x32xf32, #tpu.memory_space<hbm>> -> memref<1000000x32xf32, #tpu.memory_space<hbm>>
        tpu.wait_indirect_dma semaphore(%arg5 : memref<!tpu.dma_semaphore, #tpu.memory_space<semaphore_mem>>) src(%dma_wait3A_1070 : memref<1000000x32xf32, #tpu.memory_space<hbm>>) dst(%dma_wait3A_1060 : memref<50x32xf32, #tpu.memory_space<vmem>>)
        %dma_wait3A_1071 = arith.constant 9 : i32
        %dma_wait3A_1072 = arith.constant 9 : i32
        %dma_wait3A_1073 = arith.constant 0 : i32
        %dma_wait3A_1074 = arith.constant 0 : i32
        %dma_wait3A_1075 = arith.constant 0 : i32
        %dma_wait3A_1076 = tpu.memref_slice %run_scoped3A_8[%rem3A_209, %dma_wait3A_1073, %dma_wait3A_1074, %dma_wait3A_1075] : memref<2x32x50x32xf32, #tpu.memory_space<vmem>> -> memref<1x32x50x32xf32, #tpu.memory_space<vmem>>
        %dma_wait3A_1077 = tpu.memref_squeeze %dma_wait3A_1076 : memref<1x32x50x32xf32, #tpu.memory_space<vmem>> -> memref<32x50x32xf32, #tpu.memory_space<vmem>>
        %dma_wait3A_1078 = arith.constant 0 : i32
        %dma_wait3A_1079 = arith.constant 0 : i32
        %dma_wait3A_1080 = tpu.memref_slice %dma_wait3A_1077[%dma_wait3A_1072, %dma_wait3A_1078, %dma_wait3A_1079] : memref<32x50x32xf32, #tpu.memory_space<vmem>> -> memref<1x50x32xf32, #tpu.memory_space<vmem>>
        %dma_wait3A_1081 = tpu.memref_squeeze %dma_wait3A_1080 : memref<1x50x32xf32, #tpu.memory_space<vmem>> -> memref<50x32xf32, #tpu.memory_space<vmem>>
        %dma_wait3A_1082 = arith.constant 0 : i32
        %dma_wait3A_1083 = arith.constant 0 : i32
        %dma_wait3A_1084 = tpu.memref_slice %run_scoped3A[%rem3A_207, %dma_wait3A_1082, %dma_wait3A_1083] : memref<2x32x50xi32, #tpu.memory_space<vmem>> -> memref<1x32x50xi32, #tpu.memory_space<vmem>>
        %dma_wait3A_1085 = tpu.memref_squeeze %dma_wait3A_1084 : memref<1x32x50xi32, #tpu.memory_space<vmem>> -> memref<32x50xi32, #tpu.memory_space<vmem>>
        %dma_wait3A_1086 = arith.constant 0 : i32
        %dma_wait3A_1087 = tpu.memref_slice %dma_wait3A_1085[%dma_wait3A_1071, %dma_wait3A_1086] : memref<32x50xi32, #tpu.memory_space<vmem>> -> memref<1x50xi32, #tpu.memory_space<vmem>>
        %dma_wait3A_1088 = tpu.memref_squeeze %dma_wait3A_1087 : memref<1x50xi32, #tpu.memory_space<vmem>> -> memref<50xi32, #tpu.memory_space<vmem>>
        %dma_wait3A_1089 = arith.constant 0 : i32
        %dma_wait3A_1090 = arith.constant 0 : i32
        %dma_wait3A_1091 = tpu.memref_slice %arg2[%dma_wait3A_1089, %dma_wait3A_1090] : memref<1000000x32xf32, #tpu.memory_space<hbm>> -> memref<1000000x32xf32, #tpu.memory_space<hbm>>
        tpu.wait_indirect_dma semaphore(%arg5 : memref<!tpu.dma_semaphore, #tpu.memory_space<semaphore_mem>>) src(%dma_wait3A_1091 : memref<1000000x32xf32, #tpu.memory_space<hbm>>) dst(%dma_wait3A_1081 : memref<50x32xf32, #tpu.memory_space<vmem>>)
        %dma_wait3A_1092 = arith.constant 10 : i32
        %dma_wait3A_1093 = arith.constant 10 : i32
        %dma_wait3A_1094 = arith.constant 0 : i32
        %dma_wait3A_1095 = arith.constant 0 : i32
        %dma_wait3A_1096 = arith.constant 0 : i32
        %dma_wait3A_1097 = tpu.memref_slice %run_scoped3A_8[%rem3A_209, %dma_wait3A_1094, %dma_wait3A_1095, %dma_wait3A_1096] : memref<2x32x50x32xf32, #tpu.memory_space<vmem>> -> memref<1x32x50x32xf32, #tpu.memory_space<vmem>>
        %dma_wait3A_1098 = tpu.memref_squeeze %dma_wait3A_1097 : memref<1x32x50x32xf32, #tpu.memory_space<vmem>> -> memref<32x50x32xf32, #tpu.memory_space<vmem>>
        %dma_wait3A_1099 = arith.constant 0 : i32
        %dma_wait3A_1100 = arith.constant 0 : i32
        %dma_wait3A_1101 = tpu.memref_slice %dma_wait3A_1098[%dma_wait3A_1093, %dma_wait3A_1099, %dma_wait3A_1100] : memref<32x50x32xf32, #tpu.memory_space<vmem>> -> memref<1x50x32xf32, #tpu.memory_space<vmem>>
        %dma_wait3A_1102 = tpu.memref_squeeze %dma_wait3A_1101 : memref<1x50x32xf32, #tpu.memory_space<vmem>> -> memref<50x32xf32, #tpu.memory_space<vmem>>
        %dma_wait3A_1103 = arith.constant 0 : i32
        %dma_wait3A_1104 = arith.constant 0 : i32
        %dma_wait3A_1105 = tpu.memref_slice %run_scoped3A[%rem3A_207, %dma_wait3A_1103, %dma_wait3A_1104] : memref<2x32x50xi32, #tpu.memory_space<vmem>> -> memref<1x32x50xi32, #tpu.memory_space<vmem>>
        %dma_wait3A_1106 = tpu.memref_squeeze %dma_wait3A_1105 : memref<1x32x50xi32, #tpu.memory_space<vmem>> -> memref<32x50xi32, #tpu.memory_space<vmem>>
        %dma_wait3A_1107 = arith.constant 0 : i32
        %dma_wait3A_1108 = tpu.memref_slice %dma_wait3A_1106[%dma_wait3A_1092, %dma_wait3A_1107] : memref<32x50xi32, #tpu.memory_space<vmem>> -> memref<1x50xi32, #tpu.memory_space<vmem>>
        %dma_wait3A_1109 = tpu.memref_squeeze %dma_wait3A_1108 : memref<1x50xi32, #tpu.memory_space<vmem>> -> memref<50xi32, #tpu.memory_space<vmem>>
        %dma_wait3A_1110 = arith.constant 0 : i32
        %dma_wait3A_1111 = arith.constant 0 : i32
        %dma_wait3A_1112 = tpu.memref_slice %arg2[%dma_wait3A_1110, %dma_wait3A_1111] : memref<1000000x32xf32, #tpu.memory_space<hbm>> -> memref<1000000x32xf32, #tpu.memory_space<hbm>>
        tpu.wait_indirect_dma semaphore(%arg5 : memref<!tpu.dma_semaphore, #tpu.memory_space<semaphore_mem>>) src(%dma_wait3A_1112 : memref<1000000x32xf32, #tpu.memory_space<hbm>>) dst(%dma_wait3A_1102 : memref<50x32xf32, #tpu.memory_space<vmem>>)
        %dma_wait3A_1113 = arith.constant 11 : i32
        %dma_wait3A_1114 = arith.constant 11 : i32
        %dma_wait3A_1115 = arith.constant 0 : i32
        %dma_wait3A_1116 = arith.constant 0 : i32
        %dma_wait3A_1117 = arith.constant 0 : i32
        %dma_wait3A_1118 = tpu.memref_slice %run_scoped3A_8[%rem3A_209, %dma_wait3A_1115, %dma_wait3A_1116, %dma_wait3A_1117] : memref<2x32x50x32xf32, #tpu.memory_space<vmem>> -> memref<1x32x50x32xf32, #tpu.memory_space<vmem>>
        %dma_wait3A_1119 = tpu.memref_squeeze %dma_wait3A_1118 : memref<1x32x50x32xf32, #tpu.memory_space<vmem>> -> memref<32x50x32xf32, #tpu.memory_space<vmem>>
        %dma_wait3A_1120 = arith.constant 0 : i32
        %dma_wait3A_1121 = arith.constant 0 : i32
        %dma_wait3A_1122 = tpu.memref_slice %dma_wait3A_1119[%dma_wait3A_1114, %dma_wait3A_1120, %dma_wait3A_1121] : memref<32x50x32xf32, #tpu.memory_space<vmem>> -> memref<1x50x32xf32, #tpu.memory_space<vmem>>
        %dma_wait3A_1123 = tpu.memref_squeeze %dma_wait3A_1122 : memref<1x50x32xf32, #tpu.memory_space<vmem>> -> memref<50x32xf32, #tpu.memory_space<vmem>>
        %dma_wait3A_1124 = arith.constant 0 : i32
        %dma_wait3A_1125 = arith.constant 0 : i32
        %dma_wait3A_1126 = tpu.memref_slice %run_scoped3A[%rem3A_207, %dma_wait3A_1124, %dma_wait3A_1125] : memref<2x32x50xi32, #tpu.memory_space<vmem>> -> memref<1x32x50xi32, #tpu.memory_space<vmem>>
        %dma_wait3A_1127 = tpu.memref_squeeze %dma_wait3A_1126 : memref<1x32x50xi32, #tpu.memory_space<vmem>> -> memref<32x50xi32, #tpu.memory_space<vmem>>
        %dma_wait3A_1128 = arith.constant 0 : i32
        %dma_wait3A_1129 = tpu.memref_slice %dma_wait3A_1127[%dma_wait3A_1113, %dma_wait3A_1128] : memref<32x50xi32, #tpu.memory_space<vmem>> -> memref<1x50xi32, #tpu.memory_space<vmem>>
        %dma_wait3A_1130 = tpu.memref_squeeze %dma_wait3A_1129 : memref<1x50xi32, #tpu.memory_space<vmem>> -> memref<50xi32, #tpu.memory_space<vmem>>
        %dma_wait3A_1131 = arith.constant 0 : i32
        %dma_wait3A_1132 = arith.constant 0 : i32
        %dma_wait3A_1133 = tpu.memref_slice %arg2[%dma_wait3A_1131, %dma_wait3A_1132] : memref<1000000x32xf32, #tpu.memory_space<hbm>> -> memref<1000000x32xf32, #tpu.memory_space<hbm>>
        tpu.wait_indirect_dma semaphore(%arg5 : memref<!tpu.dma_semaphore, #tpu.memory_space<semaphore_mem>>) src(%dma_wait3A_1133 : memref<1000000x32xf32, #tpu.memory_space<hbm>>) dst(%dma_wait3A_1123 : memref<50x32xf32, #tpu.memory_space<vmem>>)
        %dma_wait3A_1134 = arith.constant 12 : i32
        %dma_wait3A_1135 = arith.constant 12 : i32
        %dma_wait3A_1136 = arith.constant 0 : i32
        %dma_wait3A_1137 = arith.constant 0 : i32
        %dma_wait3A_1138 = arith.constant 0 : i32
        %dma_wait3A_1139 = tpu.memref_slice %run_scoped3A_8[%rem3A_209, %dma_wait3A_1136, %dma_wait3A_1137, %dma_wait3A_1138] : memref<2x32x50x32xf32, #tpu.memory_space<vmem>> -> memref<1x32x50x32xf32, #tpu.memory_space<vmem>>
        %dma_wait3A_1140 = tpu.memref_squeeze %dma_wait3A_1139 : memref<1x32x50x32xf32, #tpu.memory_space<vmem>> -> memref<32x50x32xf32, #tpu.memory_space<vmem>>
        %dma_wait3A_1141 = arith.constant 0 : i32
        %dma_wait3A_1142 = arith.constant 0 : i32
        %dma_wait3A_1143 = tpu.memref_slice %dma_wait3A_1140[%dma_wait3A_1135, %dma_wait3A_1141, %dma_wait3A_1142] : memref<32x50x32xf32, #tpu.memory_space<vmem>> -> memref<1x50x32xf32, #tpu.memory_space<vmem>>
        %dma_wait3A_1144 = tpu.memref_squeeze %dma_wait3A_1143 : memref<1x50x32xf32, #tpu.memory_space<vmem>> -> memref<50x32xf32, #tpu.memory_space<vmem>>
        %dma_wait3A_1145 = arith.constant 0 : i32
        %dma_wait3A_1146 = arith.constant 0 : i32
        %dma_wait3A_1147 = tpu.memref_slice %run_scoped3A[%rem3A_207, %dma_wait3A_1145, %dma_wait3A_1146] : memref<2x32x50xi32, #tpu.memory_space<vmem>> -> memref<1x32x50xi32, #tpu.memory_space<vmem>>
        %dma_wait3A_1148 = tpu.memref_squeeze %dma_wait3A_1147 : memref<1x32x50xi32, #tpu.memory_space<vmem>> -> memref<32x50xi32, #tpu.memory_space<vmem>>
        %dma_wait3A_1149 = arith.constant 0 : i32
        %dma_wait3A_1150 = tpu.memref_slice %dma_wait3A_1148[%dma_wait3A_1134, %dma_wait3A_1149] : memref<32x50xi32, #tpu.memory_space<vmem>> -> memref<1x50xi32, #tpu.memory_space<vmem>>
        %dma_wait3A_1151 = tpu.memref_squeeze %dma_wait3A_1150 : memref<1x50xi32, #tpu.memory_space<vmem>> -> memref<50xi32, #tpu.memory_space<vmem>>
        %dma_wait3A_1152 = arith.constant 0 : i32
        %dma_wait3A_1153 = arith.constant 0 : i32
        %dma_wait3A_1154 = tpu.memref_slice %arg2[%dma_wait3A_1152, %dma_wait3A_1153] : memref<1000000x32xf32, #tpu.memory_space<hbm>> -> memref<1000000x32xf32, #tpu.memory_space<hbm>>
        tpu.wait_indirect_dma semaphore(%arg5 : memref<!tpu.dma_semaphore, #tpu.memory_space<semaphore_mem>>) src(%dma_wait3A_1154 : memref<1000000x32xf32, #tpu.memory_space<hbm>>) dst(%dma_wait3A_1144 : memref<50x32xf32, #tpu.memory_space<vmem>>)
        %dma_wait3A_1155 = arith.constant 13 : i32
        %dma_wait3A_1156 = arith.constant 13 : i32
        %dma_wait3A_1157 = arith.constant 0 : i32
        %dma_wait3A_1158 = arith.constant 0 : i32
        %dma_wait3A_1159 = arith.constant 0 : i32
        %dma_wait3A_1160 = tpu.memref_slice %run_scoped3A_8[%rem3A_209, %dma_wait3A_1157, %dma_wait3A_1158, %dma_wait3A_1159] : memref<2x32x50x32xf32, #tpu.memory_space<vmem>> -> memref<1x32x50x32xf32, #tpu.memory_space<vmem>>
        %dma_wait3A_1161 = tpu.memref_squeeze %dma_wait3A_1160 : memref<1x32x50x32xf32, #tpu.memory_space<vmem>> -> memref<32x50x32xf32, #tpu.memory_space<vmem>>
        %dma_wait3A_1162 = arith.constant 0 : i32
        %dma_wait3A_1163 = arith.constant 0 : i32
        %dma_wait3A_1164 = tpu.memref_slice %dma_wait3A_1161[%dma_wait3A_1156, %dma_wait3A_1162, %dma_wait3A_1163] : memref<32x50x32xf32, #tpu.memory_space<vmem>> -> memref<1x50x32xf32, #tpu.memory_space<vmem>>
        %dma_wait3A_1165 = tpu.memref_squeeze %dma_wait3A_1164 : memref<1x50x32xf32, #tpu.memory_space<vmem>> -> memref<50x32xf32, #tpu.memory_space<vmem>>
        %dma_wait3A_1166 = arith.constant 0 : i32
        %dma_wait3A_1167 = arith.constant 0 : i32
        %dma_wait3A_1168 = tpu.memref_slice %run_scoped3A[%rem3A_207, %dma_wait3A_1166, %dma_wait3A_1167] : memref<2x32x50xi32, #tpu.memory_space<vmem>> -> memref<1x32x50xi32, #tpu.memory_space<vmem>>
        %dma_wait3A_1169 = tpu.memref_squeeze %dma_wait3A_1168 : memref<1x32x50xi32, #tpu.memory_space<vmem>> -> memref<32x50xi32, #tpu.memory_space<vmem>>
        %dma_wait3A_1170 = arith.constant 0 : i32
        %dma_wait3A_1171 = tpu.memref_slice %dma_wait3A_1169[%dma_wait3A_1155, %dma_wait3A_1170] : memref<32x50xi32, #tpu.memory_space<vmem>> -> memref<1x50xi32, #tpu.memory_space<vmem>>
        %dma_wait3A_1172 = tpu.memref_squeeze %dma_wait3A_1171 : memref<1x50xi32, #tpu.memory_space<vmem>> -> memref<50xi32, #tpu.memory_space<vmem>>
        %dma_wait3A_1173 = arith.constant 0 : i32
        %dma_wait3A_1174 = arith.constant 0 : i32
        %dma_wait3A_1175 = tpu.memref_slice %arg2[%dma_wait3A_1173, %dma_wait3A_1174] : memref<1000000x32xf32, #tpu.memory_space<hbm>> -> memref<1000000x32xf32, #tpu.memory_space<hbm>>
        tpu.wait_indirect_dma semaphore(%arg5 : memref<!tpu.dma_semaphore, #tpu.memory_space<semaphore_mem>>) src(%dma_wait3A_1175 : memref<1000000x32xf32, #tpu.memory_space<hbm>>) dst(%dma_wait3A_1165 : memref<50x32xf32, #tpu.memory_space<vmem>>)
        %dma_wait3A_1176 = arith.constant 14 : i32
        %dma_wait3A_1177 = arith.constant 14 : i32
        %dma_wait3A_1178 = arith.constant 0 : i32
        %dma_wait3A_1179 = arith.constant 0 : i32
        %dma_wait3A_1180 = arith.constant 0 : i32
        %dma_wait3A_1181 = tpu.memref_slice %run_scoped3A_8[%rem3A_209, %dma_wait3A_1178, %dma_wait3A_1179, %dma_wait3A_1180] : memref<2x32x50x32xf32, #tpu.memory_space<vmem>> -> memref<1x32x50x32xf32, #tpu.memory_space<vmem>>
        %dma_wait3A_1182 = tpu.memref_squeeze %dma_wait3A_1181 : memref<1x32x50x32xf32, #tpu.memory_space<vmem>> -> memref<32x50x32xf32, #tpu.memory_space<vmem>>
        %dma_wait3A_1183 = arith.constant 0 : i32
        %dma_wait3A_1184 = arith.constant 0 : i32
        %dma_wait3A_1185 = tpu.memref_slice %dma_wait3A_1182[%dma_wait3A_1177, %dma_wait3A_1183, %dma_wait3A_1184] : memref<32x50x32xf32, #tpu.memory_space<vmem>> -> memref<1x50x32xf32, #tpu.memory_space<vmem>>
        %dma_wait3A_1186 = tpu.memref_squeeze %dma_wait3A_1185 : memref<1x50x32xf32, #tpu.memory_space<vmem>> -> memref<50x32xf32, #tpu.memory_space<vmem>>
        %dma_wait3A_1187 = arith.constant 0 : i32
        %dma_wait3A_1188 = arith.constant 0 : i32
        %dma_wait3A_1189 = tpu.memref_slice %run_scoped3A[%rem3A_207, %dma_wait3A_1187, %dma_wait3A_1188] : memref<2x32x50xi32, #tpu.memory_space<vmem>> -> memref<1x32x50xi32, #tpu.memory_space<vmem>>
        %dma_wait3A_1190 = tpu.memref_squeeze %dma_wait3A_1189 : memref<1x32x50xi32, #tpu.memory_space<vmem>> -> memref<32x50xi32, #tpu.memory_space<vmem>>
        %dma_wait3A_1191 = arith.constant 0 : i32
        %dma_wait3A_1192 = tpu.memref_slice %dma_wait3A_1190[%dma_wait3A_1176, %dma_wait3A_1191] : memref<32x50xi32, #tpu.memory_space<vmem>> -> memref<1x50xi32, #tpu.memory_space<vmem>>
        %dma_wait3A_1193 = tpu.memref_squeeze %dma_wait3A_1192 : memref<1x50xi32, #tpu.memory_space<vmem>> -> memref<50xi32, #tpu.memory_space<vmem>>
        %dma_wait3A_1194 = arith.constant 0 : i32
        %dma_wait3A_1195 = arith.constant 0 : i32
        %dma_wait3A_1196 = tpu.memref_slice %arg2[%dma_wait3A_1194, %dma_wait3A_1195] : memref<1000000x32xf32, #tpu.memory_space<hbm>> -> memref<1000000x32xf32, #tpu.memory_space<hbm>>
        tpu.wait_indirect_dma semaphore(%arg5 : memref<!tpu.dma_semaphore, #tpu.memory_space<semaphore_mem>>) src(%dma_wait3A_1196 : memref<1000000x32xf32, #tpu.memory_space<hbm>>) dst(%dma_wait3A_1186 : memref<50x32xf32, #tpu.memory_space<vmem>>)
        %dma_wait3A_1197 = arith.constant 15 : i32
        %dma_wait3A_1198 = arith.constant 15 : i32
        %dma_wait3A_1199 = arith.constant 0 : i32
        %dma_wait3A_1200 = arith.constant 0 : i32
        %dma_wait3A_1201 = arith.constant 0 : i32
        %dma_wait3A_1202 = tpu.memref_slice %run_scoped3A_8[%rem3A_209, %dma_wait3A_1199, %dma_wait3A_1200, %dma_wait3A_1201] : memref<2x32x50x32xf32, #tpu.memory_space<vmem>> -> memref<1x32x50x32xf32, #tpu.memory_space<vmem>>
        %dma_wait3A_1203 = tpu.memref_squeeze %dma_wait3A_1202 : memref<1x32x50x32xf32, #tpu.memory_space<vmem>> -> memref<32x50x32xf32, #tpu.memory_space<vmem>>
        %dma_wait3A_1204 = arith.constant 0 : i32
        %dma_wait3A_1205 = arith.constant 0 : i32
        %dma_wait3A_1206 = tpu.memref_slice %dma_wait3A_1203[%dma_wait3A_1198, %dma_wait3A_1204, %dma_wait3A_1205] : memref<32x50x32xf32, #tpu.memory_space<vmem>> -> memref<1x50x32xf32, #tpu.memory_space<vmem>>
        %dma_wait3A_1207 = tpu.memref_squeeze %dma_wait3A_1206 : memref<1x50x32xf32, #tpu.memory_space<vmem>> -> memref<50x32xf32, #tpu.memory_space<vmem>>
        %dma_wait3A_1208 = arith.constant 0 : i32
        %dma_wait3A_1209 = arith.constant 0 : i32
        %dma_wait3A_1210 = tpu.memref_slice %run_scoped3A[%rem3A_207, %dma_wait3A_1208, %dma_wait3A_1209] : memref<2x32x50xi32, #tpu.memory_space<vmem>> -> memref<1x32x50xi32, #tpu.memory_space<vmem>>
        %dma_wait3A_1211 = tpu.memref_squeeze %dma_wait3A_1210 : memref<1x32x50xi32, #tpu.memory_space<vmem>> -> memref<32x50xi32, #tpu.memory_space<vmem>>
        %dma_wait3A_1212 = arith.constant 0 : i32
        %dma_wait3A_1213 = tpu.memref_slice %dma_wait3A_1211[%dma_wait3A_1197, %dma_wait3A_1212] : memref<32x50xi32, #tpu.memory_space<vmem>> -> memref<1x50xi32, #tpu.memory_space<vmem>>
        %dma_wait3A_1214 = tpu.memref_squeeze %dma_wait3A_1213 : memref<1x50xi32, #tpu.memory_space<vmem>> -> memref<50xi32, #tpu.memory_space<vmem>>
        %dma_wait3A_1215 = arith.constant 0 : i32
        %dma_wait3A_1216 = arith.constant 0 : i32
        %dma_wait3A_1217 = tpu.memref_slice %arg2[%dma_wait3A_1215, %dma_wait3A_1216] : memref<1000000x32xf32, #tpu.memory_space<hbm>> -> memref<1000000x32xf32, #tpu.memory_space<hbm>>
        tpu.wait_indirect_dma semaphore(%arg5 : memref<!tpu.dma_semaphore, #tpu.memory_space<semaphore_mem>>) src(%dma_wait3A_1217 : memref<1000000x32xf32, #tpu.memory_space<hbm>>) dst(%dma_wait3A_1207 : memref<50x32xf32, #tpu.memory_space<vmem>>)
        %dma_wait3A_1218 = arith.constant 16 : i32
        %dma_wait3A_1219 = arith.constant 16 : i32
        %dma_wait3A_1220 = arith.constant 0 : i32
        %dma_wait3A_1221 = arith.constant 0 : i32
        %dma_wait3A_1222 = arith.constant 0 : i32
        %dma_wait3A_1223 = tpu.memref_slice %run_scoped3A_8[%rem3A_209, %dma_wait3A_1220, %dma_wait3A_1221, %dma_wait3A_1222] : memref<2x32x50x32xf32, #tpu.memory_space<vmem>> -> memref<1x32x50x32xf32, #tpu.memory_space<vmem>>
        %dma_wait3A_1224 = tpu.memref_squeeze %dma_wait3A_1223 : memref<1x32x50x32xf32, #tpu.memory_space<vmem>> -> memref<32x50x32xf32, #tpu.memory_space<vmem>>
        %dma_wait3A_1225 = arith.constant 0 : i32
        %dma_wait3A_1226 = arith.constant 0 : i32
        %dma_wait3A_1227 = tpu.memref_slice %dma_wait3A_1224[%dma_wait3A_1219, %dma_wait3A_1225, %dma_wait3A_1226] : memref<32x50x32xf32, #tpu.memory_space<vmem>> -> memref<1x50x32xf32, #tpu.memory_space<vmem>>
        %dma_wait3A_1228 = tpu.memref_squeeze %dma_wait3A_1227 : memref<1x50x32xf32, #tpu.memory_space<vmem>> -> memref<50x32xf32, #tpu.memory_space<vmem>>
        %dma_wait3A_1229 = arith.constant 0 : i32
        %dma_wait3A_1230 = arith.constant 0 : i32
        %dma_wait3A_1231 = tpu.memref_slice %run_scoped3A[%rem3A_207, %dma_wait3A_1229, %dma_wait3A_1230] : memref<2x32x50xi32, #tpu.memory_space<vmem>> -> memref<1x32x50xi32, #tpu.memory_space<vmem>>
        %dma_wait3A_1232 = tpu.memref_squeeze %dma_wait3A_1231 : memref<1x32x50xi32, #tpu.memory_space<vmem>> -> memref<32x50xi32, #tpu.memory_space<vmem>>
        %dma_wait3A_1233 = arith.constant 0 : i32
        %dma_wait3A_1234 = tpu.memref_slice %dma_wait3A_1232[%dma_wait3A_1218, %dma_wait3A_1233] : memref<32x50xi32, #tpu.memory_space<vmem>> -> memref<1x50xi32, #tpu.memory_space<vmem>>
        %dma_wait3A_1235 = tpu.memref_squeeze %dma_wait3A_1234 : memref<1x50xi32, #tpu.memory_space<vmem>> -> memref<50xi32, #tpu.memory_space<vmem>>
        %dma_wait3A_1236 = arith.constant 0 : i32
        %dma_wait3A_1237 = arith.constant 0 : i32
        %dma_wait3A_1238 = tpu.memref_slice %arg2[%dma_wait3A_1236, %dma_wait3A_1237] : memref<1000000x32xf32, #tpu.memory_space<hbm>> -> memref<1000000x32xf32, #tpu.memory_space<hbm>>
        tpu.wait_indirect_dma semaphore(%arg5 : memref<!tpu.dma_semaphore, #tpu.memory_space<semaphore_mem>>) src(%dma_wait3A_1238 : memref<1000000x32xf32, #tpu.memory_space<hbm>>) dst(%dma_wait3A_1228 : memref<50x32xf32, #tpu.memory_space<vmem>>)
        %dma_wait3A_1239 = arith.constant 17 : i32
        %dma_wait3A_1240 = arith.constant 17 : i32
        %dma_wait3A_1241 = arith.constant 0 : i32
        %dma_wait3A_1242 = arith.constant 0 : i32
        %dma_wait3A_1243 = arith.constant 0 : i32
        %dma_wait3A_1244 = tpu.memref_slice %run_scoped3A_8[%rem3A_209, %dma_wait3A_1241, %dma_wait3A_1242, %dma_wait3A_1243] : memref<2x32x50x32xf32, #tpu.memory_space<vmem>> -> memref<1x32x50x32xf32, #tpu.memory_space<vmem>>
        %dma_wait3A_1245 = tpu.memref_squeeze %dma_wait3A_1244 : memref<1x32x50x32xf32, #tpu.memory_space<vmem>> -> memref<32x50x32xf32, #tpu.memory_space<vmem>>
        %dma_wait3A_1246 = arith.constant 0 : i32
        %dma_wait3A_1247 = arith.constant 0 : i32
        %dma_wait3A_1248 = tpu.memref_slice %dma_wait3A_1245[%dma_wait3A_1240, %dma_wait3A_1246, %dma_wait3A_1247] : memref<32x50x32xf32, #tpu.memory_space<vmem>> -> memref<1x50x32xf32, #tpu.memory_space<vmem>>
        %dma_wait3A_1249 = tpu.memref_squeeze %dma_wait3A_1248 : memref<1x50x32xf32, #tpu.memory_space<vmem>> -> memref<50x32xf32, #tpu.memory_space<vmem>>
        %dma_wait3A_1250 = arith.constant 0 : i32
        %dma_wait3A_1251 = arith.constant 0 : i32
        %dma_wait3A_1252 = tpu.memref_slice %run_scoped3A[%rem3A_207, %dma_wait3A_1250, %dma_wait3A_1251] : memref<2x32x50xi32, #tpu.memory_space<vmem>> -> memref<1x32x50xi32, #tpu.memory_space<vmem>>
        %dma_wait3A_1253 = tpu.memref_squeeze %dma_wait3A_1252 : memref<1x32x50xi32, #tpu.memory_space<vmem>> -> memref<32x50xi32, #tpu.memory_space<vmem>>
        %dma_wait3A_1254 = arith.constant 0 : i32
        %dma_wait3A_1255 = tpu.memref_slice %dma_wait3A_1253[%dma_wait3A_1239, %dma_wait3A_1254] : memref<32x50xi32, #tpu.memory_space<vmem>> -> memref<1x50xi32, #tpu.memory_space<vmem>>
        %dma_wait3A_1256 = tpu.memref_squeeze %dma_wait3A_1255 : memref<1x50xi32, #tpu.memory_space<vmem>> -> memref<50xi32, #tpu.memory_space<vmem>>
        %dma_wait3A_1257 = arith.constant 0 : i32
        %dma_wait3A_1258 = arith.constant 0 : i32
        %dma_wait3A_1259 = tpu.memref_slice %arg2[%dma_wait3A_1257, %dma_wait3A_1258] : memref<1000000x32xf32, #tpu.memory_space<hbm>> -> memref<1000000x32xf32, #tpu.memory_space<hbm>>
        tpu.wait_indirect_dma semaphore(%arg5 : memref<!tpu.dma_semaphore, #tpu.memory_space<semaphore_mem>>) src(%dma_wait3A_1259 : memref<1000000x32xf32, #tpu.memory_space<hbm>>) dst(%dma_wait3A_1249 : memref<50x32xf32, #tpu.memory_space<vmem>>)
        %dma_wait3A_1260 = arith.constant 18 : i32
        %dma_wait3A_1261 = arith.constant 18 : i32
        %dma_wait3A_1262 = arith.constant 0 : i32
        %dma_wait3A_1263 = arith.constant 0 : i32
        %dma_wait3A_1264 = arith.constant 0 : i32
        %dma_wait3A_1265 = tpu.memref_slice %run_scoped3A_8[%rem3A_209, %dma_wait3A_1262, %dma_wait3A_1263, %dma_wait3A_1264] : memref<2x32x50x32xf32, #tpu.memory_space<vmem>> -> memref<1x32x50x32xf32, #tpu.memory_space<vmem>>
        %dma_wait3A_1266 = tpu.memref_squeeze %dma_wait3A_1265 : memref<1x32x50x32xf32, #tpu.memory_space<vmem>> -> memref<32x50x32xf32, #tpu.memory_space<vmem>>
        %dma_wait3A_1267 = arith.constant 0 : i32
        %dma_wait3A_1268 = arith.constant 0 : i32
        %dma_wait3A_1269 = tpu.memref_slice %dma_wait3A_1266[%dma_wait3A_1261, %dma_wait3A_1267, %dma_wait3A_1268] : memref<32x50x32xf32, #tpu.memory_space<vmem>> -> memref<1x50x32xf32, #tpu.memory_space<vmem>>
        %dma_wait3A_1270 = tpu.memref_squeeze %dma_wait3A_1269 : memref<1x50x32xf32, #tpu.memory_space<vmem>> -> memref<50x32xf32, #tpu.memory_space<vmem>>
        %dma_wait3A_1271 = arith.constant 0 : i32
        %dma_wait3A_1272 = arith.constant 0 : i32
        %dma_wait3A_1273 = tpu.memref_slice %run_scoped3A[%rem3A_207, %dma_wait3A_1271, %dma_wait3A_1272] : memref<2x32x50xi32, #tpu.memory_space<vmem>> -> memref<1x32x50xi32, #tpu.memory_space<vmem>>
        %dma_wait3A_1274 = tpu.memref_squeeze %dma_wait3A_1273 : memref<1x32x50xi32, #tpu.memory_space<vmem>> -> memref<32x50xi32, #tpu.memory_space<vmem>>
        %dma_wait3A_1275 = arith.constant 0 : i32
        %dma_wait3A_1276 = tpu.memref_slice %dma_wait3A_1274[%dma_wait3A_1260, %dma_wait3A_1275] : memref<32x50xi32, #tpu.memory_space<vmem>> -> memref<1x50xi32, #tpu.memory_space<vmem>>
        %dma_wait3A_1277 = tpu.memref_squeeze %dma_wait3A_1276 : memref<1x50xi32, #tpu.memory_space<vmem>> -> memref<50xi32, #tpu.memory_space<vmem>>
        %dma_wait3A_1278 = arith.constant 0 : i32
        %dma_wait3A_1279 = arith.constant 0 : i32
        %dma_wait3A_1280 = tpu.memref_slice %arg2[%dma_wait3A_1278, %dma_wait3A_1279] : memref<1000000x32xf32, #tpu.memory_space<hbm>> -> memref<1000000x32xf32, #tpu.memory_space<hbm>>
        tpu.wait_indirect_dma semaphore(%arg5 : memref<!tpu.dma_semaphore, #tpu.memory_space<semaphore_mem>>) src(%dma_wait3A_1280 : memref<1000000x32xf32, #tpu.memory_space<hbm>>) dst(%dma_wait3A_1270 : memref<50x32xf32, #tpu.memory_space<vmem>>)
        %dma_wait3A_1281 = arith.constant 19 : i32
        %dma_wait3A_1282 = arith.constant 19 : i32
        %dma_wait3A_1283 = arith.constant 0 : i32
        %dma_wait3A_1284 = arith.constant 0 : i32
        %dma_wait3A_1285 = arith.constant 0 : i32
        %dma_wait3A_1286 = tpu.memref_slice %run_scoped3A_8[%rem3A_209, %dma_wait3A_1283, %dma_wait3A_1284, %dma_wait3A_1285] : memref<2x32x50x32xf32, #tpu.memory_space<vmem>> -> memref<1x32x50x32xf32, #tpu.memory_space<vmem>>
        %dma_wait3A_1287 = tpu.memref_squeeze %dma_wait3A_1286 : memref<1x32x50x32xf32, #tpu.memory_space<vmem>> -> memref<32x50x32xf32, #tpu.memory_space<vmem>>
        %dma_wait3A_1288 = arith.constant 0 : i32
        %dma_wait3A_1289 = arith.constant 0 : i32
        %dma_wait3A_1290 = tpu.memref_slice %dma_wait3A_1287[%dma_wait3A_1282, %dma_wait3A_1288, %dma_wait3A_1289] : memref<32x50x32xf32, #tpu.memory_space<vmem>> -> memref<1x50x32xf32, #tpu.memory_space<vmem>>
        %dma_wait3A_1291 = tpu.memref_squeeze %dma_wait3A_1290 : memref<1x50x32xf32, #tpu.memory_space<vmem>> -> memref<50x32xf32, #tpu.memory_space<vmem>>
        %dma_wait3A_1292 = arith.constant 0 : i32
        %dma_wait3A_1293 = arith.constant 0 : i32
        %dma_wait3A_1294 = tpu.memref_slice %run_scoped3A[%rem3A_207, %dma_wait3A_1292, %dma_wait3A_1293] : memref<2x32x50xi32, #tpu.memory_space<vmem>> -> memref<1x32x50xi32, #tpu.memory_space<vmem>>
        %dma_wait3A_1295 = tpu.memref_squeeze %dma_wait3A_1294 : memref<1x32x50xi32, #tpu.memory_space<vmem>> -> memref<32x50xi32, #tpu.memory_space<vmem>>
        %dma_wait3A_1296 = arith.constant 0 : i32
        %dma_wait3A_1297 = tpu.memref_slice %dma_wait3A_1295[%dma_wait3A_1281, %dma_wait3A_1296] : memref<32x50xi32, #tpu.memory_space<vmem>> -> memref<1x50xi32, #tpu.memory_space<vmem>>
        %dma_wait3A_1298 = tpu.memref_squeeze %dma_wait3A_1297 : memref<1x50xi32, #tpu.memory_space<vmem>> -> memref<50xi32, #tpu.memory_space<vmem>>
        %dma_wait3A_1299 = arith.constant 0 : i32
        %dma_wait3A_1300 = arith.constant 0 : i32
        %dma_wait3A_1301 = tpu.memref_slice %arg2[%dma_wait3A_1299, %dma_wait3A_1300] : memref<1000000x32xf32, #tpu.memory_space<hbm>> -> memref<1000000x32xf32, #tpu.memory_space<hbm>>
        tpu.wait_indirect_dma semaphore(%arg5 : memref<!tpu.dma_semaphore, #tpu.memory_space<semaphore_mem>>) src(%dma_wait3A_1301 : memref<1000000x32xf32, #tpu.memory_space<hbm>>) dst(%dma_wait3A_1291 : memref<50x32xf32, #tpu.memory_space<vmem>>)
        %dma_wait3A_1302 = arith.constant 20 : i32
        %dma_wait3A_1303 = arith.constant 20 : i32
        %dma_wait3A_1304 = arith.constant 0 : i32
        %dma_wait3A_1305 = arith.constant 0 : i32
        %dma_wait3A_1306 = arith.constant 0 : i32
        %dma_wait3A_1307 = tpu.memref_slice %run_scoped3A_8[%rem3A_209, %dma_wait3A_1304, %dma_wait3A_1305, %dma_wait3A_1306] : memref<2x32x50x32xf32, #tpu.memory_space<vmem>> -> memref<1x32x50x32xf32, #tpu.memory_space<vmem>>
        %dma_wait3A_1308 = tpu.memref_squeeze %dma_wait3A_1307 : memref<1x32x50x32xf32, #tpu.memory_space<vmem>> -> memref<32x50x32xf32, #tpu.memory_space<vmem>>
        %dma_wait3A_1309 = arith.constant 0 : i32
        %dma_wait3A_1310 = arith.constant 0 : i32
        %dma_wait3A_1311 = tpu.memref_slice %dma_wait3A_1308[%dma_wait3A_1303, %dma_wait3A_1309, %dma_wait3A_1310] : memref<32x50x32xf32, #tpu.memory_space<vmem>> -> memref<1x50x32xf32, #tpu.memory_space<vmem>>
        %dma_wait3A_1312 = tpu.memref_squeeze %dma_wait3A_1311 : memref<1x50x32xf32, #tpu.memory_space<vmem>> -> memref<50x32xf32, #tpu.memory_space<vmem>>
        %dma_wait3A_1313 = arith.constant 0 : i32
        %dma_wait3A_1314 = arith.constant 0 : i32
        %dma_wait3A_1315 = tpu.memref_slice %run_scoped3A[%rem3A_207, %dma_wait3A_1313, %dma_wait3A_1314] : memref<2x32x50xi32, #tpu.memory_space<vmem>> -> memref<1x32x50xi32, #tpu.memory_space<vmem>>
        %dma_wait3A_1316 = tpu.memref_squeeze %dma_wait3A_1315 : memref<1x32x50xi32, #tpu.memory_space<vmem>> -> memref<32x50xi32, #tpu.memory_space<vmem>>
        %dma_wait3A_1317 = arith.constant 0 : i32
        %dma_wait3A_1318 = tpu.memref_slice %dma_wait3A_1316[%dma_wait3A_1302, %dma_wait3A_1317] : memref<32x50xi32, #tpu.memory_space<vmem>> -> memref<1x50xi32, #tpu.memory_space<vmem>>
        %dma_wait3A_1319 = tpu.memref_squeeze %dma_wait3A_1318 : memref<1x50xi32, #tpu.memory_space<vmem>> -> memref<50xi32, #tpu.memory_space<vmem>>
        %dma_wait3A_1320 = arith.constant 0 : i32
        %dma_wait3A_1321 = arith.constant 0 : i32
        %dma_wait3A_1322 = tpu.memref_slice %arg2[%dma_wait3A_1320, %dma_wait3A_1321] : memref<1000000x32xf32, #tpu.memory_space<hbm>> -> memref<1000000x32xf32, #tpu.memory_space<hbm>>
        tpu.wait_indirect_dma semaphore(%arg5 : memref<!tpu.dma_semaphore, #tpu.memory_space<semaphore_mem>>) src(%dma_wait3A_1322 : memref<1000000x32xf32, #tpu.memory_space<hbm>>) dst(%dma_wait3A_1312 : memref<50x32xf32, #tpu.memory_space<vmem>>)
        %dma_wait3A_1323 = arith.constant 21 : i32
        %dma_wait3A_1324 = arith.constant 21 : i32
        %dma_wait3A_1325 = arith.constant 0 : i32
        %dma_wait3A_1326 = arith.constant 0 : i32
        %dma_wait3A_1327 = arith.constant 0 : i32
        %dma_wait3A_1328 = tpu.memref_slice %run_scoped3A_8[%rem3A_209, %dma_wait3A_1325, %dma_wait3A_1326, %dma_wait3A_1327] : memref<2x32x50x32xf32, #tpu.memory_space<vmem>> -> memref<1x32x50x32xf32, #tpu.memory_space<vmem>>
        %dma_wait3A_1329 = tpu.memref_squeeze %dma_wait3A_1328 : memref<1x32x50x32xf32, #tpu.memory_space<vmem>> -> memref<32x50x32xf32, #tpu.memory_space<vmem>>
        %dma_wait3A_1330 = arith.constant 0 : i32
        %dma_wait3A_1331 = arith.constant 0 : i32
        %dma_wait3A_1332 = tpu.memref_slice %dma_wait3A_1329[%dma_wait3A_1324, %dma_wait3A_1330, %dma_wait3A_1331] : memref<32x50x32xf32, #tpu.memory_space<vmem>> -> memref<1x50x32xf32, #tpu.memory_space<vmem>>
        %dma_wait3A_1333 = tpu.memref_squeeze %dma_wait3A_1332 : memref<1x50x32xf32, #tpu.memory_space<vmem>> -> memref<50x32xf32, #tpu.memory_space<vmem>>
        %dma_wait3A_1334 = arith.constant 0 : i32
        %dma_wait3A_1335 = arith.constant 0 : i32
        %dma_wait3A_1336 = tpu.memref_slice %run_scoped3A[%rem3A_207, %dma_wait3A_1334, %dma_wait3A_1335] : memref<2x32x50xi32, #tpu.memory_space<vmem>> -> memref<1x32x50xi32, #tpu.memory_space<vmem>>
        %dma_wait3A_1337 = tpu.memref_squeeze %dma_wait3A_1336 : memref<1x32x50xi32, #tpu.memory_space<vmem>> -> memref<32x50xi32, #tpu.memory_space<vmem>>
        %dma_wait3A_1338 = arith.constant 0 : i32
        %dma_wait3A_1339 = tpu.memref_slice %dma_wait3A_1337[%dma_wait3A_1323, %dma_wait3A_1338] : memref<32x50xi32, #tpu.memory_space<vmem>> -> memref<1x50xi32, #tpu.memory_space<vmem>>
        %dma_wait3A_1340 = tpu.memref_squeeze %dma_wait3A_1339 : memref<1x50xi32, #tpu.memory_space<vmem>> -> memref<50xi32, #tpu.memory_space<vmem>>
        %dma_wait3A_1341 = arith.constant 0 : i32
        %dma_wait3A_1342 = arith.constant 0 : i32
        %dma_wait3A_1343 = tpu.memref_slice %arg2[%dma_wait3A_1341, %dma_wait3A_1342] : memref<1000000x32xf32, #tpu.memory_space<hbm>> -> memref<1000000x32xf32, #tpu.memory_space<hbm>>
        tpu.wait_indirect_dma semaphore(%arg5 : memref<!tpu.dma_semaphore, #tpu.memory_space<semaphore_mem>>) src(%dma_wait3A_1343 : memref<1000000x32xf32, #tpu.memory_space<hbm>>) dst(%dma_wait3A_1333 : memref<50x32xf32, #tpu.memory_space<vmem>>)
        %dma_wait3A_1344 = arith.constant 22 : i32
        %dma_wait3A_1345 = arith.constant 22 : i32
        %dma_wait3A_1346 = arith.constant 0 : i32
        %dma_wait3A_1347 = arith.constant 0 : i32
        %dma_wait3A_1348 = arith.constant 0 : i32
        %dma_wait3A_1349 = tpu.memref_slice %run_scoped3A_8[%rem3A_209, %dma_wait3A_1346, %dma_wait3A_1347, %dma_wait3A_1348] : memref<2x32x50x32xf32, #tpu.memory_space<vmem>> -> memref<1x32x50x32xf32, #tpu.memory_space<vmem>>
        %dma_wait3A_1350 = tpu.memref_squeeze %dma_wait3A_1349 : memref<1x32x50x32xf32, #tpu.memory_space<vmem>> -> memref<32x50x32xf32, #tpu.memory_space<vmem>>
        %dma_wait3A_1351 = arith.constant 0 : i32
        %dma_wait3A_1352 = arith.constant 0 : i32
        %dma_wait3A_1353 = tpu.memref_slice %dma_wait3A_1350[%dma_wait3A_1345, %dma_wait3A_1351, %dma_wait3A_1352] : memref<32x50x32xf32, #tpu.memory_space<vmem>> -> memref<1x50x32xf32, #tpu.memory_space<vmem>>
        %dma_wait3A_1354 = tpu.memref_squeeze %dma_wait3A_1353 : memref<1x50x32xf32, #tpu.memory_space<vmem>> -> memref<50x32xf32, #tpu.memory_space<vmem>>
        %dma_wait3A_1355 = arith.constant 0 : i32
        %dma_wait3A_1356 = arith.constant 0 : i32
        %dma_wait3A_1357 = tpu.memref_slice %run_scoped3A[%rem3A_207, %dma_wait3A_1355, %dma_wait3A_1356] : memref<2x32x50xi32, #tpu.memory_space<vmem>> -> memref<1x32x50xi32, #tpu.memory_space<vmem>>
        %dma_wait3A_1358 = tpu.memref_squeeze %dma_wait3A_1357 : memref<1x32x50xi32, #tpu.memory_space<vmem>> -> memref<32x50xi32, #tpu.memory_space<vmem>>
        %dma_wait3A_1359 = arith.constant 0 : i32
        %dma_wait3A_1360 = tpu.memref_slice %dma_wait3A_1358[%dma_wait3A_1344, %dma_wait3A_1359] : memref<32x50xi32, #tpu.memory_space<vmem>> -> memref<1x50xi32, #tpu.memory_space<vmem>>
        %dma_wait3A_1361 = tpu.memref_squeeze %dma_wait3A_1360 : memref<1x50xi32, #tpu.memory_space<vmem>> -> memref<50xi32, #tpu.memory_space<vmem>>
        %dma_wait3A_1362 = arith.constant 0 : i32
        %dma_wait3A_1363 = arith.constant 0 : i32
        %dma_wait3A_1364 = tpu.memref_slice %arg2[%dma_wait3A_1362, %dma_wait3A_1363] : memref<1000000x32xf32, #tpu.memory_space<hbm>> -> memref<1000000x32xf32, #tpu.memory_space<hbm>>
        tpu.wait_indirect_dma semaphore(%arg5 : memref<!tpu.dma_semaphore, #tpu.memory_space<semaphore_mem>>) src(%dma_wait3A_1364 : memref<1000000x32xf32, #tpu.memory_space<hbm>>) dst(%dma_wait3A_1354 : memref<50x32xf32, #tpu.memory_space<vmem>>)
        %dma_wait3A_1365 = arith.constant 23 : i32
        %dma_wait3A_1366 = arith.constant 23 : i32
        %dma_wait3A_1367 = arith.constant 0 : i32
        %dma_wait3A_1368 = arith.constant 0 : i32
        %dma_wait3A_1369 = arith.constant 0 : i32
        %dma_wait3A_1370 = tpu.memref_slice %run_scoped3A_8[%rem3A_209, %dma_wait3A_1367, %dma_wait3A_1368, %dma_wait3A_1369] : memref<2x32x50x32xf32, #tpu.memory_space<vmem>> -> memref<1x32x50x32xf32, #tpu.memory_space<vmem>>
        %dma_wait3A_1371 = tpu.memref_squeeze %dma_wait3A_1370 : memref<1x32x50x32xf32, #tpu.memory_space<vmem>> -> memref<32x50x32xf32, #tpu.memory_space<vmem>>
        %dma_wait3A_1372 = arith.constant 0 : i32
        %dma_wait3A_1373 = arith.constant 0 : i32
        %dma_wait3A_1374 = tpu.memref_slice %dma_wait3A_1371[%dma_wait3A_1366, %dma_wait3A_1372, %dma_wait3A_1373] : memref<32x50x32xf32, #tpu.memory_space<vmem>> -> memref<1x50x32xf32, #tpu.memory_space<vmem>>
        %dma_wait3A_1375 = tpu.memref_squeeze %dma_wait3A_1374 : memref<1x50x32xf32, #tpu.memory_space<vmem>> -> memref<50x32xf32, #tpu.memory_space<vmem>>
        %dma_wait3A_1376 = arith.constant 0 : i32
        %dma_wait3A_1377 = arith.constant 0 : i32
        %dma_wait3A_1378 = tpu.memref_slice %run_scoped3A[%rem3A_207, %dma_wait3A_1376, %dma_wait3A_1377] : memref<2x32x50xi32, #tpu.memory_space<vmem>> -> memref<1x32x50xi32, #tpu.memory_space<vmem>>
        %dma_wait3A_1379 = tpu.memref_squeeze %dma_wait3A_1378 : memref<1x32x50xi32, #tpu.memory_space<vmem>> -> memref<32x50xi32, #tpu.memory_space<vmem>>
        %dma_wait3A_1380 = arith.constant 0 : i32
        %dma_wait3A_1381 = tpu.memref_slice %dma_wait3A_1379[%dma_wait3A_1365, %dma_wait3A_1380] : memref<32x50xi32, #tpu.memory_space<vmem>> -> memref<1x50xi32, #tpu.memory_space<vmem>>
        %dma_wait3A_1382 = tpu.memref_squeeze %dma_wait3A_1381 : memref<1x50xi32, #tpu.memory_space<vmem>> -> memref<50xi32, #tpu.memory_space<vmem>>
        %dma_wait3A_1383 = arith.constant 0 : i32
        %dma_wait3A_1384 = arith.constant 0 : i32
        %dma_wait3A_1385 = tpu.memref_slice %arg2[%dma_wait3A_1383, %dma_wait3A_1384] : memref<1000000x32xf32, #tpu.memory_space<hbm>> -> memref<1000000x32xf32, #tpu.memory_space<hbm>>
        tpu.wait_indirect_dma semaphore(%arg5 : memref<!tpu.dma_semaphore, #tpu.memory_space<semaphore_mem>>) src(%dma_wait3A_1385 : memref<1000000x32xf32, #tpu.memory_space<hbm>>) dst(%dma_wait3A_1375 : memref<50x32xf32, #tpu.memory_space<vmem>>)
        %dma_wait3A_1386 = arith.constant 24 : i32
        %dma_wait3A_1387 = arith.constant 24 : i32
        %dma_wait3A_1388 = arith.constant 0 : i32
        %dma_wait3A_1389 = arith.constant 0 : i32
        %dma_wait3A_1390 = arith.constant 0 : i32
        %dma_wait3A_1391 = tpu.memref_slice %run_scoped3A_8[%rem3A_209, %dma_wait3A_1388, %dma_wait3A_1389, %dma_wait3A_1390] : memref<2x32x50x32xf32, #tpu.memory_space<vmem>> -> memref<1x32x50x32xf32, #tpu.memory_space<vmem>>
        %dma_wait3A_1392 = tpu.memref_squeeze %dma_wait3A_1391 : memref<1x32x50x32xf32, #tpu.memory_space<vmem>> -> memref<32x50x32xf32, #tpu.memory_space<vmem>>
        %dma_wait3A_1393 = arith.constant 0 : i32
        %dma_wait3A_1394 = arith.constant 0 : i32
        %dma_wait3A_1395 = tpu.memref_slice %dma_wait3A_1392[%dma_wait3A_1387, %dma_wait3A_1393, %dma_wait3A_1394] : memref<32x50x32xf32, #tpu.memory_space<vmem>> -> memref<1x50x32xf32, #tpu.memory_space<vmem>>
        %dma_wait3A_1396 = tpu.memref_squeeze %dma_wait3A_1395 : memref<1x50x32xf32, #tpu.memory_space<vmem>> -> memref<50x32xf32, #tpu.memory_space<vmem>>
        %dma_wait3A_1397 = arith.constant 0 : i32
        %dma_wait3A_1398 = arith.constant 0 : i32
        %dma_wait3A_1399 = tpu.memref_slice %run_scoped3A[%rem3A_207, %dma_wait3A_1397, %dma_wait3A_1398] : memref<2x32x50xi32, #tpu.memory_space<vmem>> -> memref<1x32x50xi32, #tpu.memory_space<vmem>>
        %dma_wait3A_1400 = tpu.memref_squeeze %dma_wait3A_1399 : memref<1x32x50xi32, #tpu.memory_space<vmem>> -> memref<32x50xi32, #tpu.memory_space<vmem>>
        %dma_wait3A_1401 = arith.constant 0 : i32
        %dma_wait3A_1402 = tpu.memref_slice %dma_wait3A_1400[%dma_wait3A_1386, %dma_wait3A_1401] : memref<32x50xi32, #tpu.memory_space<vmem>> -> memref<1x50xi32, #tpu.memory_space<vmem>>
        %dma_wait3A_1403 = tpu.memref_squeeze %dma_wait3A_1402 : memref<1x50xi32, #tpu.memory_space<vmem>> -> memref<50xi32, #tpu.memory_space<vmem>>
        %dma_wait3A_1404 = arith.constant 0 : i32
        %dma_wait3A_1405 = arith.constant 0 : i32
        %dma_wait3A_1406 = tpu.memref_slice %arg2[%dma_wait3A_1404, %dma_wait3A_1405] : memref<1000000x32xf32, #tpu.memory_space<hbm>> -> memref<1000000x32xf32, #tpu.memory_space<hbm>>
        tpu.wait_indirect_dma semaphore(%arg5 : memref<!tpu.dma_semaphore, #tpu.memory_space<semaphore_mem>>) src(%dma_wait3A_1406 : memref<1000000x32xf32, #tpu.memory_space<hbm>>) dst(%dma_wait3A_1396 : memref<50x32xf32, #tpu.memory_space<vmem>>)
        %dma_wait3A_1407 = arith.constant 25 : i32
        %dma_wait3A_1408 = arith.constant 25 : i32
        %dma_wait3A_1409 = arith.constant 0 : i32
        %dma_wait3A_1410 = arith.constant 0 : i32
        %dma_wait3A_1411 = arith.constant 0 : i32
        %dma_wait3A_1412 = tpu.memref_slice %run_scoped3A_8[%rem3A_209, %dma_wait3A_1409, %dma_wait3A_1410, %dma_wait3A_1411] : memref<2x32x50x32xf32, #tpu.memory_space<vmem>> -> memref<1x32x50x32xf32, #tpu.memory_space<vmem>>
        %dma_wait3A_1413 = tpu.memref_squeeze %dma_wait3A_1412 : memref<1x32x50x32xf32, #tpu.memory_space<vmem>> -> memref<32x50x32xf32, #tpu.memory_space<vmem>>
        %dma_wait3A_1414 = arith.constant 0 : i32
        %dma_wait3A_1415 = arith.constant 0 : i32
        %dma_wait3A_1416 = tpu.memref_slice %dma_wait3A_1413[%dma_wait3A_1408, %dma_wait3A_1414, %dma_wait3A_1415] : memref<32x50x32xf32, #tpu.memory_space<vmem>> -> memref<1x50x32xf32, #tpu.memory_space<vmem>>
        %dma_wait3A_1417 = tpu.memref_squeeze %dma_wait3A_1416 : memref<1x50x32xf32, #tpu.memory_space<vmem>> -> memref<50x32xf32, #tpu.memory_space<vmem>>
        %dma_wait3A_1418 = arith.constant 0 : i32
        %dma_wait3A_1419 = arith.constant 0 : i32
        %dma_wait3A_1420 = tpu.memref_slice %run_scoped3A[%rem3A_207, %dma_wait3A_1418, %dma_wait3A_1419] : memref<2x32x50xi32, #tpu.memory_space<vmem>> -> memref<1x32x50xi32, #tpu.memory_space<vmem>>
        %dma_wait3A_1421 = tpu.memref_squeeze %dma_wait3A_1420 : memref<1x32x50xi32, #tpu.memory_space<vmem>> -> memref<32x50xi32, #tpu.memory_space<vmem>>
        %dma_wait3A_1422 = arith.constant 0 : i32
        %dma_wait3A_1423 = tpu.memref_slice %dma_wait3A_1421[%dma_wait3A_1407, %dma_wait3A_1422] : memref<32x50xi32, #tpu.memory_space<vmem>> -> memref<1x50xi32, #tpu.memory_space<vmem>>
        %dma_wait3A_1424 = tpu.memref_squeeze %dma_wait3A_1423 : memref<1x50xi32, #tpu.memory_space<vmem>> -> memref<50xi32, #tpu.memory_space<vmem>>
        %dma_wait3A_1425 = arith.constant 0 : i32
        %dma_wait3A_1426 = arith.constant 0 : i32
        %dma_wait3A_1427 = tpu.memref_slice %arg2[%dma_wait3A_1425, %dma_wait3A_1426] : memref<1000000x32xf32, #tpu.memory_space<hbm>> -> memref<1000000x32xf32, #tpu.memory_space<hbm>>
        tpu.wait_indirect_dma semaphore(%arg5 : memref<!tpu.dma_semaphore, #tpu.memory_space<semaphore_mem>>) src(%dma_wait3A_1427 : memref<1000000x32xf32, #tpu.memory_space<hbm>>) dst(%dma_wait3A_1417 : memref<50x32xf32, #tpu.memory_space<vmem>>)
        %dma_wait3A_1428 = arith.constant 26 : i32
        %dma_wait3A_1429 = arith.constant 26 : i32
        %dma_wait3A_1430 = arith.constant 0 : i32
        %dma_wait3A_1431 = arith.constant 0 : i32
        %dma_wait3A_1432 = arith.constant 0 : i32
        %dma_wait3A_1433 = tpu.memref_slice %run_scoped3A_8[%rem3A_209, %dma_wait3A_1430, %dma_wait3A_1431, %dma_wait3A_1432] : memref<2x32x50x32xf32, #tpu.memory_space<vmem>> -> memref<1x32x50x32xf32, #tpu.memory_space<vmem>>
        %dma_wait3A_1434 = tpu.memref_squeeze %dma_wait3A_1433 : memref<1x32x50x32xf32, #tpu.memory_space<vmem>> -> memref<32x50x32xf32, #tpu.memory_space<vmem>>
        %dma_wait3A_1435 = arith.constant 0 : i32
        %dma_wait3A_1436 = arith.constant 0 : i32
        %dma_wait3A_1437 = tpu.memref_slice %dma_wait3A_1434[%dma_wait3A_1429, %dma_wait3A_1435, %dma_wait3A_1436] : memref<32x50x32xf32, #tpu.memory_space<vmem>> -> memref<1x50x32xf32, #tpu.memory_space<vmem>>
        %dma_wait3A_1438 = tpu.memref_squeeze %dma_wait3A_1437 : memref<1x50x32xf32, #tpu.memory_space<vmem>> -> memref<50x32xf32, #tpu.memory_space<vmem>>
        %dma_wait3A_1439 = arith.constant 0 : i32
        %dma_wait3A_1440 = arith.constant 0 : i32
        %dma_wait3A_1441 = tpu.memref_slice %run_scoped3A[%rem3A_207, %dma_wait3A_1439, %dma_wait3A_1440] : memref<2x32x50xi32, #tpu.memory_space<vmem>> -> memref<1x32x50xi32, #tpu.memory_space<vmem>>
        %dma_wait3A_1442 = tpu.memref_squeeze %dma_wait3A_1441 : memref<1x32x50xi32, #tpu.memory_space<vmem>> -> memref<32x50xi32, #tpu.memory_space<vmem>>
        %dma_wait3A_1443 = arith.constant 0 : i32
        %dma_wait3A_1444 = tpu.memref_slice %dma_wait3A_1442[%dma_wait3A_1428, %dma_wait3A_1443] : memref<32x50xi32, #tpu.memory_space<vmem>> -> memref<1x50xi32, #tpu.memory_space<vmem>>
        %dma_wait3A_1445 = tpu.memref_squeeze %dma_wait3A_1444 : memref<1x50xi32, #tpu.memory_space<vmem>> -> memref<50xi32, #tpu.memory_space<vmem>>
        %dma_wait3A_1446 = arith.constant 0 : i32
        %dma_wait3A_1447 = arith.constant 0 : i32
        %dma_wait3A_1448 = tpu.memref_slice %arg2[%dma_wait3A_1446, %dma_wait3A_1447] : memref<1000000x32xf32, #tpu.memory_space<hbm>> -> memref<1000000x32xf32, #tpu.memory_space<hbm>>
        tpu.wait_indirect_dma semaphore(%arg5 : memref<!tpu.dma_semaphore, #tpu.memory_space<semaphore_mem>>) src(%dma_wait3A_1448 : memref<1000000x32xf32, #tpu.memory_space<hbm>>) dst(%dma_wait3A_1438 : memref<50x32xf32, #tpu.memory_space<vmem>>)
        %dma_wait3A_1449 = arith.constant 27 : i32
        %dma_wait3A_1450 = arith.constant 27 : i32
        %dma_wait3A_1451 = arith.constant 0 : i32
        %dma_wait3A_1452 = arith.constant 0 : i32
        %dma_wait3A_1453 = arith.constant 0 : i32
        %dma_wait3A_1454 = tpu.memref_slice %run_scoped3A_8[%rem3A_209, %dma_wait3A_1451, %dma_wait3A_1452, %dma_wait3A_1453] : memref<2x32x50x32xf32, #tpu.memory_space<vmem>> -> memref<1x32x50x32xf32, #tpu.memory_space<vmem>>
        %dma_wait3A_1455 = tpu.memref_squeeze %dma_wait3A_1454 : memref<1x32x50x32xf32, #tpu.memory_space<vmem>> -> memref<32x50x32xf32, #tpu.memory_space<vmem>>
        %dma_wait3A_1456 = arith.constant 0 : i32
        %dma_wait3A_1457 = arith.constant 0 : i32
        %dma_wait3A_1458 = tpu.memref_slice %dma_wait3A_1455[%dma_wait3A_1450, %dma_wait3A_1456, %dma_wait3A_1457] : memref<32x50x32xf32, #tpu.memory_space<vmem>> -> memref<1x50x32xf32, #tpu.memory_space<vmem>>
        %dma_wait3A_1459 = tpu.memref_squeeze %dma_wait3A_1458 : memref<1x50x32xf32, #tpu.memory_space<vmem>> -> memref<50x32xf32, #tpu.memory_space<vmem>>
        %dma_wait3A_1460 = arith.constant 0 : i32
        %dma_wait3A_1461 = arith.constant 0 : i32
        %dma_wait3A_1462 = tpu.memref_slice %run_scoped3A[%rem3A_207, %dma_wait3A_1460, %dma_wait3A_1461] : memref<2x32x50xi32, #tpu.memory_space<vmem>> -> memref<1x32x50xi32, #tpu.memory_space<vmem>>
        %dma_wait3A_1463 = tpu.memref_squeeze %dma_wait3A_1462 : memref<1x32x50xi32, #tpu.memory_space<vmem>> -> memref<32x50xi32, #tpu.memory_space<vmem>>
        %dma_wait3A_1464 = arith.constant 0 : i32
        %dma_wait3A_1465 = tpu.memref_slice %dma_wait3A_1463[%dma_wait3A_1449, %dma_wait3A_1464] : memref<32x50xi32, #tpu.memory_space<vmem>> -> memref<1x50xi32, #tpu.memory_space<vmem>>
        %dma_wait3A_1466 = tpu.memref_squeeze %dma_wait3A_1465 : memref<1x50xi32, #tpu.memory_space<vmem>> -> memref<50xi32, #tpu.memory_space<vmem>>
        %dma_wait3A_1467 = arith.constant 0 : i32
        %dma_wait3A_1468 = arith.constant 0 : i32
        %dma_wait3A_1469 = tpu.memref_slice %arg2[%dma_wait3A_1467, %dma_wait3A_1468] : memref<1000000x32xf32, #tpu.memory_space<hbm>> -> memref<1000000x32xf32, #tpu.memory_space<hbm>>
        tpu.wait_indirect_dma semaphore(%arg5 : memref<!tpu.dma_semaphore, #tpu.memory_space<semaphore_mem>>) src(%dma_wait3A_1469 : memref<1000000x32xf32, #tpu.memory_space<hbm>>) dst(%dma_wait3A_1459 : memref<50x32xf32, #tpu.memory_space<vmem>>)
        %dma_wait3A_1470 = arith.constant 28 : i32
        %dma_wait3A_1471 = arith.constant 28 : i32
        %dma_wait3A_1472 = arith.constant 0 : i32
        %dma_wait3A_1473 = arith.constant 0 : i32
        %dma_wait3A_1474 = arith.constant 0 : i32
        %dma_wait3A_1475 = tpu.memref_slice %run_scoped3A_8[%rem3A_209, %dma_wait3A_1472, %dma_wait3A_1473, %dma_wait3A_1474] : memref<2x32x50x32xf32, #tpu.memory_space<vmem>> -> memref<1x32x50x32xf32, #tpu.memory_space<vmem>>
        %dma_wait3A_1476 = tpu.memref_squeeze %dma_wait3A_1475 : memref<1x32x50x32xf32, #tpu.memory_space<vmem>> -> memref<32x50x32xf32, #tpu.memory_space<vmem>>
        %dma_wait3A_1477 = arith.constant 0 : i32
        %dma_wait3A_1478 = arith.constant 0 : i32
        %dma_wait3A_1479 = tpu.memref_slice %dma_wait3A_1476[%dma_wait3A_1471, %dma_wait3A_1477, %dma_wait3A_1478] : memref<32x50x32xf32, #tpu.memory_space<vmem>> -> memref<1x50x32xf32, #tpu.memory_space<vmem>>
        %dma_wait3A_1480 = tpu.memref_squeeze %dma_wait3A_1479 : memref<1x50x32xf32, #tpu.memory_space<vmem>> -> memref<50x32xf32, #tpu.memory_space<vmem>>
        %dma_wait3A_1481 = arith.constant 0 : i32
        %dma_wait3A_1482 = arith.constant 0 : i32
        %dma_wait3A_1483 = tpu.memref_slice %run_scoped3A[%rem3A_207, %dma_wait3A_1481, %dma_wait3A_1482] : memref<2x32x50xi32, #tpu.memory_space<vmem>> -> memref<1x32x50xi32, #tpu.memory_space<vmem>>
        %dma_wait3A_1484 = tpu.memref_squeeze %dma_wait3A_1483 : memref<1x32x50xi32, #tpu.memory_space<vmem>> -> memref<32x50xi32, #tpu.memory_space<vmem>>
        %dma_wait3A_1485 = arith.constant 0 : i32
        %dma_wait3A_1486 = tpu.memref_slice %dma_wait3A_1484[%dma_wait3A_1470, %dma_wait3A_1485] : memref<32x50xi32, #tpu.memory_space<vmem>> -> memref<1x50xi32, #tpu.memory_space<vmem>>
        %dma_wait3A_1487 = tpu.memref_squeeze %dma_wait3A_1486 : memref<1x50xi32, #tpu.memory_space<vmem>> -> memref<50xi32, #tpu.memory_space<vmem>>
        %dma_wait3A_1488 = arith.constant 0 : i32
        %dma_wait3A_1489 = arith.constant 0 : i32
        %dma_wait3A_1490 = tpu.memref_slice %arg2[%dma_wait3A_1488, %dma_wait3A_1489] : memref<1000000x32xf32, #tpu.memory_space<hbm>> -> memref<1000000x32xf32, #tpu.memory_space<hbm>>
        tpu.wait_indirect_dma semaphore(%arg5 : memref<!tpu.dma_semaphore, #tpu.memory_space<semaphore_mem>>) src(%dma_wait3A_1490 : memref<1000000x32xf32, #tpu.memory_space<hbm>>) dst(%dma_wait3A_1480 : memref<50x32xf32, #tpu.memory_space<vmem>>)
        %dma_wait3A_1491 = arith.constant 29 : i32
        %dma_wait3A_1492 = arith.constant 29 : i32
        %dma_wait3A_1493 = arith.constant 0 : i32
        %dma_wait3A_1494 = arith.constant 0 : i32
        %dma_wait3A_1495 = arith.constant 0 : i32
        %dma_wait3A_1496 = tpu.memref_slice %run_scoped3A_8[%rem3A_209, %dma_wait3A_1493, %dma_wait3A_1494, %dma_wait3A_1495] : memref<2x32x50x32xf32, #tpu.memory_space<vmem>> -> memref<1x32x50x32xf32, #tpu.memory_space<vmem>>
        %dma_wait3A_1497 = tpu.memref_squeeze %dma_wait3A_1496 : memref<1x32x50x32xf32, #tpu.memory_space<vmem>> -> memref<32x50x32xf32, #tpu.memory_space<vmem>>
        %dma_wait3A_1498 = arith.constant 0 : i32
        %dma_wait3A_1499 = arith.constant 0 : i32
        %dma_wait3A_1500 = tpu.memref_slice %dma_wait3A_1497[%dma_wait3A_1492, %dma_wait3A_1498, %dma_wait3A_1499] : memref<32x50x32xf32, #tpu.memory_space<vmem>> -> memref<1x50x32xf32, #tpu.memory_space<vmem>>
        %dma_wait3A_1501 = tpu.memref_squeeze %dma_wait3A_1500 : memref<1x50x32xf32, #tpu.memory_space<vmem>> -> memref<50x32xf32, #tpu.memory_space<vmem>>
        %dma_wait3A_1502 = arith.constant 0 : i32
        %dma_wait3A_1503 = arith.constant 0 : i32
        %dma_wait3A_1504 = tpu.memref_slice %run_scoped3A[%rem3A_207, %dma_wait3A_1502, %dma_wait3A_1503] : memref<2x32x50xi32, #tpu.memory_space<vmem>> -> memref<1x32x50xi32, #tpu.memory_space<vmem>>
        %dma_wait3A_1505 = tpu.memref_squeeze %dma_wait3A_1504 : memref<1x32x50xi32, #tpu.memory_space<vmem>> -> memref<32x50xi32, #tpu.memory_space<vmem>>
        %dma_wait3A_1506 = arith.constant 0 : i32
        %dma_wait3A_1507 = tpu.memref_slice %dma_wait3A_1505[%dma_wait3A_1491, %dma_wait3A_1506] : memref<32x50xi32, #tpu.memory_space<vmem>> -> memref<1x50xi32, #tpu.memory_space<vmem>>
        %dma_wait3A_1508 = tpu.memref_squeeze %dma_wait3A_1507 : memref<1x50xi32, #tpu.memory_space<vmem>> -> memref<50xi32, #tpu.memory_space<vmem>>
        %dma_wait3A_1509 = arith.constant 0 : i32
        %dma_wait3A_1510 = arith.constant 0 : i32
        %dma_wait3A_1511 = tpu.memref_slice %arg2[%dma_wait3A_1509, %dma_wait3A_1510] : memref<1000000x32xf32, #tpu.memory_space<hbm>> -> memref<1000000x32xf32, #tpu.memory_space<hbm>>
        tpu.wait_indirect_dma semaphore(%arg5 : memref<!tpu.dma_semaphore, #tpu.memory_space<semaphore_mem>>) src(%dma_wait3A_1511 : memref<1000000x32xf32, #tpu.memory_space<hbm>>) dst(%dma_wait3A_1501 : memref<50x32xf32, #tpu.memory_space<vmem>>)
        %dma_wait3A_1512 = arith.constant 30 : i32
        %dma_wait3A_1513 = arith.constant 30 : i32
        %dma_wait3A_1514 = arith.constant 0 : i32
        %dma_wait3A_1515 = arith.constant 0 : i32
        %dma_wait3A_1516 = arith.constant 0 : i32
        %dma_wait3A_1517 = tpu.memref_slice %run_scoped3A_8[%rem3A_209, %dma_wait3A_1514, %dma_wait3A_1515, %dma_wait3A_1516] : memref<2x32x50x32xf32, #tpu.memory_space<vmem>> -> memref<1x32x50x32xf32, #tpu.memory_space<vmem>>
        %dma_wait3A_1518 = tpu.memref_squeeze %dma_wait3A_1517 : memref<1x32x50x32xf32, #tpu.memory_space<vmem>> -> memref<32x50x32xf32, #tpu.memory_space<vmem>>
        %dma_wait3A_1519 = arith.constant 0 : i32
        %dma_wait3A_1520 = arith.constant 0 : i32
        %dma_wait3A_1521 = tpu.memref_slice %dma_wait3A_1518[%dma_wait3A_1513, %dma_wait3A_1519, %dma_wait3A_1520] : memref<32x50x32xf32, #tpu.memory_space<vmem>> -> memref<1x50x32xf32, #tpu.memory_space<vmem>>
        %dma_wait3A_1522 = tpu.memref_squeeze %dma_wait3A_1521 : memref<1x50x32xf32, #tpu.memory_space<vmem>> -> memref<50x32xf32, #tpu.memory_space<vmem>>
        %dma_wait3A_1523 = arith.constant 0 : i32
        %dma_wait3A_1524 = arith.constant 0 : i32
        %dma_wait3A_1525 = tpu.memref_slice %run_scoped3A[%rem3A_207, %dma_wait3A_1523, %dma_wait3A_1524] : memref<2x32x50xi32, #tpu.memory_space<vmem>> -> memref<1x32x50xi32, #tpu.memory_space<vmem>>
        %dma_wait3A_1526 = tpu.memref_squeeze %dma_wait3A_1525 : memref<1x32x50xi32, #tpu.memory_space<vmem>> -> memref<32x50xi32, #tpu.memory_space<vmem>>
        %dma_wait3A_1527 = arith.constant 0 : i32
        %dma_wait3A_1528 = tpu.memref_slice %dma_wait3A_1526[%dma_wait3A_1512, %dma_wait3A_1527] : memref<32x50xi32, #tpu.memory_space<vmem>> -> memref<1x50xi32, #tpu.memory_space<vmem>>
        %dma_wait3A_1529 = tpu.memref_squeeze %dma_wait3A_1528 : memref<1x50xi32, #tpu.memory_space<vmem>> -> memref<50xi32, #tpu.memory_space<vmem>>
        %dma_wait3A_1530 = arith.constant 0 : i32
        %dma_wait3A_1531 = arith.constant 0 : i32
        %dma_wait3A_1532 = tpu.memref_slice %arg2[%dma_wait3A_1530, %dma_wait3A_1531] : memref<1000000x32xf32, #tpu.memory_space<hbm>> -> memref<1000000x32xf32, #tpu.memory_space<hbm>>
        tpu.wait_indirect_dma semaphore(%arg5 : memref<!tpu.dma_semaphore, #tpu.memory_space<semaphore_mem>>) src(%dma_wait3A_1532 : memref<1000000x32xf32, #tpu.memory_space<hbm>>) dst(%dma_wait3A_1522 : memref<50x32xf32, #tpu.memory_space<vmem>>)
        %dma_wait3A_1533 = arith.constant 31 : i32
        %dma_wait3A_1534 = arith.constant 31 : i32
        %dma_wait3A_1535 = arith.constant 0 : i32
        %dma_wait3A_1536 = arith.constant 0 : i32
        %dma_wait3A_1537 = arith.constant 0 : i32
        %dma_wait3A_1538 = tpu.memref_slice %run_scoped3A_8[%rem3A_209, %dma_wait3A_1535, %dma_wait3A_1536, %dma_wait3A_1537] : memref<2x32x50x32xf32, #tpu.memory_space<vmem>> -> memref<1x32x50x32xf32, #tpu.memory_space<vmem>>
        %dma_wait3A_1539 = tpu.memref_squeeze %dma_wait3A_1538 : memref<1x32x50x32xf32, #tpu.memory_space<vmem>> -> memref<32x50x32xf32, #tpu.memory_space<vmem>>
        %dma_wait3A_1540 = arith.constant 0 : i32
        %dma_wait3A_1541 = arith.constant 0 : i32
        %dma_wait3A_1542 = tpu.memref_slice %dma_wait3A_1539[%dma_wait3A_1534, %dma_wait3A_1540, %dma_wait3A_1541] : memref<32x50x32xf32, #tpu.memory_space<vmem>> -> memref<1x50x32xf32, #tpu.memory_space<vmem>>
        %dma_wait3A_1543 = tpu.memref_squeeze %dma_wait3A_1542 : memref<1x50x32xf32, #tpu.memory_space<vmem>> -> memref<50x32xf32, #tpu.memory_space<vmem>>
        %dma_wait3A_1544 = arith.constant 0 : i32
        %dma_wait3A_1545 = arith.constant 0 : i32
        %dma_wait3A_1546 = tpu.memref_slice %run_scoped3A[%rem3A_207, %dma_wait3A_1544, %dma_wait3A_1545] : memref<2x32x50xi32, #tpu.memory_space<vmem>> -> memref<1x32x50xi32, #tpu.memory_space<vmem>>
        %dma_wait3A_1547 = tpu.memref_squeeze %dma_wait3A_1546 : memref<1x32x50xi32, #tpu.memory_space<vmem>> -> memref<32x50xi32, #tpu.memory_space<vmem>>
        %dma_wait3A_1548 = arith.constant 0 : i32
        %dma_wait3A_1549 = tpu.memref_slice %dma_wait3A_1547[%dma_wait3A_1533, %dma_wait3A_1548] : memref<32x50xi32, #tpu.memory_space<vmem>> -> memref<1x50xi32, #tpu.memory_space<vmem>>
        %dma_wait3A_1550 = tpu.memref_squeeze %dma_wait3A_1549 : memref<1x50xi32, #tpu.memory_space<vmem>> -> memref<50xi32, #tpu.memory_space<vmem>>
        %dma_wait3A_1551 = arith.constant 0 : i32
        %dma_wait3A_1552 = arith.constant 0 : i32
        %dma_wait3A_1553 = tpu.memref_slice %arg2[%dma_wait3A_1551, %dma_wait3A_1552] : memref<1000000x32xf32, #tpu.memory_space<hbm>> -> memref<1000000x32xf32, #tpu.memory_space<hbm>>
        tpu.wait_indirect_dma semaphore(%arg5 : memref<!tpu.dma_semaphore, #tpu.memory_space<semaphore_mem>>) src(%dma_wait3A_1553 : memref<1000000x32xf32, #tpu.memory_space<hbm>>) dst(%dma_wait3A_1543 : memref<50x32xf32, #tpu.memory_space<vmem>>)
        "tpu.trace_stop"() : () -> ()
        %ne3A_1554 = arith.cmpi ne, %add3A_135, %add3A_153 : i32
        %or3A_1555 = arith.constant false
        %or3A_1556 = arith.ori %or3A_1555, %ne3A_1554 : i1
        %or3A_1557 = arith.constant false
        %or3A_1558 = arith.ori %or3A_1556, %or3A_1557 : i1
        %or3A_1559 = arith.ori %or3A_1558, %eq3A_134 : i1
        %convert_element_type3A_1560 = arith.extui %or3A_1559 : i1 to i32
        %cond3A_1561 = arith.constant 0 : i32
        %cond3A_1562 = arith.cmpi ne, %convert_element_type3A_1560, %cond3A_1561 : i32
        scf.if %cond3A_1562 {
        } else {
        }
        %and3A_1563 = arith.constant false
        %and3A_1564 = arith.andi %or3A_1559, %and3A_1563 : i1
        %ne3A_1565 = arith.cmpi ne, %add3A_135, %add3A_153 : i32
        %or3A_1566 = arith.constant false
        %or3A_1567 = arith.ori %or3A_1566, %ne3A_1565 : i1
        %or3A_1568 = arith.constant false
        %or3A_1569 = arith.ori %or3A_1567, %or3A_1568 : i1
        %or3A_1570 = arith.constant false
        %or3A_1571 = arith.ori %or3A_1569, %or3A_1570 : i1
        %or3A_1572 = arith.ori %or3A_1571, %eq3A_134 : i1
        %convert_element_type3A_1573 = arith.extui %or3A_1572 : i1 to i32
        %cond3A_1574 = arith.constant 0 : i32
        %cond3A_1575 = arith.cmpi ne, %convert_element_type3A_1573, %cond3A_1574 : i32
        scf.if %cond3A_1575 {
          "tpu.trace_start"() <{level = 10 : i32, message = "ep_copy_out"}> : () -> ()
          %rem3A_1629 = arith.constant 2 : i32
          %rem3A_1630 = arith.remui %scan3A_128, %rem3A_1629 : i32
          %mul3A_1631 = arith.constant 32 : i32
          %mul3A_1632 = arith.muli %mul3A_1631, %add3A_135 : i32
          %dma_start3A_1633 = arith.constant 0 : i32
          %dma_start3A_1634 = arith.constant 0 : i32
          %dma_start3A_1635 = arith.constant 0 : i32
          %dma_start3A_1636 = tpu.memref_slice %run_scoped3A_8[%rem3A_1630, %dma_start3A_1633, %dma_start3A_1634, %dma_start3A_1635] : memref<2x32x50x32xf32, #tpu.memory_space<vmem>> -> memref<1x32x50x32xf32, #tpu.memory_space<vmem>>
          %dma_start3A_1637 = tpu.memref_squeeze %dma_start3A_1636 : memref<1x32x50x32xf32, #tpu.memory_space<vmem>> -> memref<32x50x32xf32, #tpu.memory_space<vmem>>
          %dma_start3A_1638 = arith.constant 0 : i32
          %dma_start3A_1639 = arith.constant 0 : i32
          %dma_start3A_1640 = tpu.memref_slice %arg4[%mul3A_1632, %dma_start3A_1638, %dma_start3A_1639] : memref<16384x50x32xf32, #tpu.memory_space<hbm>> -> memref<32x50x32xf32, #tpu.memory_space<hbm>>
          %dma_start3A_1641 = tpu.memref_slice %run_scoped3A_9[%rem3A_1630] : memref<2x!tpu.dma_semaphore, #tpu.memory_space<semaphore_mem>> -> memref<1x!tpu.dma_semaphore, #tpu.memory_space<semaphore_mem>>
          %dma_start3A_1642 = tpu.memref_squeeze %dma_start3A_1641 : memref<1x!tpu.dma_semaphore, #tpu.memory_space<semaphore_mem>> -> memref<!tpu.dma_semaphore, #tpu.memory_space<semaphore_mem>>
          %dma_start3A_1643 = arith.constant 0 : i32
          %dma_start3A_1644 = arith.constant 0 : i32
          %dma_start3A_1645 = tpu.memref_slice %arg4[%mul3A_1632, %dma_start3A_1643, %dma_start3A_1644] : memref<16384x50x32xf32, #tpu.memory_space<hbm>> -> memref<32x50x32xf32, #tpu.memory_space<hbm>>
          %dma_start3A_1646 = arith.constant 0 : i32
          %dma_start3A_1647 = arith.constant 0 : i32
          %dma_start3A_1648 = arith.constant 0 : i32
          %dma_start3A_1649 = tpu.memref_slice %run_scoped3A_8[%rem3A_1630, %dma_start3A_1646, %dma_start3A_1647, %dma_start3A_1648] : memref<2x32x50x32xf32, #tpu.memory_space<vmem>> -> memref<1x32x50x32xf32, #tpu.memory_space<vmem>>
          %dma_start3A_1650 = tpu.memref_squeeze %dma_start3A_1649 : memref<1x32x50x32xf32, #tpu.memory_space<vmem>> -> memref<32x50x32xf32, #tpu.memory_space<vmem>>
          tpu.enqueue_dma source(%dma_start3A_1650 : memref<32x50x32xf32, #tpu.memory_space<vmem>>) target(%dma_start3A_1645 : memref<32x50x32xf32, #tpu.memory_space<hbm>>) target_semaphore(%dma_start3A_1642 : memref<!tpu.dma_semaphore, #tpu.memory_space<semaphore_mem>>)
          "tpu.trace_stop"() : () -> ()
        } else {
        }
        %and3A_1576 = arith.constant true
        %and3A_1577 = arith.andi %or3A_1572, %and3A_1576 : i1
        %add3A_1578 = arith.constant 1 : i32
        %add3A_1579 = arith.addi %scan3A_128, %add3A_1578 : i32
        %select_n3A_1580 = arith.select %and3A_1577, %add3A_1579, %scan3A_128 : i32
        %ne3A_1581 = arith.cmpi ne, %add3A_135, %add3A_144 : i32
        %or3A_1582 = arith.constant false
        %or3A_1583 = arith.ori %or3A_1582, %ne3A_1581 : i1
        %or3A_1584 = arith.constant false
        %or3A_1585 = arith.ori %or3A_1583, %or3A_1584 : i1
        %not3A_1586 = arith.constant true
        %not3A_1587 = arith.xori %eq3A_132, %not3A_1586 : i1
        %and3A_1588 = arith.andi %or3A_1585, %not3A_1587 : i1
        %convert_element_type3A_1589 = arith.extui %and3A_1588 : i1 to i32
        %cond3A_1590 = arith.constant 0 : i32
        %cond3A_1591 = arith.cmpi ne, %convert_element_type3A_1589, %cond3A_1590 : i32
        scf.if %cond3A_1591 {
        } else {
        }
        %and3A_1592 = arith.constant false
        %and3A_1593 = arith.andi %and3A_1588, %and3A_1592 : i1
        %ne3A_1594 = arith.cmpi ne, %add3A_135, %add3A_144 : i32
        %or3A_1595 = arith.constant false
        %or3A_1596 = arith.ori %or3A_1595, %ne3A_1594 : i1
        %or3A_1597 = arith.constant false
        %or3A_1598 = arith.ori %or3A_1596, %or3A_1597 : i1
        %or3A_1599 = arith.constant false
        %or3A_1600 = arith.ori %or3A_1598, %or3A_1599 : i1
        %not3A_1601 = arith.constant true
        %not3A_1602 = arith.xori %eq3A_132, %not3A_1601 : i1
        %and3A_1603 = arith.andi %or3A_1600, %not3A_1602 : i1
        %convert_element_type3A_1604 = arith.extui %and3A_1603 : i1 to i32
        %cond3A_1605 = arith.constant 0 : i32
        %cond3A_1606 = arith.cmpi ne, %convert_element_type3A_1604, %cond3A_1605 : i32
        scf.if %cond3A_1606 {
          "tpu.trace_start"() <{level = 10 : i32, message = "ep_wait_out"}> : () -> ()
          %rem3A_1629 = arith.constant 2 : i32
          %rem3A_1630 = arith.remui %scan3A_129, %rem3A_1629 : i32
          %mul3A_1631 = arith.constant 32 : i32
          %mul3A_1632 = arith.muli %mul3A_1631, %add3A_144 : i32
          %dma_wait3A_1633 = arith.constant 0 : i32
          %dma_wait3A_1634 = arith.constant 0 : i32
          %dma_wait3A_1635 = arith.constant 0 : i32
          %dma_wait3A_1636 = tpu.memref_slice %run_scoped3A_8[%rem3A_1630, %dma_wait3A_1633, %dma_wait3A_1634, %dma_wait3A_1635] : memref<2x32x50x32xf32, #tpu.memory_space<vmem>> -> memref<1x32x50x32xf32, #tpu.memory_space<vmem>>
          %dma_wait3A_1637 = tpu.memref_squeeze %dma_wait3A_1636 : memref<1x32x50x32xf32, #tpu.memory_space<vmem>> -> memref<32x50x32xf32, #tpu.memory_space<vmem>>
          %dma_wait3A_1638 = arith.constant 0 : i32
          %dma_wait3A_1639 = arith.constant 0 : i32
          %dma_wait3A_1640 = tpu.memref_slice %arg4[%mul3A_1632, %dma_wait3A_1638, %dma_wait3A_1639] : memref<16384x50x32xf32, #tpu.memory_space<hbm>> -> memref<32x50x32xf32, #tpu.memory_space<hbm>>
          %dma_wait3A_1641 = tpu.memref_slice %run_scoped3A_9[%rem3A_1630] : memref<2x!tpu.dma_semaphore, #tpu.memory_space<semaphore_mem>> -> memref<1x!tpu.dma_semaphore, #tpu.memory_space<semaphore_mem>>
          %dma_wait3A_1642 = tpu.memref_squeeze %dma_wait3A_1641 : memref<1x!tpu.dma_semaphore, #tpu.memory_space<semaphore_mem>> -> memref<!tpu.dma_semaphore, #tpu.memory_space<semaphore_mem>>
          %dma_wait3A_1643 = arith.constant 0 : i32
          %dma_wait3A_1644 = arith.constant 0 : i32
          %dma_wait3A_1645 = tpu.memref_slice %arg4[%mul3A_1632, %dma_wait3A_1643, %dma_wait3A_1644] : memref<16384x50x32xf32, #tpu.memory_space<hbm>> -> memref<32x50x32xf32, #tpu.memory_space<hbm>>
          %dma_wait3A_1646 = arith.constant 0 : i32
          %dma_wait3A_1647 = arith.constant 0 : i32
          %dma_wait3A_1648 = arith.constant 0 : i32
          %dma_wait3A_1649 = tpu.memref_slice %run_scoped3A_8[%rem3A_1630, %dma_wait3A_1646, %dma_wait3A_1647, %dma_wait3A_1648] : memref<2x32x50x32xf32, #tpu.memory_space<vmem>> -> memref<1x32x50x32xf32, #tpu.memory_space<vmem>>
          %dma_wait3A_1650 = tpu.memref_squeeze %dma_wait3A_1649 : memref<1x32x50x32xf32, #tpu.memory_space<vmem>> -> memref<32x50x32xf32, #tpu.memory_space<vmem>>
          tpu.wait_dma2 semaphore(%dma_wait3A_1642 : memref<!tpu.dma_semaphore, #tpu.memory_space<semaphore_mem>>) src(%dma_wait3A_1650 : memref<32x50x32xf32, #tpu.memory_space<vmem>>) dst(%dma_wait3A_1645 : memref<32x50x32xf32, #tpu.memory_space<hbm>>)
          "tpu.trace_stop"() : () -> ()
        } else {
        }
        %and3A_1607 = arith.constant true
        %and3A_1608 = arith.andi %and3A_1603, %and3A_1607 : i1
        %add3A_1609 = arith.constant 1 : i32
        %add3A_1610 = arith.addi %scan3A_129, %add3A_1609 : i32
        %select_n3A_1611 = arith.select %and3A_1608, %add3A_1610, %scan3A_129 : i32
        %ne3A_1612 = arith.cmpi ne, %add3A_135, %add3A_153 : i32
        %or3A_1613 = arith.constant false
        %or3A_1614 = arith.ori %or3A_1613, %ne3A_1612 : i1
        %or3A_1615 = arith.constant false
        %or3A_1616 = arith.ori %or3A_1614, %or3A_1615 : i1
        %or3A_1617 = arith.ori %or3A_1616, %eq3A_134 : i1
        %add3A_1618 = arith.constant 1 : i32
        %add3A_1619 = arith.addi %scan3A_127, %add3A_1618 : i32
        %select_n3A_1620 = arith.select %or3A_1617, %add3A_1619, %scan3A_127 : i32
        %add3A_1621 = arith.constant 1 : i32
        %add3A_1622 = arith.addi %scan3A_130, %add3A_1621 : i32
        %select_n3A_1623 = arith.constant true
        %select_n3A_1624 = arith.select %select_n3A_1623, %add3A_1622, %scan3A_130 : i32
        %eq3A_1625 = arith.constant 16 : i32
        %eq3A_1626 = arith.cmpi eq, %select_n3A_1624, %eq3A_1625 : i32
        %select_n3A_1627 = arith.constant 0 : i32
        %select_n3A_1628 = arith.select %eq3A_1626, %select_n3A_1627, %select_n3A_1624 : i32
        scf.yield %select_n3A_173, %select_n3A_1620, %select_n3A_1580, %select_n3A_1611, %select_n3A_1628 : i32, i32, i32, i32, i32
      }
      %scan3A_68 = arith.constant 16 : i32
      %sub3A = arith.constant 1 : i32
      %sub3A_69 = arith.subi %scan3A_67#4, %sub3A : i32
      %select_n3A_70 = arith.constant true
      %select_n3A_71 = arith.select %select_n3A_70, %sub3A_69, %scan3A_67#4 : i32
      %eq3A_72 = arith.constant -1 : i32
      %eq3A_73 = arith.cmpi eq, %select_n3A_71, %eq3A_72 : i32
      %select_n3A_74 = arith.constant 15 : i32
      %select_n3A_75 = arith.select %eq3A_73, %select_n3A_74, %select_n3A_71 : i32
      %add3A_76 = arith.addi %select_n3A_75, %mul3A_6 : i32
      %sub3A_77 = arith.constant 1 : i32
      %sub3A_78 = arith.subi %select_n3A_75, %sub3A_77 : i32
      %select_n3A_79 = arith.constant true
      %select_n3A_80 = arith.select %select_n3A_79, %sub3A_78, %select_n3A_75 : i32
      %eq3A_81 = arith.constant -1 : i32
      %eq3A_82 = arith.cmpi eq, %select_n3A_80, %eq3A_81 : i32
      %select_n3A_83 = arith.constant 15 : i32
      %select_n3A_84 = arith.select %eq3A_82, %select_n3A_83, %select_n3A_80 : i32
      %add3A_85 = arith.addi %select_n3A_84, %mul3A_6 : i32
      %add3A_86 = arith.constant 1 : i32
      %add3A_87 = arith.addi %select_n3A_75, %add3A_86 : i32
      %select_n3A_88 = arith.constant true
      %select_n3A_89 = arith.select %select_n3A_88, %add3A_87, %select_n3A_75 : i32
      %eq3A_90 = arith.constant 16 : i32
      %eq3A_91 = arith.cmpi eq, %select_n3A_89, %eq3A_90 : i32
      %select_n3A_92 = arith.constant 0 : i32
      %select_n3A_93 = arith.select %eq3A_91, %select_n3A_92, %select_n3A_89 : i32
      %add3A_94 = arith.addi %select_n3A_93, %mul3A_6 : i32
      %add3A_95 = arith.constant 1 : i32
      %add3A_96 = arith.addi %select_n3A_93, %add3A_95 : i32
      %select_n3A_97 = arith.constant true
      %select_n3A_98 = arith.select %select_n3A_97, %add3A_96, %select_n3A_93 : i32
      %eq3A_99 = arith.constant 16 : i32
      %eq3A_100 = arith.cmpi eq, %select_n3A_98, %eq3A_99 : i32
      %select_n3A_101 = arith.constant 0 : i32
      %select_n3A_102 = arith.select %eq3A_100, %select_n3A_101, %select_n3A_98 : i32
      %add3A_103 = arith.addi %select_n3A_102, %mul3A_6 : i32
      "tpu.trace_start"() <{level = 10 : i32, message = "ep_finalize"}> : () -> ()
      %rem3A_104 = arith.constant 2 : i32
      %rem3A_105 = arith.remui %scan3A_67#3, %rem3A_104 : i32
      %mul3A_106 = arith.constant 32 : i32
      %mul3A_107 = arith.muli %mul3A_106, %add3A_76 : i32
      %dma_wait3A = arith.constant 0 : i32
      %dma_wait3A_108 = arith.constant 0 : i32
      %dma_wait3A_109 = arith.constant 0 : i32
      %dma_wait3A_110 = tpu.memref_slice %run_scoped3A_8[%rem3A_105, %dma_wait3A, %dma_wait3A_108, %dma_wait3A_109] : memref<2x32x50x32xf32, #tpu.memory_space<vmem>> -> memref<1x32x50x32xf32, #tpu.memory_space<vmem>>
      %dma_wait3A_111 = tpu.memref_squeeze %dma_wait3A_110 : memref<1x32x50x32xf32, #tpu.memory_space<vmem>> -> memref<32x50x32xf32, #tpu.memory_space<vmem>>
      %dma_wait3A_112 = arith.constant 0 : i32
      %dma_wait3A_113 = arith.constant 0 : i32
      %dma_wait3A_114 = tpu.memref_slice %arg4[%mul3A_107, %dma_wait3A_112, %dma_wait3A_113] : memref<16384x50x32xf32, #tpu.memory_space<hbm>> -> memref<32x50x32xf32, #tpu.memory_space<hbm>>
      %dma_wait3A_115 = tpu.memref_slice %run_scoped3A_9[%rem3A_105] : memref<2x!tpu.dma_semaphore, #tpu.memory_space<semaphore_mem>> -> memref<1x!tpu.dma_semaphore, #tpu.memory_space<semaphore_mem>>
      %dma_wait3A_116 = tpu.memref_squeeze %dma_wait3A_115 : memref<1x!tpu.dma_semaphore, #tpu.memory_space<semaphore_mem>> -> memref<!tpu.dma_semaphore, #tpu.memory_space<semaphore_mem>>
      %dma_wait3A_117 = arith.constant 0 : i32
      %dma_wait3A_118 = arith.constant 0 : i32
      %dma_wait3A_119 = tpu.memref_slice %arg4[%mul3A_107, %dma_wait3A_117, %dma_wait3A_118] : memref<16384x50x32xf32, #tpu.memory_space<hbm>> -> memref<32x50x32xf32, #tpu.memory_space<hbm>>
      %dma_wait3A_120 = arith.constant 0 : i32
      %dma_wait3A_121 = arith.constant 0 : i32
      %dma_wait3A_122 = arith.constant 0 : i32
      %dma_wait3A_123 = tpu.memref_slice %run_scoped3A_8[%rem3A_105, %dma_wait3A_120, %dma_wait3A_121, %dma_wait3A_122] : memref<2x32x50x32xf32, #tpu.memory_space<vmem>> -> memref<1x32x50x32xf32, #tpu.memory_space<vmem>>
      %dma_wait3A_124 = tpu.memref_squeeze %dma_wait3A_123 : memref<1x32x50x32xf32, #tpu.memory_space<vmem>> -> memref<32x50x32xf32, #tpu.memory_space<vmem>>
      tpu.wait_dma2 semaphore(%dma_wait3A_116 : memref<!tpu.dma_semaphore, #tpu.memory_space<semaphore_mem>>) src(%dma_wait3A_124 : memref<32x50x32xf32, #tpu.memory_space<vmem>>) dst(%dma_wait3A_119 : memref<32x50x32xf32, #tpu.memory_space<hbm>>)
      "tpu.trace_stop"() : () -> ()
      tpu.yield
    }) : () -> ()
    return
  }
}

</mosaic_0001>

<sc_bundles>
// kernel: kernel.3.cloned.1.call-start
scs
__scs_entry_jumppad:
0x0: {  	(pc) =	sbr.rel $0x88, $3  }
0x1: {  	(tag) =	ssettag $0x0;
	lr =	simm.s32 $0x1  }
0x2: {  	[smem:$0x3F9F] =	sst lr;
	_ =	strace $0xD0000000  }
0x3: {  	_ = 	snop  }
0x4: {  	_ = 	snop  }
0x5: {  	_ = 	snop  }
0x6: {  	_ = 	snop  }
0x7: {  	_ = 	snop  }
__scs_overlays_trampoline_lowered:
0x8: {  	[smem:$0x3FAE] =	sst s0  }
0x9: {  	[smem:$0x3FAF] =	sst s1  }
0xa: {  	[smem:$0x3FB0] =	sst s2  }
0xb: {  	[smem:$0x3FB1] =	sst s3  }
0xc: {  	[smem:$0x3FB2] =	sst s4  }
0xd: {  	[smem:$0x3FB3] =	sst s5  }
0xe: {  	[smem:$0x3FB4] =	sst s6  }
0xf: {  	[smem:$0x3FB5] =	sst s7  }
0x10: {  	[smem:$0x3FB6] =	sst s8  }
0x11: {  	[smem:$0x3FB7] =	sst s9;
	s0 =	simm.s32 @!p0 $0x0  }
0x12: {  	s1 =	sld [smem:$0x3F9D];
	s0 =	simm.s32 @p0 $0x1  }
0x13: {  	[smem:$0x3FB8] =	sst s0;
	s0 =	simm.s32 @!p1 $0x0  }
0x14: {  	s2 =	sld [smem:$0x3F9C];
	s0 =	simm.s32 @p1 $0x1  }
0x15: {  	[smem:$0x3FB9] =	sst s0;
	s0 =	simm.s32 @!p2 $0x0  }
0x16: {  	s3 =	sld [smem:$0x3FDB];
	s0 =	simm.s32 @p2 $0x1  }
0x17: {  	s4 =	simm.s32 $0x1BF5;
	[smem:$0x3FBB] =	sst s0  }
0x18: {  	s0 =	sld [smem:$0x3F9E];
	_ =	swait.ge [sflag:s4], $0x0  }
0x19: {  	s7 =	sld [smem:$0x3F9F]  }
0x1a: {  	s8 =	sadd.s32 $0xFFFFE003, lr  }
0x1b: {  	s9 =	sadd.s32 $0xFFFFFEF7, lr;
	s5 =	simm.s32 $0xFFFFFFFF;
	p2 =	slt.u32 s8, $0xFFFFF086  }
0x1c: {  	p1 =	slt.u32 s9, $0xF7A;
	s5 =	simm.s32 @!p2 $0x0  }
0x1d: {  	s5 =	simm.s32 @p1 $0x1;
	p0 =	seq.s32 s7, s2  }
0x1e: {  	s7 =	smul.u32 @!p0 $0xF7A, s2;
	p2 =	seq.s32 @!p0 s5, $0x0  }
0x1f: {  	s9 =	smul.u32 $0xF7A, s1;
	s8 =	simm.s32 @!p0 $0x1BF5;
	p2 =	por !p2, p0  }
0x20: {  	[sflag:s8] =	ssyncset.s32 @!p0 $0xFFFFF086;
	s6 =	sadd.s32 @!p0 s3, s7;
	s7 =	simm.s32 @!p0 $0x108  }
0x21: {  	s3 =	sadd.s32 s3, s9;
	s6 =	sadd.s32 @!p0 $0x88, s6;
	s7 =	simm.s32 @p2 $0x1082  }
0x22: {  	[simem:s7], [sflag:s8] =	dma.local @!p0 [hbm:s6], $0xF7A  }
0x23: {  	s9 =	sor.u32 $0xD0000000, s2;
	s6 =	simm.s32 $0x108;
	_ =	swait.ge @!p0 [sflag:s8], $0x0  }
0x24: {  	s3 =	sadd.s32 $0x88, s3;
	s6 =	simm.s32 @!p1 $0x1082;
	[sflag:s4] =	ssyncset.s32 $0xFFFFF086  }
0x25: {  	[simem:s6], [sflag:s4] =	dma.local [hbm:s3], $0xF7A  }
0x26: {  	[smem:$0x3F9F] =	sst s1;
	(tag) =	ssettag s2;
	_ =	strace s9  }
0x27: {  	s1 =	sld [smem:$0x3FAF]  }
0x28: {  	s2 =	sld [smem:$0x3FB0]  }
0x29: {  	s4 =	sld [smem:$0x3FB2]  }
0x2a: {  	p0 =	seq.s32 s5, $0x0;
	s5 =	sld [smem:$0x3FB3]  }
0x2b: {  	s6 =	sld [smem:$0x3FB4]  }
0x2c: {  	s7 =	sld [smem:$0x3FB5]  }
0x2d: {  	s3 =	simm.s32 $0x108;
	s8 =	sld [smem:$0x3FB6]  }
0x2e: {  	s3 =	simm.s32 @!p0 $0x1082;
	s9 =	sld [smem:$0x3FB7]  }
0x2f: {  	lr =	sadd.s32 s0, s3;
	s0 =	sld [smem:$0x3FAE]  }
0x30: {  	s3 =	sld [smem:$0x3FB1]  }
0x31: {  	[smem:$0x3FBA] =	sst s10  }
0x32: {  	s10 =	sld [smem:$0x3FB8];
	_ =	sdelay $0x3  }
0x33: {  	p0 =	seq.s32 s10, $0x1;
	s10 =	sld [smem:$0x3FBA];
	_ =	sdelay $0x3  }
0x34: {  	[smem:$0x3FBA] =	sst s10  }
0x35: {  	s10 =	sld [smem:$0x3FB9];
	_ =	sdelay $0x3  }
0x36: {  	p1 =	seq.s32 s10, $0x1;
	s10 =	sld [smem:$0x3FBA];
	_ =	sdelay $0x3  }
0x37: {  	[smem:$0x3FBA] =	sst s10  }
0x38: {  	s10 =	sld [smem:$0x3FBB]  }
0x39: {  	_ = 	snop;
	(pc) =	sbr.ind lr, $3  }
0x3a: {  	_ = 	snop  }
0x3b: {  	_ = 	snop  }
0x3c: {  	p2 =	seq.s32 s10, $0x1;
	s10 =	sld [smem:$0x3FBA]  }
0x3d: {  	_ =	shalt  }
0x3e: {  	_ =	shalt  }
0x3f: {  	_ =	shalt  }
0x40: {  	_ =	shalt  }
0x41: {  	_ =	shalt  }
0x42: {  	_ =	shalt  }
0x43: {  	_ =	shalt  }
0x44: {  	_ =	shalt  }
0x45: {  	_ =	shalt  }
0x46: {  	_ =	shalt  }
0x47: {  	_ =	shalt  }
0x48: {  	_ =	shalt  }
0x49: {  	_ =	shalt  }
0x4a: {  	_ =	shalt  }
0x4b: {  	_ =	shalt  }
0x4c: {  	_ =	shalt  }
0x4d: {  	_ =	shalt  }
0x4e: {  	_ =	shalt  }
0x4f: {  	_ =	shalt  }
0x50: {  	_ =	shalt  }
0x51: {  	_ =	shalt  }
0x52: {  	_ =	shalt  }
0x53: {  	_ =	shalt  }
0x54: {  	_ =	shalt  }
0x55: {  	_ =	shalt  }
0x56: {  	_ =	shalt  }
0x57: {  	_ =	shalt  }
0x58: {  	_ =	shalt  }
0x59: {  	_ =	shalt  }
0x5a: {  	_ =	shalt  }
0x5b: {  	_ =	shalt  }
0x5c: {  	_ =	shalt  }
0x5d: {  	_ =	shalt  }
0x5e: {  	_ =	shalt  }
0x5f: {  	_ =	shalt  }
0x60: {  	_ =	shalt  }
0x61: {  	_ =	shalt  }
0x62: {  	_ =	shalt  }
0x63: {  	_ =	shalt  }
0x64: {  	_ =	shalt  }
0x65: {  	_ =	shalt  }
0x66: {  	_ =	shalt  }
0x67: {  	_ =	shalt  }
0x68: {  	_ =	shalt  }
0x69: {  	_ =	shalt  }
0x6a: {  	_ =	shalt  }
0x6b: {  	_ =	shalt  }
0x6c: {  	_ =	shalt  }
0x6d: {  	_ =	shalt  }
0x6e: {  	_ =	shalt  }
0x6f: {  	_ =	shalt  }
0x70: {  	_ =	shalt  }
0x71: {  	_ =	shalt  }
0x72: {  	_ =	shalt  }
0x73: {  	_ =	shalt  }
0x74: {  	_ =	shalt  }
0x75: {  	_ =	shalt  }
0x76: {  	_ =	shalt  }
0x77: {  	_ =	shalt  }
0x78: {  	_ =	shalt  }
0x79: {  	_ =	shalt  }
0x7a: {  	_ =	shalt  }
0x7b: {  	_ =	shalt  }
0x7c: {  	_ =	shalt  }
0x7d: {  	_ =	shalt  }
0x7e: {  	_ =	shalt  }
0x7f: {  	_ =	shalt  }
0x80: {  	_ =	shalt  }
0x81: {  	_ =	shalt  }
0x82: {  	_ =	shalt  }
0x83: {  	_ =	shalt  }
0x84: {  	_ =	shalt  }
0x85: {  	_ =	shalt  }
0x86: {  	_ =	shalt  }
0x87: {  	_ =	shalt  }
.Lfunc_end0:
.L_simem_size_0:
called_computation.1_lowered:
.L_overlay_start_0:
0x88: {  	s2 =	sld [smem:$0x3FD9]  }
0x89: {  	s3 =	sld [smem:$0x3FFE];
	_ =	sdelay $0x1  }
0x8a: {  	s1 =	srdreg.scid  }
0x8b: {  	s0 =	sand.u32 $0x1, s1  }
0x8c: {  	s17 =	sshll.u32 s0, $0xA;
	s2 =	sadd.s32 s3, s2  }
0x8d: {  	s2 =	sadd.s32 s2, s17  }
0x8e: {  	[smem:$0x3FC6] =	sst s2  }
0x8f: {  	_ = 	snop  }
0x90: {  	s2 =	sld [smem:$0x3FD0];
	(tm) =	ssettm $0x1  }
0x91: {  	s18 =	sld [smem:$0x3FFB];
	_ =	sdelay $0x3  }
0x92: {  	_ =	strace s18  }
0x93: {  	s3 =	sld [smem:$0x3FFC];
	_ =	sdelay $0x3  }
0x94: {  	_ =	strace s3  }
0x95: {  	s3 =	sld [smem:$0x3FFD];
	_ =	sdelay $0x3  }
0x96: {  	_ =	strace s3  }
0x97: {  	_ =	strace $0x8FFFFFFF  }
0x98: {  	s19 =	sld [smem:$0x3FDB];
	_ =	sdelay $0x1  }
0x99: {  	s4 =	simm.s32 $_scs_section_size  }
0x9a: {  	s5 =	simm.s32 $_size__tile_overlayer_lowered;
	s6 =	simm.s32 $_tile_overlayer_lowered  }
0x9b: {  	s22 =	simm.s32 $0x1BFF;
	s21 =	sshll.u32 s6, $0x1;
	s3 =	sadd.s32 s4, s19  }
0x9c: {  	s7 =	simm.s32 $0x0;
	s20 =	sshll.u32 s5, $0x1;
	s5 =	sadd.s32 s21, s3  }
0x9d: {  	[timem:s7], [sflag:s22] =	dma.local [hbm:s5], s20  }
0x9e: {  	_ =	swait.ge [sflag:s22], s20  }
0x9f: {  	s4 =	ssub.s32 $0x0, s20;
	[sflag:s22] =	ssyncset.done $0x0  }
0xa0: {  	[sflag:s22] =	ssyncadd.s32 s4;
	_ =	sdelay $0x1  }
0xa1: {  	s23 =	simm.s32 $0x1B8B  }
0xa2: {  	_ =	swait.ge [sflag:s23], $0x1  }
0xa3: {  	[sflag:s23] =	ssyncset.done $0x0  }
0xa4: {  	s25 =	simm.s32 $0x1B8E;
	s24 =	sld [smem:$0x3FFE];
	[sflag:s23] =	ssyncadd.s32 $0xFFFFFFFF  }
0xa5: {  	s26 =	simm.s32 $execute0_lowered;
	[smem:$0x3FD2] =	sst s25  }
0xa6: {  	s5 =	sshll.u32 s26, $0x1;
	_ =	strace $0x80000046;
	[dreg:$0x1] =	wrdreg $0xFFFFFFFF  }
0xa7: {  	s28 =	simm.s32 $_size_execute0_lowered;
	s3 =	sadd.s32 s3, s5;
	[dreg:$0x0] =	wrdreg $0x0  }
0xa8: {  	s5 =	sshll.u32 s28, $0x1;
	[dreg:$0x2] =	wrdreg s3  }
0xa9: {  	[dreg:$0x3] =	wrdreg s5  }
0xaa: {  	[dreg:$0x4] =	wrdreg $0xC0  }
0xab: {  	_ =	task [dreg:s7], $0x5FFFF  }
0xac: {  	[dreg:$0x1] =	wrdreg $0xFFFFFFFF  }
0xad: {  	[dreg:$0x0] =	wrdreg $0x60  }
0xae: {  	[dreg:$0x2] =	wrdreg s24  }
0xaf: {  	[dreg:$0x3] =	wrdreg s2  }
0xb0: {  	[dreg:$0x4] =	wrdreg $0x9  }
0xb1: {  	_ =	task.clear_ibuf [dreg:s7], $0x5FFFF;
	_ =	strace $0x90000046  }
0xb2: {  	s29 =	simm.s32 $0x9;
	_ =	strace $0x8000004F  }
0xb3: {  	_ =	swait.ge [sflag:s29], $0x1  }
0xb4: {  	[sflag:s29] =	ssyncadd.s32 $0xFFFFFFFF  }
0xb5: {  	_ =	strace $0x9000004F  }
0xb6: {  	_ =	sfence  }
0xb7: {  	s30 =	sld [smem:$0x0];
	_ =	sdelay $0x2  }
0xb8: {  	s31 =	sshll.u32 s1, $0xD;
	s1 =	sshrl.u32 s1, $0x2  }
0xb9: {  	s3 =	sand.u32 $0x4000, s31;
	s1 =	sadd.s32 s1, s30  }
0xba: {  	s0 =	sor.u32 s3, s0;
	s1 =	sshll.u32 s1, $0x11  }
0xbb: {  	s0 =	sor.u32 s1, s0  }
0xbc: {  	s0 =	sadd.s32 $0x8F2B, s0  }
0xbd: {  	[sflag:s0] =	ssyncadd.remote.s32 $0x1  }
0xbe: {  	_ =	sfence.sel $0xFFFF  }
0xbf: {  	[dreg:$0x0] =	wrdreg $0xFFFFFFFF;
	(pc) =	sbr.abs _section_cstart, $3  }
0xc0: {  	[dreg:$0x1] =	wrdreg $0xFFFFFFFF  }
0xc1: {  	_ =	task.clear_ibuf [dreg:s7], $0x2FFFF;
	_ =	strace $0x9FFFFFFF  }
0xc2: {  	(tm) =	ssettm $0x7FFFFFFF  }
0xc3: {  	_ =	shalt  }
tec
execute0_lowered:
.L_overlay_start_1:
0x0: {  	(tag) =	ssettag $0x1  }
0x1: {  	s4 =	rddreg [dreg:$0x0]  }
0x2: {  	s0 =	rddreg [dreg:$0x1]  }
0x3: {  	s1 =	srdreg.scid;
	s2 =	simm.s32 $0x0;
	s9 =	simm.s32 $0x700  }
0x4: {  	s10 =	simm.s32 $0x5;
	s11 =	simm.s32 $0x0;
	[dreg:$0x4] =	wrdreg s0  }
0x5: {  	s3 =	sand.u32 $0x1, s1;
	s1 =	stileid.u32;
	[smem:$0x7FF] =	sst s2  }
0x6: {  	s5 =	sshll.u32 s3, $0x4;
	s6 =	ssub.s32 $0x2, s3;
	_ =	strace $0x80000047  }
0x7: {  	s3 =	sadd.s32 $0xF42E00, s4;
	s4 =	sadd.s32 $0xA00, s4;
	s5 =	sor.u32 s1, s5  }
0x8: {  	[dreg:$0x3] =	wrdreg s9;
	s7 =	sshrl.u32 s6, $0x1;
	s8 =	smul.u32 $0xE00, s5  }
0x9: {  	s9 =	simm.s32 $0x32;
	s7 =	ssub.s32 s6, s7;
	s5 =	sshll.u32 s5, $0x4  }
0xa: {  	s7 =	smax.u32 s7, $0x1;
	s6 =	sadd.s32 s4, s8;
	s8 =	simm.s32 $0x1  }
.LBB2_1:
0xb: {  	_ =	strace $0x80000048;
	s12 =	simm.s32 $0x1;
	p0 =	por $0x0, $0x0  }
0xc: {  	[tilespmem:s2], [sflag:$0x2] =	stream.linear.gather [hbm4b:s6+s2], $0x700, $0x200038;
	[tilespmem:$0x19E00] =	vst v63  }
0xd: {  	s12 =	simm.s32 @p0 $0x0  }
0xe: {  	p1 =	por $0x1, $0x1;
	p0 =	sne.s32 s12, $0x0  }
0xf: {  	p1 =	por !p1, !p0  }
0x10: {  	p1 =	por !p1, !p1  }
0x11: {  	s13 =	sadd.s32 @p1 s5, s12  }
0x12: {  	s14 =	sand.u32 @p1 $0x1, s8;
	s13 =	smul.u32 @p1 $0x700, s13  }
0x13: {  	_ =	strace $0x90000048;
	s15 =	smul.u32 @p1 $0x1C00, s14  }
0x14: {  	s16 =	simm.s32 @p1 $0x0;
	_ =	strace @p1 $0x80000049;
	s13 =	sshrl.u32 @p1 s13, $0x3  }
0x15: {  	s14 =	sor.u32 @p1 $0x2, s14;
	s15 =	sshrl.u32 @p1 s15, $0x2;
	s13 =	sadd.s32 @p1 s4, s13  }
0x16: {  	[tilespmem:s15], [sflag:s14] =	stream.linear.gather @p1 [hbm4b:s13+s16], $0x700, $0x200038;
	[tilespmem:$0x19E00] =	vst v63  }
0x17: {  	s15 =	sand.u32 $0x1, s2;
	_ =	strace @p1 $0x90000049  }
0x18: {  	s19 =	sor.u32 $0x2, s15;
	_ =	strace $0x8000004A  }
0x19: {  	_ =	swait.ge [sflag:s19], $0x700  }
0x1a: {  	[sflag:s19] =	ssyncset.done $0x0  }
0x1b: {  	[sflag:s19] =	ssyncadd.s32 $0xFFFFF900  }
0x1c: {  	s20 =	smul.u32 $0x32000, s15;
	_ =	strace $0x9000004A  }
0x1d: {  	_ =	strace $0x8000004B  }
0x1e: {  	p2 =	seq.s32 s15, $0x1;
	s14 =	sshrl.u32 s20, $0x2;
	s13 =	rddreg [dreg:$0x3]  }
0x1f: {  	s16 =	sadd.s32 $0xE00, s14;
	s13 =	simm.s32 @!p2 $0x0  }
0x20: {  	[tilespmem:s16], [sflag:$0x1] =	stream.indirect.gather [hbm4b:s3+s9], $0x20, s13, s9, $0x2000b8;
	[tilespmem:$0x19E00] =	vst v63  }
0x21: {  	s17 =	sadd.s32 $0x1440, s14;
	s18 =	sor.u32 $0x38, s13  }
0x22: {  	[tilespmem:s17], [sflag:$0x1] =	stream.indirect.gather [hbm4b:s3+s9], $0x20, s18, s9, $0x2000b8;
	[tilespmem:$0x19E00] =	vst v63  }
0x23: {  	s21 =	sadd.s32 $0x1A80, s14;
	s22 =	sor.u32 $0x70, s13  }
0x24: {  	[tilespmem:s21], [sflag:$0x1] =	stream.indirect.gather [hbm4b:s3+s9], $0x20, s22, s9, $0x2000b8;
	[tilespmem:$0x19E00] =	vst v63  }
0x25: {  	s23 =	sadd.s32 $0x20C0, s14;
	s24 =	sor.u32 $0xA8, s13  }
0x26: {  	[tilespmem:s23], [sflag:$0x1] =	stream.indirect.gather [hbm4b:s3+s9], $0x20, s24, s9, $0x2000b8;
	[tilespmem:$0x19E00] =	vst v63  }
0x27: {  	s25 =	sadd.s32 $0x2700, s14;
	s26 =	sor.u32 $0xE0, s13  }
0x28: {  	[tilespmem:s25], [sflag:$0x1] =	stream.indirect.gather [hbm4b:s3+s9], $0x20, s26, s9, $0x2000b8;
	[tilespmem:$0x19E00] =	vst v63  }
0x29: {  	s31 =	sadd.s32 $0x2D40, s14;
	s0 =	sadd.s32 $0x118, s13  }
0x2a: {  	[tilespmem:s31], [sflag:$0x1] =	stream.indirect.gather [hbm4b:s3+s9], $0x20, s0, s9, $0x2000b8;
	[tilespmem:$0x19E00] =	vst v63  }
0x2b: {  	s19 =	sadd.s32 $0x3380, s14;
	s20 =	sadd.s32 $0x150, s13  }
0x2c: {  	[tilespmem:s19], [sflag:$0x1] =	stream.indirect.gather [hbm4b:s3+s9], $0x20, s20, s9, $0x2000b8;
	[tilespmem:$0x19E00] =	vst v63  }
0x2d: {  	s21 =	sadd.s32 $0x39C0, s14;
	s22 =	sadd.s32 $0x188, s13  }
0x2e: {  	[tilespmem:s21], [sflag:$0x1] =	stream.indirect.gather [hbm4b:s3+s9], $0x20, s22, s9, $0x2000b8;
	[tilespmem:$0x19E00] =	vst v63  }
0x2f: {  	s23 =	sadd.s32 $0x4000, s14;
	s24 =	sadd.s32 $0x1C0, s13  }
0x30: {  	[tilespmem:s23], [sflag:$0x1] =	stream.indirect.gather [hbm4b:s3+s9], $0x20, s24, s9, $0x2000b8;
	[tilespmem:$0x19E00] =	vst v63  }
0x31: {  	s25 =	sadd.s32 $0x4640, s14;
	s26 =	sadd.s32 $0x1F8, s13  }
0x32: {  	[tilespmem:s25], [sflag:$0x1] =	stream.indirect.gather [hbm4b:s3+s9], $0x20, s26, s9, $0x2000b8;
	[tilespmem:$0x19E00] =	vst v63  }
0x33: {  	s31 =	sadd.s32 $0x4C80, s14;
	s0 =	sadd.s32 $0x230, s13  }
0x34: {  	[tilespmem:s31], [sflag:$0x1] =	stream.indirect.gather [hbm4b:s3+s9], $0x20, s0, s9, $0x2000b8;
	[tilespmem:$0x19E00] =	vst v63  }
0x35: {  	s19 =	sadd.s32 $0x52C0, s14;
	s20 =	sadd.s32 $0x268, s13  }
0x36: {  	[tilespmem:s19], [sflag:$0x1] =	stream.indirect.gather [hbm4b:s3+s9], $0x20, s20, s9, $0x2000b8;
	[tilespmem:$0x19E00] =	vst v63  }
0x37: {  	s21 =	sadd.s32 $0x5900, s14;
	s22 =	sadd.s32 $0x2A0, s13  }
0x38: {  	[tilespmem:s21], [sflag:$0x1] =	stream.indirect.gather [hbm4b:s3+s9], $0x20, s22, s9, $0x2000b8;
	[tilespmem:$0x19E00] =	vst v63  }
0x39: {  	s23 =	sadd.s32 $0x5F40, s14;
	s24 =	sadd.s32 $0x2D8, s13  }
0x3a: {  	[tilespmem:s23], [sflag:$0x1] =	stream.indirect.gather [hbm4b:s3+s9], $0x20, s24, s9, $0x2000b8;
	[tilespmem:$0x19E00] =	vst v63  }
0x3b: {  	s25 =	sadd.s32 $0x6580, s14;
	s26 =	sadd.s32 $0x310, s13  }
0x3c: {  	[tilespmem:s25], [sflag:$0x1] =	stream.indirect.gather [hbm4b:s3+s9], $0x20, s26, s9, $0x2000b8;
	[tilespmem:$0x19E00] =	vst v63  }
0x3d: {  	s31 =	sadd.s32 $0x6BC0, s14;
	s0 =	sadd.s32 $0x348, s13  }
0x3e: {  	[tilespmem:s31], [sflag:$0x1] =	stream.indirect.gather [hbm4b:s3+s9], $0x20, s0, s9, $0x2000b8;
	[tilespmem:$0x19E00] =	vst v63  }
0x3f: {  	s19 =	sadd.s32 $0x7200, s14;
	s20 =	sadd.s32 $0x380, s13  }
0x40: {  	[tilespmem:s19], [sflag:$0x1] =	stream.indirect.gather [hbm4b:s3+s9], $0x20, s20, s9, $0x2000b8;
	[tilespmem:$0x19E00] =	vst v63  }
0x41: {  	s21 =	sadd.s32 $0x7840, s14;
	s22 =	sadd.s32 $0x3B8, s13  }
0x42: {  	[tilespmem:s21], [sflag:$0x1] =	stream.indirect.gather [hbm4b:s3+s9], $0x20, s22, s9, $0x2000b8;
	[tilespmem:$0x19E00] =	vst v63  }
0x43: {  	s23 =	sadd.s32 $0x7E80, s14;
	s24 =	sadd.s32 $0x3F0, s13  }
0x44: {  	[tilespmem:s23], [sflag:$0x1] =	stream.indirect.gather [hbm4b:s3+s9], $0x20, s24, s9, $0x2000b8;
	[tilespmem:$0x19E00] =	vst v63  }
0x45: {  	s25 =	sadd.s32 $0x84C0, s14;
	s26 =	sadd.s32 $0x428, s13  }
0x46: {  	[tilespmem:s25], [sflag:$0x1] =	stream.indirect.gather [hbm4b:s3+s9], $0x20, s26, s9, $0x2000b8;
	[tilespmem:$0x19E00] =	vst v63  }
0x47: {  	s31 =	sadd.s32 $0x8B00, s14;
	s0 =	sadd.s32 $0x460, s13  }
0x48: {  	[tilespmem:s31], [sflag:$0x1] =	stream.indirect.gather [hbm4b:s3+s9], $0x20, s0, s9, $0x2000b8;
	[tilespmem:$0x19E00] =	vst v63  }
0x49: {  	s19 =	sadd.s32 $0x9140, s14;
	s20 =	sadd.s32 $0x498, s13  }
0x4a: {  	[tilespmem:s19], [sflag:$0x1] =	stream.indirect.gather [hbm4b:s3+s9], $0x20, s20, s9, $0x2000b8;
	[tilespmem:$0x19E00] =	vst v63  }
0x4b: {  	s21 =	sadd.s32 $0x9780, s14;
	s22 =	sadd.s32 $0x4D0, s13  }
0x4c: {  	[tilespmem:s21], [sflag:$0x1] =	stream.indirect.gather [hbm4b:s3+s9], $0x20, s22, s9, $0x2000b8;
	[tilespmem:$0x19E00] =	vst v63  }
0x4d: {  	s23 =	sadd.s32 $0x9DC0, s14;
	s24 =	sadd.s32 $0x508, s13  }
0x4e: {  	[tilespmem:s23], [sflag:$0x1] =	stream.indirect.gather [hbm4b:s3+s9], $0x20, s24, s9, $0x2000b8;
	[tilespmem:$0x19E00] =	vst v63  }
0x4f: {  	s25 =	sadd.s32 $0xA400, s14;
	s26 =	sadd.s32 $0x540, s13  }
0x50: {  	[tilespmem:s25], [sflag:$0x1] =	stream.indirect.gather [hbm4b:s3+s9], $0x20, s26, s9, $0x2000b8;
	[tilespmem:$0x19E00] =	vst v63  }
0x51: {  	s31 =	sadd.s32 $0xAA40, s14;
	s0 =	sadd.s32 $0x578, s13  }
0x52: {  	[tilespmem:s31], [sflag:$0x1] =	stream.indirect.gather [hbm4b:s3+s9], $0x20, s0, s9, $0x2000b8;
	[tilespmem:$0x19E00] =	vst v63  }
0x53: {  	s18 =	sadd.s32 $0xB080, s14;
	s19 =	sadd.s32 $0x5B0, s13  }
0x54: {  	[tilespmem:s18], [sflag:$0x1] =	stream.indirect.gather [hbm4b:s3+s9], $0x20, s19, s9, $0x2000b8;
	[tilespmem:$0x19E00] =	vst v63  }
0x55: {  	s20 =	sadd.s32 $0xB6C0, s14;
	s21 =	sadd.s32 $0x5E8, s13  }
0x56: {  	[tilespmem:s20], [sflag:$0x1] =	stream.indirect.gather [hbm4b:s3+s9], $0x20, s21, s9, $0x2000b8;
	[tilespmem:$0x19E00] =	vst v63  }
0x57: {  	s22 =	sadd.s32 $0xBD00, s14;
	s23 =	sadd.s32 $0x620, s13  }
0x58: {  	[tilespmem:s22], [sflag:$0x1] =	stream.indirect.gather [hbm4b:s3+s9], $0x20, s23, s9, $0x2000b8;
	[tilespmem:$0x19E00] =	vst v63  }
0x59: {  	s24 =	sadd.s32 $0xC340, s14;
	s25 =	sadd.s32 $0x658, s13  }
0x5a: {  	[tilespmem:s24], [sflag:$0x1] =	stream.indirect.gather [hbm4b:s3+s9], $0x20, s25, s9, $0x2000b8;
	[tilespmem:$0x19E00] =	vst v63  }
0x5b: {  	s26 =	sadd.s32 $0xC980, s14;
	s31 =	sadd.s32 $0x690, s13  }
0x5c: {  	[tilespmem:s26], [sflag:$0x1] =	stream.indirect.gather [hbm4b:s3+s9], $0x20, s31, s9, $0x2000b8;
	[tilespmem:$0x19E00] =	vst v63  }
0x5d: {  	s14 =	sadd.s32 $0xCFC0, s14;
	s13 =	sadd.s32 $0x6C8, s13  }
0x5e: {  	[tilespmem:s14], [sflag:$0x1] =	stream.indirect.gather [hbm4b:s3+s9], $0x20, s13, s9, $0x2000b8;
	[tilespmem:$0x19E00] =	vst v63  }
0x5f: {  	_ =	swait.ge [sflag:s8], $0x640  }
0x60: {  	[sflag:s8] =	ssyncset.done $0x0  }
0x61: {  	[sflag:s8] =	ssyncadd.s32 $0xFFFFF9C0  }
0x62: {  	_ =	swait.ge [sflag:s8], $0x640  }
0x63: {  	[sflag:s8] =	ssyncset.done $0x0  }
0x64: {  	[sflag:s8] =	ssyncadd.s32 $0xFFFFF9C0  }
0x65: {  	_ =	swait.ge [sflag:s8], $0x640  }
0x66: {  	[sflag:s8] =	ssyncset.done $0x0  }
0x67: {  	[sflag:s8] =	ssyncadd.s32 $0xFFFFF9C0  }
0x68: {  	_ =	swait.ge [sflag:s8], $0x640  }
0x69: {  	[sflag:s8] =	ssyncset.done $0x0  }
0x6a: {  	[sflag:s8] =	ssyncadd.s32 $0xFFFFF9C0  }
0x6b: {  	_ =	swait.ge [sflag:s8], $0x640  }
0x6c: {  	[sflag:s8] =	ssyncset.done $0x0  }
0x6d: {  	[sflag:s8] =	ssyncadd.s32 $0xFFFFF9C0  }
0x6e: {  	_ =	swait.ge [sflag:s8], $0x640  }
0x6f: {  	[sflag:s8] =	ssyncset.done $0x0  }
0x70: {  	[sflag:s8] =	ssyncadd.s32 $0xFFFFF9C0  }
0x71: {  	_ =	swait.ge [sflag:s8], $0x640  }
0x72: {  	[sflag:s8] =	ssyncset.done $0x0  }
0x73: {  	[sflag:s8] =	ssyncadd.s32 $0xFFFFF9C0  }
0x74: {  	_ =	swait.ge [sflag:s8], $0x640  }
0x75: {  	[sflag:s8] =	ssyncset.done $0x0  }
0x76: {  	[sflag:s8] =	ssyncadd.s32 $0xFFFFF9C0  }
0x77: {  	_ =	swait.ge [sflag:s8], $0x640  }
0x78: {  	[sflag:s8] =	ssyncset.done $0x0  }
0x79: {  	[sflag:s8] =	ssyncadd.s32 $0xFFFFF9C0  }
0x7a: {  	_ =	swait.ge [sflag:s8], $0x640  }
0x7b: {  	[sflag:s8] =	ssyncset.done $0x0  }
0x7c: {  	[sflag:s8] =	ssyncadd.s32 $0xFFFFF9C0  }
0x7d: {  	_ =	swait.ge [sflag:s8], $0x640  }
0x7e: {  	[sflag:s8] =	ssyncset.done $0x0  }
0x7f: {  	[sflag:s8] =	ssyncadd.s32 $0xFFFFF9C0  }
0x80: {  	_ =	swait.ge [sflag:s8], $0x640  }
0x81: {  	[sflag:s8] =	ssyncset.done $0x0  }
0x82: {  	[sflag:s8] =	ssyncadd.s32 $0xFFFFF9C0  }
0x83: {  	_ =	swait.ge [sflag:s8], $0x640  }
0x84: {  	[sflag:s8] =	ssyncset.done $0x0  }
0x85: {  	[sflag:s8] =	ssyncadd.s32 $0xFFFFF9C0  }
0x86: {  	_ =	swait.ge [sflag:s8], $0x640  }
0x87: {  	[sflag:s8] =	ssyncset.done $0x0  }
0x88: {  	[sflag:s8] =	ssyncadd.s32 $0xFFFFF9C0  }
0x89: {  	_ =	swait.ge [sflag:s8], $0x640  }
0x8a: {  	[sflag:s8] =	ssyncset.done $0x0  }
0x8b: {  	[sflag:s8] =	ssyncadd.s32 $0xFFFFF9C0  }
0x8c: {  	_ =	swait.ge [sflag:s8], $0x640  }
0x8d: {  	[sflag:s8] =	ssyncset.done $0x0  }
0x8e: {  	[sflag:s8] =	ssyncadd.s32 $0xFFFFF9C0  }
0x8f: {  	_ =	swait.ge [sflag:s8], $0x640  }
0x90: {  	[sflag:s8] =	ssyncset.done $0x0  }
0x91: {  	[sflag:s8] =	ssyncadd.s32 $0xFFFFF9C0  }
0x92: {  	_ =	swait.ge [sflag:s8], $0x640  }
0x93: {  	[sflag:s8] =	ssyncset.done $0x0  }
0x94: {  	[sflag:s8] =	ssyncadd.s32 $0xFFFFF9C0  }
0x95: {  	_ =	swait.ge [sflag:s8], $0x640  }
0x96: {  	[sflag:s8] =	ssyncset.done $0x0  }
0x97: {  	[sflag:s8] =	ssyncadd.s32 $0xFFFFF9C0  }
0x98: {  	_ =	swait.ge [sflag:s8], $0x640  }
0x99: {  	[sflag:s8] =	ssyncset.done $0x0  }
0x9a: {  	[sflag:s8] =	ssyncadd.s32 $0xFFFFF9C0  }
0x9b: {  	_ =	swait.ge [sflag:s8], $0x640  }
0x9c: {  	[sflag:s8] =	ssyncset.done $0x0  }
0x9d: {  	[sflag:s8] =	ssyncadd.s32 $0xFFFFF9C0  }
0x9e: {  	_ =	swait.ge [sflag:s8], $0x640  }
0x9f: {  	[sflag:s8] =	ssyncset.done $0x0  }
0xa0: {  	[sflag:s8] =	ssyncadd.s32 $0xFFFFF9C0  }
0xa1: {  	_ =	swait.ge [sflag:s8], $0x640  }
0xa2: {  	[sflag:s8] =	ssyncset.done $0x0  }
0xa3: {  	[sflag:s8] =	ssyncadd.s32 $0xFFFFF9C0  }
0xa4: {  	_ =	swait.ge [sflag:s8], $0x640  }
0xa5: {  	[sflag:s8] =	ssyncset.done $0x0  }
0xa6: {  	[sflag:s8] =	ssyncadd.s32 $0xFFFFF9C0  }
0xa7: {  	_ =	swait.ge [sflag:s8], $0x640  }
0xa8: {  	[sflag:s8] =	ssyncset.done $0x0  }
0xa9: {  	[sflag:s8] =	ssyncadd.s32 $0xFFFFF9C0  }
0xaa: {  	_ =	swait.ge [sflag:s8], $0x640  }
0xab: {  	[sflag:s8] =	ssyncset.done $0x0  }
0xac: {  	[sflag:s8] =	ssyncadd.s32 $0xFFFFF9C0  }
0xad: {  	_ =	swait.ge [sflag:s8], $0x640  }
0xae: {  	[sflag:s8] =	ssyncset.done $0x0  }
0xaf: {  	[sflag:s8] =	ssyncadd.s32 $0xFFFFF9C0  }
0xb0: {  	_ =	swait.ge [sflag:s8], $0x640  }
0xb1: {  	p4 =	por $0x0, $0x0;
	p6 =	por $0x1, $0x1;
	[sflag:s8] =	ssyncset.done $0x0  }
0xb2: {  	s29 =	simm.s32 $0x1;
	p2 =	por $0x1, $0x1;
	[sflag:s8] =	ssyncadd.s32 $0xFFFFF9C0  }
0xb3: {  	p3 =	por p0, p0;
	p0 =	por p2, p2;
	_ =	swait.ge [sflag:s8], $0x640  }
0xb4: {  	s18 =	simm.s32 $0xE;
	s20 =	sadd.s32 $0x1, s12;
	[sflag:s8] =	ssyncset.done $0x0  }
0xb5: {  	s19 =	sadd.s32 $0x0, s5;
	p5 =	seq.s32 s20, $0x10;
	[sflag:s8] =	ssyncadd.s32 $0xFFFFF9C0  }
0xb6: {  	s20 =	simm.s32 @p5 $0x0;
	s14 =	simm.s32 $0x1;
	_ =	swait.ge [sflag:s8], $0x640  }
0xb7: {  	s13 =	simm.s32 $0xF;
	s14 =	simm.s32 @!p1 $0x0;
	[sflag:s8] =	ssyncset.done $0x0  }
0xb8: {  	p1 =	por $0x0, $0x0;
	s17 =	sadd.s32 $0x1, s14;
	[sflag:s8] =	ssyncadd.s32 $0xFFFFF9C0  }
0xb9: {  	s14 =	sand.u32 @!p2 $0x1, s2;
	p2 =	por $0x0, $0x0;
	_ =	swait.ge [sflag:s8], $0x640  }
0xba: {  	s25 =	sor.u32 @!p0 $0x4, s14;
	s14 =	simm.s32 $0x1;
	[sflag:s8] =	ssyncset.done $0x0  }
0xbb: {  	s14 =	simm.s32 @!p4 $0x0;
	p4 =	sne.s32 s12, s20;
	[sflag:s8] =	ssyncadd.s32 $0xFFFFF9C0  }
0xbc: {  	s14 =	sadd.s32 $0x0, s14;
	p5 =	por !p6, !p4;
	_ =	swait.ge [sflag:s8], $0x640  }
0xbd: {  	p6 =	por p2, p3;
	p5 =	por !p5, !p5;
	[sflag:s8] =	ssyncset.done $0x0  }
0xbe: {  	s24 =	simm.s32 @p6 $0x0;
	s22 =	smul.u32 @p6 $0xC800, s19;
	[sflag:s8] =	ssyncadd.s32 $0xFFFFF9C0  }
0xbf: {  	s19 =	simm.s32 $0x0;
	s21 =	sadd.s32 @p5 s5, s20;
	_ =	strace $0x9000004B  }
0xc0: {  	s29 =	simm.s32 @!p5 $0x0;
	s26 =	sand.u32 @p5 $0x1, s17;
	_ =	strace @p6 $0x8000004C  }
0xc1: {  	s28 =	smul.u32 @p5 $0x700, s21;
	s21 =	simm.s32 $0x0;
	s30 =	rddreg [dreg:$0x4]  }
.LBB2_2:
0xc2: {  	p2 =	por p4, p4  }
0xc3: {  	s23 =	smov.u32 s12;
	s12 =	simm.s32 @!p2 $0x0  }
0xc4: {  	s0 =	sshrl.u32 @p6 s22, $0x3;
	s12 =	simm.s32 @p2 $0x1  }
0xc5: {  	s15 =	sor.u32 @p6 $0x4, s15;
	s0 =	sadd.s32 @p6 s30, s0;
	[smem:$0x7FD] =	sst s12  }
0xc6: {  	[hbm4b:s0+s24] =	stream.linear.scatter @p6 [tilespmem:s16], [sflag:s15], $0xC800, $0x200038;
	[tilespmem:$0x19E00] =	vst v63  }
0xc7: {  	_ =	strace @p6 $0x9000004C  }
0xc8: {  	s31 =	smul.u32 @p5 $0x1C00, s26;
	_ =	strace @!p0 $0x8000004D  }
0xc9: {  	s17 =	sadd.s32 s29, s17;
	_ =	swait.ge @!p0 [sflag:s25], $0xC800  }
0xca: {  	s29 =	sshrl.u32 @p5 s31, $0x2;
	s12 =	sshrl.u32 @p5 s28, $0x3;
	[sflag:s25] =	ssyncset.done @!p0 $0x0  }
0xcb: {  	s28 =	simm.s32 $0x1;
	s15 =	sor.u32 @p5 $0x2, s26;
	[sflag:s25] =	ssyncadd.s32 @!p0 $0xFFFF3800  }
0xcc: {  	s16 =	simm.s32 @p5 $0x0;
	s28 =	simm.s32 @!p6 $0x0;
	_ =	strace @!p0 $0x9000004D  }
0xcd: {  	s31 =	sadd.s32 @p5 s4, s12;
	s21 =	sadd.s32 s28, s21;
	_ =	strace @p5 $0x80000049  }
0xce: {  	[tilespmem:s29], [sflag:s15] =	stream.linear.gather @p5 [hbm4b:s31+s16], $0x700, $0x200038;
	[tilespmem:$0x19E00] =	vst v63  }
0xcf: {  	s0 =	sand.u32 $0x1, s21;
	_ =	strace @p5 $0x90000049  }
0xd0: {  	s25 =	sor.u32 $0x2, s0;
	_ =	strace $0x8000004A  }
0xd1: {  	_ =	swait.ge [sflag:s25], $0x700  }
0xd2: {  	s19 =	sadd.s32 s28, s19;
	[sflag:s25] =	ssyncset.done $0x0  }
0xd3: {  	s15 =	sand.u32 $0x1, s19;
	[sflag:s25] =	ssyncadd.s32 $0xFFFFF900  }
0xd4: {  	s26 =	smul.u32 $0x32000, s15;
	_ =	strace $0x9000004A  }
0xd5: {  	_ =	strace $0x8000004B  }
0xd6: {  	p3 =	seq.s32 s0, $0x1;
	s26 =	sshrl.u32 s26, $0x2;
	s25 =	rddreg [dreg:$0x3]  }
0xd7: {  	s16 =	sadd.s32 $0xE00, s26;
	s25 =	simm.s32 @!p3 $0x0  }
0xd8: {  	[tilespmem:s16], [sflag:$0x1] =	stream.indirect.gather [hbm4b:s3+s9], $0x20, s25, s9, $0x2000b8;
	[tilespmem:$0x19E00] =	vst v63  }
0xd9: {  	s31 =	sadd.s32 $0x1440, s26;
	s28 =	sor.u32 $0x38, s25  }
0xda: {  	[tilespmem:s31], [sflag:$0x1] =	stream.indirect.gather [hbm4b:s3+s9], $0x20, s28, s9, $0x2000b8;
	[tilespmem:$0x19E00] =	vst v63  }
0xdb: {  	s31 =	sadd.s32 $0x1A80, s26;
	s28 =	sor.u32 $0x70, s25  }
0xdc: {  	[tilespmem:s31], [sflag:$0x1] =	stream.indirect.gather [hbm4b:s3+s9], $0x20, s28, s9, $0x2000b8;
	[tilespmem:$0x19E00] =	vst v63  }
0xdd: {  	s31 =	sadd.s32 $0x20C0, s26;
	s28 =	sor.u32 $0xA8, s25  }
0xde: {  	[tilespmem:s31], [sflag:$0x1] =	stream.indirect.gather [hbm4b:s3+s9], $0x20, s28, s9, $0x2000b8;
	[tilespmem:$0x19E00] =	vst v63  }
0xdf: {  	s31 =	sadd.s32 $0x2700, s26;
	s28 =	sor.u32 $0xE0, s25  }
0xe0: {  	[tilespmem:s31], [sflag:$0x1] =	stream.indirect.gather [hbm4b:s3+s9], $0x20, s28, s9, $0x2000b8;
	[tilespmem:$0x19E00] =	vst v63  }
0xe1: {  	s31 =	sadd.s32 $0x2D40, s26;
	s28 =	sadd.s32 $0x118, s25  }
0xe2: {  	[tilespmem:s31], [sflag:$0x1] =	stream.indirect.gather [hbm4b:s3+s9], $0x20, s28, s9, $0x2000b8;
	[tilespmem:$0x19E00] =	vst v63  }
0xe3: {  	s31 =	sadd.s32 $0x3380, s26;
	s28 =	sadd.s32 $0x150, s25  }
0xe4: {  	[tilespmem:s31], [sflag:$0x1] =	stream.indirect.gather [hbm4b:s3+s9], $0x20, s28, s9, $0x2000b8;
	[tilespmem:$0x19E00] =	vst v63  }
0xe5: {  	s31 =	sadd.s32 $0x39C0, s26;
	s28 =	sadd.s32 $0x188, s25  }
0xe6: {  	[tilespmem:s31], [sflag:$0x1] =	stream.indirect.gather [hbm4b:s3+s9], $0x20, s28, s9, $0x2000b8;
	[tilespmem:$0x19E00] =	vst v63  }
0xe7: {  	s31 =	sadd.s32 $0x4000, s26;
	s28 =	sadd.s32 $0x1C0, s25  }
0xe8: {  	[tilespmem:s31], [sflag:$0x1] =	stream.indirect.gather [hbm4b:s3+s9], $0x20, s28, s9, $0x2000b8;
	[tilespmem:$0x19E00] =	vst v63  }
0xe9: {  	s31 =	sadd.s32 $0x4640, s26;
	s28 =	sadd.s32 $0x1F8, s25  }
0xea: {  	[tilespmem:s31], [sflag:$0x1] =	stream.indirect.gather [hbm4b:s3+s9], $0x20, s28, s9, $0x2000b8;
	[tilespmem:$0x19E00] =	vst v63  }
0xeb: {  	s31 =	sadd.s32 $0x4C80, s26;
	s28 =	sadd.s32 $0x230, s25  }
0xec: {  	[tilespmem:s31], [sflag:$0x1] =	stream.indirect.gather [hbm4b:s3+s9], $0x20, s28, s9, $0x2000b8;
	[tilespmem:$0x19E00] =	vst v63  }
0xed: {  	s31 =	sadd.s32 $0x52C0, s26;
	s28 =	sadd.s32 $0x268, s25  }
0xee: {  	[tilespmem:s31], [sflag:$0x1] =	stream.indirect.gather [hbm4b:s3+s9], $0x20, s28, s9, $0x2000b8;
	[tilespmem:$0x19E00] =	vst v63  }
0xef: {  	s31 =	sadd.s32 $0x5900, s26;
	s28 =	sadd.s32 $0x2A0, s25  }
0xf0: {  	[tilespmem:s31], [sflag:$0x1] =	stream.indirect.gather [hbm4b:s3+s9], $0x20, s28, s9, $0x2000b8;
	[tilespmem:$0x19E00] =	vst v63  }
0xf1: {  	s31 =	sadd.s32 $0x5F40, s26;
	s28 =	sadd.s32 $0x2D8, s25  }
0xf2: {  	[tilespmem:s31], [sflag:$0x1] =	stream.indirect.gather [hbm4b:s3+s9], $0x20, s28, s9, $0x2000b8;
	[tilespmem:$0x19E00] =	vst v63  }
0xf3: {  	s31 =	sadd.s32 $0x6580, s26;
	s28 =	sadd.s32 $0x310, s25  }
0xf4: {  	[tilespmem:s31], [sflag:$0x1] =	stream.indirect.gather [hbm4b:s3+s9], $0x20, s28, s9, $0x2000b8;
	[tilespmem:$0x19E00] =	vst v63  }
0xf5: {  	s31 =	sadd.s32 $0x6BC0, s26;
	s28 =	sadd.s32 $0x348, s25  }
0xf6: {  	[tilespmem:s31], [sflag:$0x1] =	stream.indirect.gather [hbm4b:s3+s9], $0x20, s28, s9, $0x2000b8;
	[tilespmem:$0x19E00] =	vst v63  }
0xf7: {  	s31 =	sadd.s32 $0x7200, s26;
	s28 =	sadd.s32 $0x380, s25  }
0xf8: {  	[tilespmem:s31], [sflag:$0x1] =	stream.indirect.gather [hbm4b:s3+s9], $0x20, s28, s9, $0x2000b8;
	[tilespmem:$0x19E00] =	vst v63  }
0xf9: {  	s31 =	sadd.s32 $0x7840, s26;
	s28 =	sadd.s32 $0x3B8, s25  }
0xfa: {  	[tilespmem:s31], [sflag:$0x1] =	stream.indirect.gather [hbm4b:s3+s9], $0x20, s28, s9, $0x2000b8;
	[tilespmem:$0x19E00] =	vst v63  }
0xfb: {  	s31 =	sadd.s32 $0x7E80, s26;
	s28 =	sadd.s32 $0x3F0, s25  }
0xfc: {  	[tilespmem:s31], [sflag:$0x1] =	stream.indirect.gather [hbm4b:s3+s9], $0x20, s28, s9, $0x2000b8;
	[tilespmem:$0x19E00] =	vst v63  }
0xfd: {  	s31 =	sadd.s32 $0x84C0, s26;
	s28 =	sadd.s32 $0x428, s25  }
0xfe: {  	[tilespmem:s31], [sflag:$0x1] =	stream.indirect.gather [hbm4b:s3+s9], $0x20, s28, s9, $0x2000b8;
	[tilespmem:$0x19E00] =	vst v63  }
0xff: {  	s31 =	sadd.s32 $0x8B00, s26;
	s28 =	sadd.s32 $0x460, s25  }
0x100: {  	[tilespmem:s31], [sflag:$0x1] =	stream.indirect.gather [hbm4b:s3+s9], $0x20, s28, s9, $0x2000b8;
	[tilespmem:$0x19E00] =	vst v63  }
0x101: {  	s31 =	sadd.s32 $0x9140, s26;
	s28 =	sadd.s32 $0x498, s25  }
0x102: {  	[tilespmem:s31], [sflag:$0x1] =	stream.indirect.gather [hbm4b:s3+s9], $0x20, s28, s9, $0x2000b8;
	[tilespmem:$0x19E00] =	vst v63  }
0x103: {  	s31 =	sadd.s32 $0x9780, s26;
	s28 =	sadd.s32 $0x4D0, s25  }
0x104: {  	[tilespmem:s31], [sflag:$0x1] =	stream.indirect.gather [hbm4b:s3+s9], $0x20, s28, s9, $0x2000b8;
	[tilespmem:$0x19E00] =	vst v63  }
0x105: {  	s31 =	sadd.s32 $0x9DC0, s26;
	s28 =	sadd.s32 $0x508, s25  }
0x106: {  	[tilespmem:s31], [sflag:$0x1] =	stream.indirect.gather [hbm4b:s3+s9], $0x20, s28, s9, $0x2000b8;
	[tilespmem:$0x19E00] =	vst v63  }
0x107: {  	s31 =	sadd.s32 $0xA400, s26;
	s28 =	sadd.s32 $0x540, s25  }
0x108: {  	[tilespmem:s31], [sflag:$0x1] =	stream.indirect.gather [hbm4b:s3+s9], $0x20, s28, s9, $0x2000b8;
	[tilespmem:$0x19E00] =	vst v63  }
0x109: {  	s31 =	sadd.s32 $0xAA40, s26;
	s28 =	sadd.s32 $0x578, s25  }
0x10a: {  	[tilespmem:s31], [sflag:$0x1] =	stream.indirect.gather [hbm4b:s3+s9], $0x20, s28, s9, $0x2000b8;
	[tilespmem:$0x19E00] =	vst v63  }
0x10b: {  	s31 =	sadd.s32 $0xB080, s26;
	s28 =	sadd.s32 $0x5B0, s25  }
0x10c: {  	[tilespmem:s31], [sflag:$0x1] =	stream.indirect.gather [hbm4b:s3+s9], $0x20, s28, s9, $0x2000b8;
	[tilespmem:$0x19E00] =	vst v63  }
0x10d: {  	s31 =	sadd.s32 $0xB6C0, s26;
	s28 =	sadd.s32 $0x5E8, s25  }
0x10e: {  	[tilespmem:s31], [sflag:$0x1] =	stream.indirect.gather [hbm4b:s3+s9], $0x20, s28, s9, $0x2000b8;
	[tilespmem:$0x19E00] =	vst v63  }
0x10f: {  	s31 =	sadd.s32 $0xBD00, s26;
	s28 =	sadd.s32 $0x620, s25  }
0x110: {  	[tilespmem:s31], [sflag:$0x1] =	stream.indirect.gather [hbm4b:s3+s9], $0x20, s28, s9, $0x2000b8;
	[tilespmem:$0x19E00] =	vst v63  }
0x111: {  	s31 =	sadd.s32 $0xC340, s26;
	s28 =	sadd.s32 $0x658, s25  }
0x112: {  	[tilespmem:s31], [sflag:$0x1] =	stream.indirect.gather [hbm4b:s3+s9], $0x20, s28, s9, $0x2000b8;
	[tilespmem:$0x19E00] =	vst v63  }
0x113: {  	s31 =	sadd.s32 $0xC980, s26;
	s28 =	sadd.s32 $0x690, s25  }
0x114: {  	[tilespmem:s31], [sflag:$0x1] =	stream.indirect.gather [hbm4b:s3+s9], $0x20, s28, s9, $0x2000b8;
	[tilespmem:$0x19E00] =	vst v63  }
0x115: {  	s26 =	sadd.s32 $0xCFC0, s26;
	s25 =	sadd.s32 $0x6C8, s25  }
0x116: {  	[tilespmem:s26], [sflag:$0x1] =	stream.indirect.gather [hbm4b:s3+s9], $0x20, s25, s9, $0x2000b8;
	[tilespmem:$0x19E00] =	vst v63  }
0x117: {  	_ =	swait.ge [sflag:s8], $0x640  }
0x118: {  	[sflag:s8] =	ssyncset.done $0x0  }
0x119: {  	[sflag:s8] =	ssyncadd.s32 $0xFFFFF9C0  }
0x11a: {  	_ =	swait.ge [sflag:s8], $0x640  }
0x11b: {  	[sflag:s8] =	ssyncset.done $0x0  }
0x11c: {  	[sflag:s8] =	ssyncadd.s32 $0xFFFFF9C0  }
0x11d: {  	_ =	swait.ge [sflag:s8], $0x640  }
0x11e: {  	[sflag:s8] =	ssyncset.done $0x0  }
0x11f: {  	[sflag:s8] =	ssyncadd.s32 $0xFFFFF9C0  }
0x120: {  	_ =	swait.ge [sflag:s8], $0x640  }
0x121: {  	[sflag:s8] =	ssyncset.done $0x0  }
0x122: {  	[sflag:s8] =	ssyncadd.s32 $0xFFFFF9C0  }
0x123: {  	_ =	swait.ge [sflag:s8], $0x640  }
0x124: {  	[sflag:s8] =	ssyncset.done $0x0  }
0x125: {  	[sflag:s8] =	ssyncadd.s32 $0xFFFFF9C0  }
0x126: {  	_ =	swait.ge [sflag:s8], $0x640  }
0x127: {  	[sflag:s8] =	ssyncset.done $0x0  }
0x128: {  	[sflag:s8] =	ssyncadd.s32 $0xFFFFF9C0  }
0x129: {  	_ =	swait.ge [sflag:s8], $0x640  }
0x12a: {  	[sflag:s8] =	ssyncset.done $0x0  }
0x12b: {  	[sflag:s8] =	ssyncadd.s32 $0xFFFFF9C0  }
0x12c: {  	_ =	swait.ge [sflag:s8], $0x640  }
0x12d: {  	[sflag:s8] =	ssyncset.done $0x0  }
0x12e: {  	[sflag:s8] =	ssyncadd.s32 $0xFFFFF9C0  }
0x12f: {  	_ =	swait.ge [sflag:s8], $0x640  }
0x130: {  	[sflag:s8] =	ssyncset.done $0x0  }
0x131: {  	[sflag:s8] =	ssyncadd.s32 $0xFFFFF9C0  }
0x132: {  	_ =	swait.ge [sflag:s8], $0x640  }
0x133: {  	[sflag:s8] =	ssyncset.done $0x0  }
0x134: {  	[sflag:s8] =	ssyncadd.s32 $0xFFFFF9C0  }
0x135: {  	_ =	swait.ge [sflag:s8], $0x640  }
0x136: {  	[sflag:s8] =	ssyncset.done $0x0  }
0x137: {  	[sflag:s8] =	ssyncadd.s32 $0xFFFFF9C0  }
0x138: {  	_ =	swait.ge [sflag:s8], $0x640  }
0x139: {  	[sflag:s8] =	ssyncset.done $0x0  }
0x13a: {  	[sflag:s8] =	ssyncadd.s32 $0xFFFFF9C0  }
0x13b: {  	_ =	swait.ge [sflag:s8], $0x640  }
0x13c: {  	[sflag:s8] =	ssyncset.done $0x0  }
0x13d: {  	[sflag:s8] =	ssyncadd.s32 $0xFFFFF9C0  }
0x13e: {  	_ =	swait.ge [sflag:s8], $0x640  }
0x13f: {  	[sflag:s8] =	ssyncset.done $0x0  }
0x140: {  	[sflag:s8] =	ssyncadd.s32 $0xFFFFF9C0  }
0x141: {  	_ =	swait.ge [sflag:s8], $0x640  }
0x142: {  	[sflag:s8] =	ssyncset.done $0x0  }
0x143: {  	[sflag:s8] =	ssyncadd.s32 $0xFFFFF9C0  }
0x144: {  	_ =	swait.ge [sflag:s8], $0x640  }
0x145: {  	[sflag:s8] =	ssyncset.done $0x0  }
0x146: {  	[sflag:s8] =	ssyncadd.s32 $0xFFFFF9C0  }
0x147: {  	_ =	swait.ge [sflag:s8], $0x640  }
0x148: {  	[sflag:s8] =	ssyncset.done $0x0  }
0x149: {  	[sflag:s8] =	ssyncadd.s32 $0xFFFFF9C0  }
0x14a: {  	_ =	swait.ge [sflag:s8], $0x640  }
0x14b: {  	[sflag:s8] =	ssyncset.done $0x0  }
0x14c: {  	[sflag:s8] =	ssyncadd.s32 $0xFFFFF9C0  }
0x14d: {  	_ =	swait.ge [sflag:s8], $0x640  }
0x14e: {  	[sflag:s8] =	ssyncset.done $0x0  }
0x14f: {  	[sflag:s8] =	ssyncadd.s32 $0xFFFFF9C0  }
0x150: {  	_ =	swait.ge [sflag:s8], $0x640  }
0x151: {  	[sflag:s8] =	ssyncset.done $0x0  }
0x152: {  	[sflag:s8] =	ssyncadd.s32 $0xFFFFF9C0  }
0x153: {  	_ =	swait.ge [sflag:s8], $0x640  }
0x154: {  	[sflag:s8] =	ssyncset.done $0x0  }
0x155: {  	[sflag:s8] =	ssyncadd.s32 $0xFFFFF9C0  }
0x156: {  	_ =	swait.ge [sflag:s8], $0x640  }
0x157: {  	[sflag:s8] =	ssyncset.done $0x0  }
0x158: {  	[sflag:s8] =	ssyncadd.s32 $0xFFFFF9C0  }
0x159: {  	_ =	swait.ge [sflag:s8], $0x640  }
0x15a: {  	[sflag:s8] =	ssyncset.done $0x0  }
0x15b: {  	[sflag:s8] =	ssyncadd.s32 $0xFFFFF9C0  }
0x15c: {  	_ =	swait.ge [sflag:s8], $0x640  }
0x15d: {  	[sflag:s8] =	ssyncset.done $0x0  }
0x15e: {  	[sflag:s8] =	ssyncadd.s32 $0xFFFFF9C0  }
0x15f: {  	_ =	swait.ge [sflag:s8], $0x640  }
0x160: {  	[sflag:s8] =	ssyncset.done $0x0  }
0x161: {  	[sflag:s8] =	ssyncadd.s32 $0xFFFFF9C0  }
0x162: {  	_ =	swait.ge [sflag:s8], $0x640  }
0x163: {  	[sflag:s8] =	ssyncset.done $0x0  }
0x164: {  	[sflag:s8] =	ssyncadd.s32 $0xFFFFF9C0  }
0x165: {  	_ =	swait.ge [sflag:s8], $0x640  }
0x166: {  	[sflag:s8] =	ssyncset.done $0x0  }
0x167: {  	[sflag:s8] =	ssyncadd.s32 $0xFFFFF9C0  }
0x168: {  	_ =	swait.ge [sflag:s8], $0x640  }
0x169: {  	[sflag:s8] =	ssyncset.done $0x0  }
0x16a: {  	[sflag:s8] =	ssyncadd.s32 $0xFFFFF9C0  }
0x16b: {  	_ =	swait.ge [sflag:s8], $0x640  }
0x16c: {  	[sflag:s8] =	ssyncset.done $0x0  }
0x16d: {  	[sflag:s8] =	ssyncadd.s32 $0xFFFFF9C0  }
0x16e: {  	_ =	swait.ge [sflag:s8], $0x640  }
0x16f: {  	[sflag:s8] =	ssyncset.done $0x0  }
0x170: {  	[sflag:s8] =	ssyncadd.s32 $0xFFFFF9C0  }
0x171: {  	_ =	swait.ge [sflag:s8], $0x640  }
0x172: {  	s22 =	smov.u32 s13;
	[sflag:s8] =	ssyncset.done $0x0  }
0x173: {  	s13 =	smov.u32 s18;
	s18 =	sadd.s32 $0xFFFFFFFF, s18;
	[sflag:s8] =	ssyncadd.s32 $0xFFFFF9C0  }
0x174: {  	p2 =	sne.s32 s18, $0x0;
	p4 =	sne.s32 s22, $0x10;
	_ =	swait.ge [sflag:s8], $0x640  }
0x175: {  	s12 =	smov.u32 s20;
	s20 =	sadd.s32 $0x1, s20;
	[sflag:s8] =	ssyncset.done $0x0  }
0x176: {  	s24 =	sand.u32 @!p1 $0x1, s14;
	p6 =	seq.s32 s20, $0x10;
	[sflag:s8] =	ssyncadd.s32 $0xFFFFF9C0  }
0x177: {  	s20 =	simm.s32 @p6 $0x0;
	s0 =	sadd.s32 s5, s23;
	_ =	strace $0x9000004B  }
0x178: {  	p5 =	seq.s32 s22, $0x1;
	s22 =	simm.s32 $0x1;
	s31 =	sld [smem:$0x7FD]  }
0x179: {  	p0 =	por p1, p1;
	p1 =	seq.s32 s13, $0x10;
	s22 =	simm.s32 @!p4 $0x0  }
0x17a: {  	s29 =	simm.s32 $0x1;
	p4 =	sne.s32 s12, s20;
	s14 =	sadd.s32 s22, s14  }
.Ltmp0:
0x17b: {  	p3 =	sne.s32 s13, $0x1;
	p6 =	seq.s32 s31, $0x1;
	(pc) =	sbr.rel @p2 .LBB2_2-.Ltmp0, $4  }
0x17c: {  	p3 =	por !p3, !p4;
	s25 =	sor.u32 @!p0 $0x4, s24;
	p6 =	por p5, p6  }
0x17d: {  	p5 =	por !p3, !p3;
	_ =	strace @p6 $0x8000004C;
	s24 =	simm.s32 @p6 $0x0  }
0x17e: {  	s23 =	sadd.s32 @p5 s5, s20;
	s29 =	simm.s32 @!p5 $0x0;
	s22 =	smul.u32 @p6 $0xC800, s0  }
0x17f: {  	s26 =	sand.u32 @p5 $0x1, s17;
	s28 =	smul.u32 @p5 $0x700, s23;
	s30 =	rddreg [dreg:$0x4]  }
0x180: {  	s0 =	sshrl.u32 @p6 s22, $0x3  }
0x181: {  	s15 =	sor.u32 @p6 $0x4, s15;
	s0 =	sadd.s32 @p6 s30, s0  }
0x182: {  	[hbm4b:s0+s24] =	stream.linear.scatter @p6 [tilespmem:s16], [sflag:s15], $0xC800, $0x200038;
	[tilespmem:$0x19E00] =	vst v63  }
0x183: {  	_ =	strace @p6 $0x9000004C  }
0x184: {  	_ =	strace @!p0 $0x8000004D  }
0x185: {  	s18 =	sor.u32 @p5 $0x2, s26;
	_ =	swait.ge @!p0 [sflag:s25], $0xC800  }
0x186: {  	s20 =	simm.s32 @p5 $0x0;
	s0 =	smul.u32 @p5 $0x1C00, s26;
	[sflag:s25] =	ssyncset.done @!p0 $0x0  }
0x187: {  	s15 =	sshrl.u32 @p5 s28, $0x3;
	s16 =	simm.s32 $0x1;
	[sflag:s25] =	ssyncadd.s32 @!p0 $0xFFFF3800  }
0x188: {  	s16 =	simm.s32 @!p6 $0x0;
	s15 =	sadd.s32 @p5 s4, s15;
	_ =	strace @!p0 $0x9000004D  }
0x189: {  	s0 =	sshrl.u32 @p5 s0, $0x2;
	s17 =	sadd.s32 s16, s21;
	_ =	strace @p5 $0x80000049  }
0x18a: {  	[tilespmem:s0], [sflag:s18] =	stream.linear.gather @p5 [hbm4b:s15+s20], $0x700, $0x200038;
	[tilespmem:$0x19E00] =	vst v63  }
0x18b: {  	s25 =	sand.u32 $0x1, s17;
	_ =	strace @p5 $0x90000049  }
0x18c: {  	s26 =	sor.u32 $0x2, s25;
	_ =	strace $0x8000004A  }
0x18d: {  	_ =	swait.ge [sflag:s26], $0x700  }
0x18e: {  	s28 =	sadd.s32 s16, s19;
	[sflag:s26] =	ssyncset.done $0x0  }
0x18f: {  	s15 =	sand.u32 $0x1, s28;
	[sflag:s26] =	ssyncadd.s32 $0xFFFFF900  }
0x190: {  	s29 =	smul.u32 $0x32000, s15;
	_ =	strace $0x9000004A  }
0x191: {  	_ =	strace $0x8000004B  }
0x192: {  	p0 =	seq.s32 s25, $0x1;
	s18 =	sshrl.u32 s29, $0x2;
	s17 =	rddreg [dreg:$0x3]  }
0x193: {  	s16 =	sadd.s32 $0xE00, s18;
	s17 =	simm.s32 @!p0 $0x0  }
0x194: {  	[tilespmem:s16], [sflag:$0x1] =	stream.indirect.gather [hbm4b:s3+s9], $0x20, s17, s9, $0x2000b8;
	[tilespmem:$0x19E00] =	vst v63  }
0x195: {  	s30 =	sadd.s32 $0x1440, s18;
	s31 =	sor.u32 $0x38, s17  }
0x196: {  	[tilespmem:s30], [sflag:$0x1] =	stream.indirect.gather [hbm4b:s3+s9], $0x20, s31, s9, $0x2000b8;
	[tilespmem:$0x19E00] =	vst v63  }
0x197: {  	s19 =	sadd.s32 $0x1A80, s18;
	s20 =	sor.u32 $0x70, s17  }
0x198: {  	[tilespmem:s19], [sflag:$0x1] =	stream.indirect.gather [hbm4b:s3+s9], $0x20, s20, s9, $0x2000b8;
	[tilespmem:$0x19E00] =	vst v63  }
0x199: {  	s21 =	sadd.s32 $0x20C0, s18;
	s22 =	sor.u32 $0xA8, s17  }
0x19a: {  	[tilespmem:s21], [sflag:$0x1] =	stream.indirect.gather [hbm4b:s3+s9], $0x20, s22, s9, $0x2000b8;
	[tilespmem:$0x19E00] =	vst v63  }
0x19b: {  	s23 =	sadd.s32 $0x2700, s18;
	s24 =	sor.u32 $0xE0, s17  }
0x19c: {  	[tilespmem:s23], [sflag:$0x1] =	stream.indirect.gather [hbm4b:s3+s9], $0x20, s24, s9, $0x2000b8;
	[tilespmem:$0x19E00] =	vst v63  }
0x19d: {  	s25 =	sadd.s32 $0x2D40, s18;
	s26 =	sadd.s32 $0x118, s17  }
0x19e: {  	[tilespmem:s25], [sflag:$0x1] =	stream.indirect.gather [hbm4b:s3+s9], $0x20, s26, s9, $0x2000b8;
	[tilespmem:$0x19E00] =	vst v63  }
0x19f: {  	s28 =	sadd.s32 $0x3380, s18;
	s29 =	sadd.s32 $0x150, s17  }
0x1a0: {  	[tilespmem:s28], [sflag:$0x1] =	stream.indirect.gather [hbm4b:s3+s9], $0x20, s29, s9, $0x2000b8;
	[tilespmem:$0x19E00] =	vst v63  }
0x1a1: {  	s30 =	sadd.s32 $0x39C0, s18;
	s31 =	sadd.s32 $0x188, s17  }
0x1a2: {  	[tilespmem:s30], [sflag:$0x1] =	stream.indirect.gather [hbm4b:s3+s9], $0x20, s31, s9, $0x2000b8;
	[tilespmem:$0x19E00] =	vst v63  }
0x1a3: {  	s19 =	sadd.s32 $0x4000, s18;
	s20 =	sadd.s32 $0x1C0, s17  }
0x1a4: {  	[tilespmem:s19], [sflag:$0x1] =	stream.indirect.gather [hbm4b:s3+s9], $0x20, s20, s9, $0x2000b8;
	[tilespmem:$0x19E00] =	vst v63  }
0x1a5: {  	s21 =	sadd.s32 $0x4640, s18;
	s22 =	sadd.s32 $0x1F8, s17  }
0x1a6: {  	[tilespmem:s21], [sflag:$0x1] =	stream.indirect.gather [hbm4b:s3+s9], $0x20, s22, s9, $0x2000b8;
	[tilespmem:$0x19E00] =	vst v63  }
0x1a7: {  	s23 =	sadd.s32 $0x4C80, s18;
	s24 =	sadd.s32 $0x230, s17  }
0x1a8: {  	[tilespmem:s23], [sflag:$0x1] =	stream.indirect.gather [hbm4b:s3+s9], $0x20, s24, s9, $0x2000b8;
	[tilespmem:$0x19E00] =	vst v63  }
0x1a9: {  	s25 =	sadd.s32 $0x52C0, s18;
	s26 =	sadd.s32 $0x268, s17  }
0x1aa: {  	[tilespmem:s25], [sflag:$0x1] =	stream.indirect.gather [hbm4b:s3+s9], $0x20, s26, s9, $0x2000b8;
	[tilespmem:$0x19E00] =	vst v63  }
0x1ab: {  	s28 =	sadd.s32 $0x5900, s18;
	s29 =	sadd.s32 $0x2A0, s17  }
0x1ac: {  	[tilespmem:s28], [sflag:$0x1] =	stream.indirect.gather [hbm4b:s3+s9], $0x20, s29, s9, $0x2000b8;
	[tilespmem:$0x19E00] =	vst v63  }
0x1ad: {  	s30 =	sadd.s32 $0x5F40, s18;
	s31 =	sadd.s32 $0x2D8, s17  }
0x1ae: {  	[tilespmem:s30], [sflag:$0x1] =	stream.indirect.gather [hbm4b:s3+s9], $0x20, s31, s9, $0x2000b8;
	[tilespmem:$0x19E00] =	vst v63  }
0x1af: {  	s19 =	sadd.s32 $0x6580, s18;
	s20 =	sadd.s32 $0x310, s17  }
0x1b0: {  	[tilespmem:s19], [sflag:$0x1] =	stream.indirect.gather [hbm4b:s3+s9], $0x20, s20, s9, $0x2000b8;
	[tilespmem:$0x19E00] =	vst v63  }
0x1b1: {  	s21 =	sadd.s32 $0x6BC0, s18;
	s22 =	sadd.s32 $0x348, s17  }
0x1b2: {  	[tilespmem:s21], [sflag:$0x1] =	stream.indirect.gather [hbm4b:s3+s9], $0x20, s22, s9, $0x2000b8;
	[tilespmem:$0x19E00] =	vst v63  }
0x1b3: {  	s23 =	sadd.s32 $0x7200, s18;
	s24 =	sadd.s32 $0x380, s17  }
0x1b4: {  	[tilespmem:s23], [sflag:$0x1] =	stream.indirect.gather [hbm4b:s3+s9], $0x20, s24, s9, $0x2000b8;
	[tilespmem:$0x19E00] =	vst v63  }
0x1b5: {  	s25 =	sadd.s32 $0x7840, s18;
	s26 =	sadd.s32 $0x3B8, s17  }
0x1b6: {  	[tilespmem:s25], [sflag:$0x1] =	stream.indirect.gather [hbm4b:s3+s9], $0x20, s26, s9, $0x2000b8;
	[tilespmem:$0x19E00] =	vst v63  }
0x1b7: {  	s28 =	sadd.s32 $0x7E80, s18;
	s29 =	sadd.s32 $0x3F0, s17  }
0x1b8: {  	[tilespmem:s28], [sflag:$0x1] =	stream.indirect.gather [hbm4b:s3+s9], $0x20, s29, s9, $0x2000b8;
	[tilespmem:$0x19E00] =	vst v63  }
0x1b9: {  	s30 =	sadd.s32 $0x84C0, s18;
	s31 =	sadd.s32 $0x428, s17  }
0x1ba: {  	[tilespmem:s30], [sflag:$0x1] =	stream.indirect.gather [hbm4b:s3+s9], $0x20, s31, s9, $0x2000b8;
	[tilespmem:$0x19E00] =	vst v63  }
0x1bb: {  	s19 =	sadd.s32 $0x8B00, s18;
	s20 =	sadd.s32 $0x460, s17  }
0x1bc: {  	[tilespmem:s19], [sflag:$0x1] =	stream.indirect.gather [hbm4b:s3+s9], $0x20, s20, s9, $0x2000b8;
	[tilespmem:$0x19E00] =	vst v63  }
0x1bd: {  	s21 =	sadd.s32 $0x9140, s18;
	s22 =	sadd.s32 $0x498, s17  }
0x1be: {  	[tilespmem:s21], [sflag:$0x1] =	stream.indirect.gather [hbm4b:s3+s9], $0x20, s22, s9, $0x2000b8;
	[tilespmem:$0x19E00] =	vst v63  }
0x1bf: {  	s23 =	sadd.s32 $0x9780, s18;
	s24 =	sadd.s32 $0x4D0, s17  }
0x1c0: {  	[tilespmem:s23], [sflag:$0x1] =	stream.indirect.gather [hbm4b:s3+s9], $0x20, s24, s9, $0x2000b8;
	[tilespmem:$0x19E00] =	vst v63  }
0x1c1: {  	s25 =	sadd.s32 $0x9DC0, s18;
	s26 =	sadd.s32 $0x508, s17  }
0x1c2: {  	[tilespmem:s25], [sflag:$0x1] =	stream.indirect.gather [hbm4b:s3+s9], $0x20, s26, s9, $0x2000b8;
	[tilespmem:$0x19E00] =	vst v63  }
0x1c3: {  	s28 =	sadd.s32 $0xA400, s18;
	s29 =	sadd.s32 $0x540, s17  }
0x1c4: {  	[tilespmem:s28], [sflag:$0x1] =	stream.indirect.gather [hbm4b:s3+s9], $0x20, s29, s9, $0x2000b8;
	[tilespmem:$0x19E00] =	vst v63  }
0x1c5: {  	s30 =	sadd.s32 $0xAA40, s18;
	s31 =	sadd.s32 $0x578, s17  }
0x1c6: {  	[tilespmem:s30], [sflag:$0x1] =	stream.indirect.gather [hbm4b:s3+s9], $0x20, s31, s9, $0x2000b8;
	[tilespmem:$0x19E00] =	vst v63  }
0x1c7: {  	s20 =	sadd.s32 $0xB080, s18;
	s21 =	sadd.s32 $0x5B0, s17  }
0x1c8: {  	[tilespmem:s20], [sflag:$0x1] =	stream.indirect.gather [hbm4b:s3+s9], $0x20, s21, s9, $0x2000b8;
	[tilespmem:$0x19E00] =	vst v63  }
0x1c9: {  	s22 =	sadd.s32 $0xB6C0, s18;
	s23 =	sadd.s32 $0x5E8, s17  }
0x1ca: {  	[tilespmem:s22], [sflag:$0x1] =	stream.indirect.gather [hbm4b:s3+s9], $0x20, s23, s9, $0x2000b8;
	[tilespmem:$0x19E00] =	vst v63  }
0x1cb: {  	s24 =	sadd.s32 $0xBD00, s18;
	s25 =	sadd.s32 $0x620, s17  }
0x1cc: {  	[tilespmem:s24], [sflag:$0x1] =	stream.indirect.gather [hbm4b:s3+s9], $0x20, s25, s9, $0x2000b8;
	[tilespmem:$0x19E00] =	vst v63  }
0x1cd: {  	s26 =	sadd.s32 $0xC340, s18;
	s28 =	sadd.s32 $0x658, s17  }
0x1ce: {  	[tilespmem:s26], [sflag:$0x1] =	stream.indirect.gather [hbm4b:s3+s9], $0x20, s28, s9, $0x2000b8;
	[tilespmem:$0x19E00] =	vst v63  }
0x1cf: {  	s29 =	sadd.s32 $0xC980, s18;
	s30 =	sadd.s32 $0x690, s17  }
0x1d0: {  	[tilespmem:s29], [sflag:$0x1] =	stream.indirect.gather [hbm4b:s3+s9], $0x20, s30, s9, $0x2000b8;
	[tilespmem:$0x19E00] =	vst v63  }
0x1d1: {  	s31 =	sadd.s32 $0xCFC0, s18;
	s17 =	sadd.s32 $0x6C8, s17  }
0x1d2: {  	[tilespmem:s31], [sflag:$0x1] =	stream.indirect.gather [hbm4b:s3+s9], $0x20, s17, s9, $0x2000b8;
	[tilespmem:$0x19E00] =	vst v63  }
0x1d3: {  	_ =	swait.ge [sflag:s8], $0x640  }
0x1d4: {  	[sflag:s8] =	ssyncset.done $0x0  }
0x1d5: {  	[sflag:s8] =	ssyncadd.s32 $0xFFFFF9C0  }
0x1d6: {  	_ =	swait.ge [sflag:s8], $0x640  }
0x1d7: {  	[sflag:s8] =	ssyncset.done $0x0  }
0x1d8: {  	[sflag:s8] =	ssyncadd.s32 $0xFFFFF9C0  }
0x1d9: {  	_ =	swait.ge [sflag:s8], $0x640  }
0x1da: {  	[sflag:s8] =	ssyncset.done $0x0  }
0x1db: {  	[sflag:s8] =	ssyncadd.s32 $0xFFFFF9C0  }
0x1dc: {  	_ =	swait.ge [sflag:s8], $0x640  }
0x1dd: {  	[sflag:s8] =	ssyncset.done $0x0  }
0x1de: {  	[sflag:s8] =	ssyncadd.s32 $0xFFFFF9C0  }
0x1df: {  	_ =	swait.ge [sflag:s8], $0x640  }
0x1e0: {  	[sflag:s8] =	ssyncset.done $0x0  }
0x1e1: {  	[sflag:s8] =	ssyncadd.s32 $0xFFFFF9C0  }
0x1e2: {  	_ =	swait.ge [sflag:s8], $0x640  }
0x1e3: {  	[sflag:s8] =	ssyncset.done $0x0  }
0x1e4: {  	[sflag:s8] =	ssyncadd.s32 $0xFFFFF9C0  }
0x1e5: {  	_ =	swait.ge [sflag:s8], $0x640  }
0x1e6: {  	[sflag:s8] =	ssyncset.done $0x0  }
0x1e7: {  	[sflag:s8] =	ssyncadd.s32 $0xFFFFF9C0  }
0x1e8: {  	_ =	swait.ge [sflag:s8], $0x640  }
0x1e9: {  	[sflag:s8] =	ssyncset.done $0x0  }
0x1ea: {  	[sflag:s8] =	ssyncadd.s32 $0xFFFFF9C0  }
0x1eb: {  	_ =	swait.ge [sflag:s8], $0x640  }
0x1ec: {  	[sflag:s8] =	ssyncset.done $0x0  }
0x1ed: {  	[sflag:s8] =	ssyncadd.s32 $0xFFFFF9C0  }
0x1ee: {  	_ =	swait.ge [sflag:s8], $0x640  }
0x1ef: {  	[sflag:s8] =	ssyncset.done $0x0  }
0x1f0: {  	[sflag:s8] =	ssyncadd.s32 $0xFFFFF9C0  }
0x1f1: {  	_ =	swait.ge [sflag:s8], $0x640  }
0x1f2: {  	[sflag:s8] =	ssyncset.done $0x0  }
0x1f3: {  	[sflag:s8] =	ssyncadd.s32 $0xFFFFF9C0  }
0x1f4: {  	_ =	swait.ge [sflag:s8], $0x640  }
0x1f5: {  	[sflag:s8] =	ssyncset.done $0x0  }
0x1f6: {  	[sflag:s8] =	ssyncadd.s32 $0xFFFFF9C0  }
0x1f7: {  	_ =	swait.ge [sflag:s8], $0x640  }
0x1f8: {  	[sflag:s8] =	ssyncset.done $0x0  }
0x1f9: {  	[sflag:s8] =	ssyncadd.s32 $0xFFFFF9C0  }
0x1fa: {  	_ =	swait.ge [sflag:s8], $0x640  }
0x1fb: {  	[sflag:s8] =	ssyncset.done $0x0  }
0x1fc: {  	[sflag:s8] =	ssyncadd.s32 $0xFFFFF9C0  }
0x1fd: {  	_ =	swait.ge [sflag:s8], $0x640  }
0x1fe: {  	[sflag:s8] =	ssyncset.done $0x0  }
0x1ff: {  	[sflag:s8] =	ssyncadd.s32 $0xFFFFF9C0  }
0x200: {  	_ =	swait.ge [sflag:s8], $0x640  }
0x201: {  	[sflag:s8] =	ssyncset.done $0x0  }
0x202: {  	[sflag:s8] =	ssyncadd.s32 $0xFFFFF9C0  }
0x203: {  	_ =	swait.ge [sflag:s8], $0x640  }
0x204: {  	[sflag:s8] =	ssyncset.done $0x0  }
0x205: {  	[sflag:s8] =	ssyncadd.s32 $0xFFFFF9C0  }
0x206: {  	_ =	swait.ge [sflag:s8], $0x640  }
0x207: {  	[sflag:s8] =	ssyncset.done $0x0  }
0x208: {  	[sflag:s8] =	ssyncadd.s32 $0xFFFFF9C0  }
0x209: {  	_ =	swait.ge [sflag:s8], $0x640  }
0x20a: {  	[sflag:s8] =	ssyncset.done $0x0  }
0x20b: {  	[sflag:s8] =	ssyncadd.s32 $0xFFFFF9C0  }
0x20c: {  	_ =	swait.ge [sflag:s8], $0x640  }
0x20d: {  	[sflag:s8] =	ssyncset.done $0x0  }
0x20e: {  	[sflag:s8] =	ssyncadd.s32 $0xFFFFF9C0  }
0x20f: {  	_ =	swait.ge [sflag:s8], $0x640  }
0x210: {  	[sflag:s8] =	ssyncset.done $0x0  }
0x211: {  	[sflag:s8] =	ssyncadd.s32 $0xFFFFF9C0  }
0x212: {  	_ =	swait.ge [sflag:s8], $0x640  }
0x213: {  	[sflag:s8] =	ssyncset.done $0x0  }
0x214: {  	[sflag:s8] =	ssyncadd.s32 $0xFFFFF9C0  }
0x215: {  	_ =	swait.ge [sflag:s8], $0x640  }
0x216: {  	[sflag:s8] =	ssyncset.done $0x0  }
0x217: {  	[sflag:s8] =	ssyncadd.s32 $0xFFFFF9C0  }
0x218: {  	_ =	swait.ge [sflag:s8], $0x640  }
0x219: {  	[sflag:s8] =	ssyncset.done $0x0  }
0x21a: {  	[sflag:s8] =	ssyncadd.s32 $0xFFFFF9C0  }
0x21b: {  	_ =	swait.ge [sflag:s8], $0x640  }
0x21c: {  	[sflag:s8] =	ssyncset.done $0x0  }
0x21d: {  	[sflag:s8] =	ssyncadd.s32 $0xFFFFF9C0  }
0x21e: {  	_ =	swait.ge [sflag:s8], $0x640  }
0x21f: {  	[sflag:s8] =	ssyncset.done $0x0  }
0x220: {  	[sflag:s8] =	ssyncadd.s32 $0xFFFFF9C0  }
0x221: {  	_ =	swait.ge [sflag:s8], $0x640  }
0x222: {  	[sflag:s8] =	ssyncset.done $0x0  }
0x223: {  	[sflag:s8] =	ssyncadd.s32 $0xFFFFF9C0  }
0x224: {  	_ =	swait.ge [sflag:s8], $0x640  }
0x225: {  	[sflag:s8] =	ssyncset.done $0x0  }
0x226: {  	[sflag:s8] =	ssyncadd.s32 $0xFFFFF9C0  }
0x227: {  	_ =	swait.ge [sflag:s8], $0x640  }
0x228: {  	[sflag:s8] =	ssyncset.done $0x0  }
0x229: {  	[sflag:s8] =	ssyncadd.s32 $0xFFFFF9C0  }
0x22a: {  	_ =	swait.ge [sflag:s8], $0x640  }
0x22b: {  	[sflag:s8] =	ssyncset.done $0x0  }
0x22c: {  	[sflag:s8] =	ssyncadd.s32 $0xFFFFF9C0  }
0x22d: {  	_ =	swait.ge [sflag:s8], $0x640  }
0x22e: {  	[sflag:s8] =	ssyncset.done $0x0  }
0x22f: {  	[sflag:s8] =	ssyncadd.s32 $0xFFFFF9C0  }
0x230: {  	_ =	swait.ge [sflag:s8], $0x640  }
0x231: {  	p2 =	seq.s32 s13, $0x1;
	p6 =	por p4, p4;
	[sflag:s8] =	ssyncset.done $0x0  }
0x232: {  	s0 =	sadd.s32 s5, s12;
	p0 =	por p2, p6;
	[sflag:s8] =	ssyncadd.s32 $0xFFFFF9C0  }
0x233: {  	s0 =	smul.u32 @p0 $0xC800, s0;
	_ =	strace $0x9000004B  }
0x234: {  	_ =	strace @p0 $0x8000004C  }
0x235: {  	s0 =	sshrl.u32 @p0 s0, $0x3;
	s12 =	rddreg [dreg:$0x4]  }
0x236: {  	s13 =	simm.s32 @p0 $0x0;
	s15 =	sor.u32 @p0 $0x4, s15;
	s0 =	sadd.s32 @p0 s12, s0  }
0x237: {  	[hbm4b:s0+s13] =	stream.linear.scatter @p0 [tilespmem:s16], [sflag:s15], $0xC800, $0x200038;
	[tilespmem:$0x19E00] =	vst v63  }
0x238: {  	s0 =	sand.u32 @!p1 $0x1, s14;
	p1 =	por p1, p1;
	_ =	strace @p0 $0x9000004C  }
0x239: {  	s0 =	sor.u32 @!p1 $0x4, s0;
	_ =	strace @!p1 $0x8000004D  }
0x23a: {  	_ =	swait.ge @!p1 [sflag:s0], $0xC800  }
0x23b: {  	[sflag:s0] =	ssyncset.done @!p1 $0x0  }
0x23c: {  	s11 =	sadd.s32 $0x1, s11;
	[sflag:s0] =	ssyncadd.s32 @!p1 $0xFFFF3800  }
0x23d: {  	p0 =	sne.s32 s11, s7;
	_ =	strace @!p1 $0x9000004D  }
.Ltmp1:
0x23e: {  	_ =	strace $0x8000004E;
	(pc) =	sbr.rel @p0 .LBB2_1-.Ltmp1, $4  }
0x23f: {  	_ =	swait.ge [sflag:s10], $0xC800  }
0x240: {  	[sflag:s10] =	ssyncset.done $0x0  }
0x241: {  	[sflag:s10] =	ssyncadd.s32 $0xFFFF3800  }
0x242: {  	_ =	strace $0x9000004E  }
0x243: {  	_ =	sfence.sel $0x180000  }
0x244: {  	[bflag:$0x0] =	sbarrier.arrive $0xFFFF  }
0x245: {  	_ =	strace $0x90000047  }
0x246: {  	[bflag:$0x2] =	sbarrier.arrive $0xFFFF  }
0x247: {  	p0 =	sne.s32 s1, $0x0;
	s0 =	rddreg [dreg:$0x2]  }
0x248: {  	s0 =	sadd.s32 @!p0 $0x100000, s0  }
0x249: {  	[sflag:s0] =	ssyncadd.tile.s32 @!p0 $0x1;
	_ =	shalt  }
.Lfunc_end2:
_tile_overlayer_lowered:
.L_overlay_start_2:
0x24a: {  	(tag) =	ssettag $0x2  }
0x24b: {  	s0 =	rddreg [dreg:$0x0];
	s2 =	stileid.u32  }
0x24c: {  	s1 =	rddreg [dreg:$0x1];
	p0 =	sne.s32 s2, $0x0  }
0x24d: {  	s3 =	rddreg [dreg:$0x2];
	[bflag:$0x3] =	sbarrier.arrive $0xFFFF;
	s2 =	simm.s32 @!p0 $0x1C02  }
0x24e: {  	[timem:s3], [sflag:s2] =	dma.local @!p0 [hbm:s0], s1  }
0x24f: {  	s0 =	simm.s32 @!p0 $0x2  }
0x250: {  	_ =	swait.ge @!p0 [sflag:s0], s1  }
0x251: {  	s1 =	ssub.s32 @!p0 $0x0, s1;
	[sflag:s0] =	ssyncset.done @!p0 $0x0  }
0x252: {  	[sflag:s0] =	ssyncadd.s32 @!p0 s1  }
0x253: {  	[bflag:$0x3] =	sbarrier.arrive $0xFFFF  }
0x254: {  	_ =	shalt  }

// kernel: sparse-core-data-format-call.cloned.1.call-start
scs
called_computation_lowered:
.L_overlay_start_0:
0x0: {  	s2 =	sld [smem:$0x3FD9]  }
0x1: {  	s3 =	sld [smem:$0x3FFE];
	_ =	sdelay $0x1  }
0x2: {  	s1 =	srdreg.scid  }
0x3: {  	s0 =	sand.u32 $0x1, s1  }
0x4: {  	s18 =	sshll.u32 s0, $0xA;
	s2 =	sadd.s32 s3, s2  }
0x5: {  	s2 =	sadd.s32 s2, s18  }
0x6: {  	[smem:$0x3FC6] =	sst s2  }
0x7: {  	_ = 	snop  }
0x8: {  	s2 =	sld [smem:$0x3FD0];
	(tm) =	ssettm $0x1  }
0x9: {  	s19 =	sld [smem:$0x3FFB];
	_ =	sdelay $0x3  }
0xa: {  	_ =	strace s19  }
0xb: {  	s3 =	sld [smem:$0x3FFC];
	_ =	sdelay $0x3  }
0xc: {  	_ =	strace s3  }
0xd: {  	s3 =	sld [smem:$0x3FFD];
	_ =	sdelay $0x3  }
0xe: {  	_ =	strace s3  }
0xf: {  	_ =	strace $0x8FFFFFFF  }
0x10: {  	s20 =	sld [smem:$0x3FDB];
	_ =	sdelay $0x1  }
0x11: {  	s4 =	simm.s32 $_scs_section_size  }
0x12: {  	s5 =	simm.s32 $_size__tile_overlayer_lowered;
	s6 =	simm.s32 $_tile_overlayer_lowered  }
0x13: {  	s23 =	simm.s32 $0x1BFF;
	s22 =	sshll.u32 s6, $0x1;
	s3 =	sadd.s32 s4, s20  }
0x14: {  	s7 =	simm.s32 $0x0;
	s21 =	sshll.u32 s5, $0x1;
	s5 =	sadd.s32 s22, s3  }
0x15: {  	[timem:s7], [sflag:s23] =	dma.local [hbm:s5], s21  }
0x16: {  	_ =	swait.ge [sflag:s23], s21  }
0x17: {  	s4 =	ssub.s32 $0x0, s21;
	[sflag:s23] =	ssyncset.done $0x0  }
0x18: {  	[sflag:s23] =	ssyncadd.s32 s4;
	_ =	sdelay $0x1  }
0x19: {  	s24 =	simm.s32 $0x1B8B  }
0x1a: {  	_ =	swait.ge [sflag:s24], $0x1  }
0x1b: {  	[sflag:s24] =	ssyncset.done $0x0  }
0x1c: {  	s26 =	simm.s32 $0x1B8E;
	s25 =	sld [smem:$0x3FFE];
	[sflag:s24] =	ssyncadd.s32 $0xFFFFFFFF  }
0x1d: {  	s27 =	simm.s32 $execute0_lowered;
	[smem:$0x3FD2] =	sst s26  }
0x1e: {  	s5 =	sshll.u32 s27, $0x1;
	_ =	strace $0x80000050;
	[dreg:$0x1] =	wrdreg $0xFFFFFFFF  }
0x1f: {  	s28 =	simm.s32 $_size_execute0_lowered;
	s3 =	sadd.s32 s3, s5;
	[dreg:$0x0] =	wrdreg $0x0  }
0x20: {  	s5 =	sshll.u32 s28, $0x1;
	[dreg:$0x2] =	wrdreg s3  }
0x21: {  	[dreg:$0x3] =	wrdreg s5  }
0x22: {  	[dreg:$0x4] =	wrdreg $0xC0  }
0x23: {  	_ =	task [dreg:s7], $0x5FFFF  }
0x24: {  	[dreg:$0x1] =	wrdreg $0xFFFFFFFF  }
0x25: {  	[dreg:$0x0] =	wrdreg $0x60  }
0x26: {  	[dreg:$0x2] =	wrdreg s25  }
0x27: {  	[dreg:$0x3] =	wrdreg s2  }
0x28: {  	[dreg:$0x4] =	wrdreg $0x9  }
0x29: {  	_ =	task.clear_ibuf [dreg:s7], $0x5FFFF;
	_ =	strace $0x90000050  }
0x2a: {  	s29 =	simm.s32 $0x9;
	_ =	strace $0x80000052  }
0x2b: {  	_ =	swait.ge [sflag:s29], $0x1  }
0x2c: {  	[sflag:s29] =	ssyncadd.s32 $0xFFFFFFFF  }
0x2d: {  	_ =	strace $0x90000052  }
0x2e: {  	_ =	sfence  }
0x2f: {  	s30 =	sld [smem:$0x0];
	_ =	sdelay $0x2  }
0x30: {  	s31 =	sshll.u32 s1, $0xD;
	s1 =	sshrl.u32 s1, $0x2  }
0x31: {  	s3 =	sand.u32 $0x4000, s31;
	s1 =	sadd.s32 s1, s30  }
0x32: {  	s0 =	sor.u32 s3, s0;
	s1 =	sshll.u32 s1, $0x11  }
0x33: {  	s0 =	sor.u32 s1, s0  }
0x34: {  	s0 =	sadd.s32 $0x8F2B, s0  }
0x35: {  	[sflag:s0] =	ssyncadd.remote.s32 $0x1  }
0x36: {  	_ =	sfence.sel $0xFFFF  }
0x37: {  	[dreg:$0x0] =	wrdreg $0xFFFFFFFF;
	(pc) =	sbr.abs _section_cstart, $3  }
0x38: {  	[dreg:$0x1] =	wrdreg $0xFFFFFFFF  }
0x39: {  	_ =	task.clear_ibuf [dreg:s7], $0x2FFFF;
	_ =	strace $0x9FFFFFFF  }
0x3a: {  	(tm) =	ssettm $0x7FFFFFFF  }
0x3b: {  	_ =	shalt  }
tec
execute0_lowered:
.L_overlay_start_1:
0x0: {  	(tag) =	ssettag $0x1  }
0x1: {  	s0 =	srdreg.scid  }
0x2: {  	s1 =	sshll.u32 s0, $0x4  }
0x3: {  	s0 =	stileid.u32;
	s1 =	sand.u32 $0x10, s1  }
0x4: {  	s1 =	sor.u32 s0, s1  }
0x5: {  	s6 =	rddreg [dreg:$0x0];
	s4 =	simm.s32 $0x1;
	s2 =	sshll.u32 s1, $0x7  }
0x6: {  	s7 =	simm.s32 $0x2;
	s12 =	simm.s32 $0x0;
	s1 =	ssub.s32 $0x4000, s2  }
0x7: {  	s8 =	simm.s32 $0x20000;
	s13 =	simm.s32 $0x0;
	s3 =	sand.u32 $0xF80, s1  }
0x8: {  	s9 =	simm.s32 $0x0;
	s5 =	sshrl.u32 s1, $0xC;
	p0 =	sne.s32 s3, $0x0  }
.Ltmp0:
0x9: {  	s1 =	rddreg [dreg:$0x2];
	s4 =	simm.s32 @!p0 $0x0;
	(pc) =	sbr.rel .LBB1_1-.Ltmp0, $4  }
0xa: {  	s11 =	simm.s32 $0x0;
	s3 =	rddreg [dreg:$0x1];
	s5 =	sadd.s32 s4, s5  }
0xb: {  	_ =	strace $0x80000051;
	s4 =	simm.s32 $0x1;
	s5 =	smul.u32 $0x32, s5  }
0xc: {  	s6 =	sadd.s32 $0xA00, s6;
	s10 =	smov.u32 s2;
	[sflag:s4] =	ssyncpa.u1 $0x0  }
0xd: {  	p0 =	por $0x0, $0x0;
	[sflag:s7] =	ssyncpa.u1 $0x0;
	s7 =	sor.u32 $0x1, s5  }
.LBB1_4:
0xe: {  	s16 =	sshll.u32 s13, $0x3;
	s17 =	sand.u32 $0x78, s13  }
0xf: {  	s30 =	sand.u32 $0xF800, s13;
	s12 =	sshll.u32 s12, $0x10;
	s16 =	sand.u32 $0x3C00, s16  }
0x10: {  	s31 =	sand.u32 $0x7, s13;
	s16 =	sor.u32 s17, s16;
	s17 =	sadd.s32 s3, s30  }
0x11: {  	s13 =	sshll.u32 s31, $0x12;
	s16 =	sshrl.u32 s16, $0x3;
	s12 =	sadd.s32 s12, s17  }
0x12: {  	[tilespmem:s15+$0x0 ss:$0x81] =	vst.msk $0xffff, v0;
	s13 =	sor.u32 $0x400, s13;
	s12 =	sadd.s32 s16, s12  }
0x13: {  	[hbm4b:s12+s13] =	stream.strided.scatter [tilespmem:s14], [sflag:$0x2], $0x1000, s8, s13, $0x20;
	[tilespmem:$0x4040] =	vst v63  }
.LBB1_5:
0x14: {  	s14 =	sadd.s32 $0x1, s9  }
0x15: {  	s12 =	sadd.s32 $0x1000, s10;
	s16 =	smov.u32 s10;
	p2 =	sgt.s32 s14, $0x31  }
0x16: {  	s16 =	smov.u32 @p2 s12  }
0x17: {  	s14 =	simm.s32 @p2 $0x0;
	p2 =	sgt.s32 s16, $0x3FFF  }
0x18: {  	s16 =	smov.u32 @p2 s2;
	p2 =	sne.s32 s11, s7  }
.Ltmp1:
0x19: {  	p1 =	slt.u32 s11, $0x2;
	(pc) =	sbr.rel @!p2 .LBB1_6-.Ltmp1, $4  }
0x1a: {  	s15 =	simm.s32 @!p1 $0x2  }
0x1b: {  	s13 =	smov.u32 s10;
	p0 =	por !p0, !p0;
	_ =	swait.ge @!p1 [sflag:s15], $0x1000  }
0x1c: {  	s12 =	smov.u32 s9;
	[sflag:s15] =	ssyncset.done @!p1 $0x0;
	s9 =	smov.u32 s14  }
0x1d: {  	s11 =	sadd.s32 $0x1, s11;
	[sflag:s15] =	ssyncadd.s32 @!p1 $0xFFFFF000;
	s10 =	smov.u32 s16  }
.LBB1_1:
0x1e: {  	p1 =	sge.u32 s11, s5  }
0x1f: {  	s14 =	sand.u32 @!p1 $0x1FFFFFF, s9  }
0x20: {  	s15 =	smulhi.u32 @!p1 $0x4924925, s14;
	_ =	sdelay $0x1  }
0x21: {  	s15 =	smul.u32 @!p1 $0x38, s15  }
0x22: {  	s16 =	sxor.u32 @!p1 $0xFFFFFFFF, s11;
	s17 =	smul.u32 @!p1 $0x380, s10  }
0x23: {  	s31 =	sadd.s32 $0xFFFFFFFF, s11;
	s16 =	sshll.u32 @!p1 s16, $0xC;
	s14 =	ssub.s32 @!p1 s14, s15  }
0x24: {  	s15 =	sand.u32 @!p1 $0x1000, s16;
	s16 =	sadd.s32 @!p1 s6, s17;
	s14 =	sshll.u32 @!p1 s14, $0x4  }
0x25: {  	s17 =	simm.s32 @!p1 $0x1C00;
	s14 =	sadd.s32 @!p1 s14, s16;
	s16 =	simm.s32 @!p1 $0x20  }
0x26: {  	[tilespmem:s15], [sflag:$0x1] =	stream.strided.gather @!p1 [hbm4b:s14+s16], $0x1000, s17, s16, $0x38;
	[tilespmem:$0x4040] =	vst v63  }
0x27: {  	p1 =	sge.u32 s31, s5  }
.Ltmp2:
0x28: {  	_ = 	snop;
	(pc) =	sbr.rel @p1 .LBB1_5-.Ltmp2, $1  }
0x29: {  	_ =	sdelay $0x3  }
0x2a: {  	s14 =	simm.s32 $0x1  }
0x2b: {  	_ =	swait.ge [sflag:s4], $0x1000;
	s14 =	simm.s32 @!p0 $0x0  }
0x2c: {  	[sflag:s4] =	ssyncset.done $0x0;
	s15 =	sshll.u32 s14, $0xC  }
0x2d: {  	[sflag:s4] =	ssyncadd.s32 $0xFFFFF000;
	s18 =	sor.u32 $0x10, s15  }
0x2e: {  	s14 =	smul.u32 $0x4080, s14;
	v1 =	vld [tilespmem:s18+$0x0]  }
0x2f: {  	s30 =	sand.u32 $0x1, s11;
	v0 =	vld [tilespmem:s18+$0xFFFFFFF0]  }
0x30: {  	s15 =	smul.u32 $0x4080, s30;
	s14 =	sshrl.u32 s14, $0x2  }
0x31: {  	s16 =	sor.u32 $0x2000, s14  }
0x32: {  	s31 =	sshrl.u32 s15, $0x2;
	s15 =	sadd.s32 $0x0, s16  }
0x33: {  	s17 =	simm.s32 $0x4;
	s18 =	sadd.s32 $0x20, s18;
	s14 =	sor.u32 $0x2000, s31;
	[tilespmem:s15+$0x810 ss:$0x81] =	vst.msk $0xffff, v1  }
.LBB1_3:
0x34: {  	v1 =	vld [tilespmem:s18+$0x0];
	p1 =	sne.s32 s17, $0x1FC;
	[tilespmem:s15+$0x0 ss:$0x81] =	vst.msk $0xffff, v0;
	s15 =	smov.u32 s17;
	s17 =	sadd.s32 $0x4, s17  }
.Ltmp3:
0x35: {  	v0 =	vld [tilespmem:s18+$0xFFFFFFF0];
	(pc) =	sbr.rel @p1 .LBB1_3-.Ltmp3, $4  }
0x36: {  	_ = 	snop  }
0x37: {  	s15 =	sshra.s32 s15, $0x2  }
0x38: {  	s15 =	sadd.s32 s15, s16  }
0x39: {  	s18 =	sadd.s32 $0x20, s18;
	[tilespmem:s15+$0x810 ss:$0x81] =	vst.msk $0xffff, v1  }
.Ltmp4:
0x3a: {  	_ = 	snop;
	(pc) =	sbr.rel .LBB1_4-.Ltmp4, $1  }
0x3b: {  	_ =	sdelay $0x3  }
.LBB1_6:
0x3c: {  	_ =	sfence.sel $0x180000  }
0x3d: {  	s2 =	simm.s32 $0x1;
	[bflag:$0x0] =	sbarrier.arrive $0xFFFF  }
0x3e: {  	s31 =	simm.s32 $0x2;
	[sflag:s2] =	ssyncpa.u1 $0x1  }
0x3f: {  	[sflag:s31] =	ssyncpa.u1 $0x1  }
0x40: {  	p0 =	sne.s32 s0, $0x0;
	_ =	strace $0x90000051  }
0x41: {  	s0 =	sadd.s32 @!p0 $0x100000, s1;
	[bflag:$0x2] =	sbarrier.arrive $0xFFFF  }
0x42: {  	[sflag:s0] =	ssyncadd.tile.s32 @!p0 $0x1;
	_ =	shalt  }
.Lfunc_end1:
_tile_overlayer_lowered:
.L_overlay_start_2:
0x43: {  	(tag) =	ssettag $0x2  }
0x44: {  	s0 =	rddreg [dreg:$0x0];
	s2 =	stileid.u32  }
0x45: {  	s1 =	rddreg [dreg:$0x1];
	p0 =	sne.s32 s2, $0x0  }
0x46: {  	s3 =	rddreg [dreg:$0x2];
	[bflag:$0x3] =	sbarrier.arrive $0xFFFF;
	s2 =	simm.s32 @!p0 $0x1C01  }
0x47: {  	[timem:s3], [sflag:s2] =	dma.local @!p0 [hbm:s0], s1  }
0x48: {  	s0 =	simm.s32 @!p0 $0x1  }
0x49: {  	_ =	swait.ge @!p0 [sflag:s0], s1  }
0x4a: {  	s1 =	ssub.s32 @!p0 $0x0, s1;
	[sflag:s0] =	ssyncset.done @!p0 $0x0  }
0x4b: {  	[sflag:s0] =	ssyncadd.s32 @!p0 s1  }
0x4c: {  	[bflag:$0x3] =	sbarrier.arrive $0xFFFF  }
0x4d: {  	_ =	shalt  }

</sc_bundles>
